<compile_context>
chip_gen: v7x
topology: tpu7x:2x2x1
jax: 0.10.2.dev20260603
libtpu: 0.0.44.dev20260713+nightly
codegen_flags: <defaults>
</compile_context>

<pallas_src>
import functools

import jax
import jax.numpy as jnp
from jax import lax
from jax.experimental import pallas as pl
from jax.experimental.pallas import tpu as pltpu
from jax.experimental.pallas import tpu_sc as plsc

F32 = jnp.float32
I32 = jnp.int32
NSC = 2
NSUB = 16
NW = NSC * NSUB
CH = 1024


def _zchunk(stripe, cap):
  return next(d for d in range(cap, 0, -1) if stripe % d == 0 and d % 16 == 0)


def _mesh():
  return plsc.VectorSubcoreMesh(core_axis_name="c", subcore_axis_name="s")


def _ids():
  c = lax.axis_index("c")
  s = lax.axis_index("s")
  return c, s, c * NSUB + s




@functools.cache
def _make_sc_head(NP, EP):
  TPE = EP // NW
  TPEF = EP // NSUB
  NSTR = TPE // CH
  NSTRF = TPEF // CH
  STRIPE = NP // NSUB
  ZCH = _zchunk(STRIPE, 448)

  def body(x_hbm, src_hbm, dst_hbm, dinv_hbm, xp_hbm, acc_hbm, sidx_v,
           didx_v, val_v, zbuf_v, deg_stripe, x_stripe, deg_sh, xp_sh,
           acc_sh):
    c, s, w = _ids()

    @pl.loop(0, ZCH // 16)
    def _(i):
      zbuf_v[pl.ds(i * 16, 16)] = jnp.zeros((16,), F32)

    @pl.loop(0, STRIPE // ZCH)
    def _(i):
      pltpu.sync_copy(zbuf_v, deg_sh.at[pl.ds(s * STRIPE + i * ZCH, ZCH)])
      pltpu.sync_copy(zbuf_v, acc_sh.at[pl.ds(s * STRIPE + i * ZCH, ZCH)])

    @pl.loop(0, CH // 16)
    def _(i):
      val_v[pl.ds(i * 16, 16)] = jnp.ones((16,), F32)

    plsc.subcore_barrier()

    @pl.loop(0, NSTRF)
    def _(j):
      pltpu.sync_copy(dst_hbm.at[pl.ds(s * TPEF + j * CH, CH)], didx_v)
      pltpu.sync_copy(val_v, deg_sh.at[didx_v], add=True)

    plsc.subcore_barrier()

    r0 = s * STRIPE
    pltpu.sync_copy(deg_sh.at[pl.ds(r0, STRIPE)], deg_stripe)
    pltpu.sync_copy(x_hbm.at[pl.ds(r0, STRIPE)], x_stripe)

    @pl.loop(0, STRIPE // 16)
    def _(r):
      d = deg_stripe[pl.ds(r * 16, 16)] + 1.0
      u = 0.25 * d + 1.0
      for _ in range(12):
        u = 0.5 * (u + d / u)
      y = 1.0 / u
      deg_stripe[pl.ds(r * 16, 16)] = y
      x_stripe[pl.ds(r * 16, 16)] = x_stripe[pl.ds(r * 16, 16)] * y

    pltpu.sync_copy(x_stripe, xp_sh.at[pl.ds(r0, STRIPE)])

    @pl.when(c == 0)
    def _():
      pltpu.sync_copy(deg_stripe, dinv_hbm.at[pl.ds(r0, STRIPE)])
      pltpu.sync_copy(x_stripe, xp_hbm.at[pl.ds(r0, STRIPE)])

    plsc.subcore_barrier()

    @pl.loop(0, NSTR)
    def _(j):
      base = w * TPE + j * CH
      pltpu.sync_copy(src_hbm.at[pl.ds(base, CH)], sidx_v)
      pltpu.sync_copy(xp_sh.at[sidx_v], val_v)
      pltpu.sync_copy(dst_hbm.at[pl.ds(base, CH)], didx_v)
      pltpu.sync_copy(val_v, acc_sh.at[didx_v], add=True)

    plsc.subcore_barrier()
    pltpu.sync_copy(
        acc_sh.at[pl.ds(s * STRIPE, STRIPE)],
        acc_hbm.at[c, pl.ds(s * STRIPE, STRIPE)],
    )

  return pl.kernel(
      body,
      out_type=(
          jax.ShapeDtypeStruct((NP,), F32),
          jax.ShapeDtypeStruct((NP,), F32),
          jax.ShapeDtypeStruct((NSC, NP), F32),
      ),
      mesh=_mesh(),
      compiler_params=pltpu.CompilerParams(use_tc_tiling_on_sc=False),
      scratch_types=[
          pltpu.VMEM((CH,), I32),
          pltpu.VMEM((CH,), I32),
          pltpu.VMEM((CH,), F32),
          pltpu.VMEM((ZCH,), F32),
          pltpu.VMEM((NP // NSUB,), F32),
          pltpu.VMEM((NP // NSUB,), F32),
          pltpu.VMEM_SHARED((NP,), F32),
          pltpu.VMEM_SHARED((NP,), F32),
          pltpu.VMEM_SHARED((NP,), F32),
      ],
  )


@functools.cache
def _make_sc_edge(NP, EP, HH):
  CHE = 1024
  TPE = EP // NW
  NSTR = TPE // CHE
  STRIPE = NP // NSUB
  ZR = _zchunk(STRIPE, 448)

  def body(hp0_hbm, hp1_hbm, src_hbm, dst_hbm, out_hbm, sidx_v, didx_v,
           rows_v, zbuf_v, acc_sh, sem):
    c, s, w = _ids()

    @pl.loop(0, ZR)
    def _(r):
      zbuf_v[r] = jnp.zeros((HH,), F32)

    for f in range(2):
      hp_hbm = hp0_hbm if f == 0 else hp1_hbm

      @pl.loop(0, STRIPE // ZR)
      def _(i):
        pltpu.sync_copy(zbuf_v, acc_sh.at[pl.ds(s * STRIPE + i * ZR, ZR)])

      plsc.subcore_barrier()

      @pl.loop(0, NSTR)
      def _(j):
        base = w * TPE + j * CHE
        pltpu.sync_copy(src_hbm.at[pl.ds(base, CHE)], sidx_v)
        pltpu.async_copy(hp_hbm.at[sidx_v], rows_v, sem).wait()
        pltpu.sync_copy(dst_hbm.at[pl.ds(base, CHE)], didx_v)
        pltpu.sync_copy(rows_v, acc_sh.at[didx_v], add=True)

      plsc.subcore_barrier()
      pltpu.sync_copy(
          acc_sh.at[pl.ds(s * STRIPE, STRIPE)],
          out_hbm.at[c, f, pl.ds(s * STRIPE, STRIPE)],
      )
      plsc.subcore_barrier()

  return pl.kernel(
      body,
      out_type=jax.ShapeDtypeStruct((NSC, 2, NP, HH), F32),
      mesh=_mesh(),
      compiler_params=pltpu.CompilerParams(use_tc_tiling_on_sc=False),
      scratch_types=[
          pltpu.VMEM((CHE,), I32),
          pltpu.VMEM((CHE,), I32),
          pltpu.VMEM((CHE, HH), F32),
          pltpu.VMEM((ZR, HH), F32),
          pltpu.VMEM_SHARED((NP, HH), F32),
          pltpu.SemaphoreType.DMA,
      ],
  )



BN = 2048


def _node_spec(shape_tail):
  return pl.BlockSpec((BN,) + shape_tail, lambda i: (i,) + (0,) * len(shape_tail))


def _pair_spec(shape_tail):
  return pl.BlockSpec((NSC, BN) + shape_tail,
                      lambda i: (0, i) + (0,) * len(shape_tail))


def _full_spec(shape):
  return pl.BlockSpec(shape, lambda i: (0,) * len(shape))


def _acc_spec():
  return pl.BlockSpec((NSC, 2, BN, 16), lambda i: (0, 0, i, 0))


def _acc_sum(a_ref):
  return jnp.concatenate(
      [a_ref[0, 0] + a_ref[1, 0], a_ref[0, 1] + a_ref[1, 1]], axis=1)


def _tc_mid1(acc1p, xp, dinv, W1, b1, W2, NP):

  def body(a_ref, xp_ref, dinv_ref, W1_ref, b1_ref, W2_ref, out_ref):
    dinv = dinv_ref[...]
    u = dinv * (a_ref[0] + a_ref[1] + xp_ref[...])
    h1 = jax.nn.relu(u * W1_ref[...] + b1_ref[...])
    hp2 = jnp.dot(h1, W2_ref[...], preferred_element_type=F32) * dinv
    out_ref[0] = hp2[:, :16]
    out_ref[1] = hp2[:, 16:]

  return pl.pallas_call(
      body,
      grid=(NP // BN,),
      in_specs=[
          _pair_spec((1,)), _node_spec((1,)), _node_spec((1,)),
          _full_spec((1, 32)), _full_spec((1, 32)), _full_spec((32, 32)),
      ],
      out_specs=_pair_spec((16,)),
      out_shape=jax.ShapeDtypeStruct((2, NP, 16), F32),
  )(acc1p, xp, dinv, W1, b1, W2)


def _tc_mid2(accp, hph, dinv, b, W_next, NP):

  def body(a_ref, hp_ref, dinv_ref, b_ref, W_ref, out_ref):
    dinv = dinv_ref[...]
    hp = jnp.concatenate([hp_ref[0], hp_ref[1]], axis=1)
    xn = jax.nn.relu(dinv * (_acc_sum(a_ref) + hp) + b_ref[...])
    hpn = jnp.dot(xn, W_ref[...], preferred_element_type=F32) * dinv
    out_ref[0] = hpn[:, :16]
    out_ref[1] = hpn[:, 16:]

  return pl.pallas_call(
      body,
      grid=(NP // BN,),
      in_specs=[
          _acc_spec(), _pair_spec((16,)), _node_spec((1,)),
          _full_spec((1, 32)), _full_spec((32, 32)),
      ],
      out_specs=_pair_spec((16,)),
      out_shape=jax.ShapeDtypeStruct((2, NP, 16), F32),
  )(accp, hph, dinv, b, W_next)


def _tc_final(accp, hph, dinv, b3, Wt1, bt1, Wt2, bt2, batch, Wg1, bg1, Wg2,
              bg2, NP, G):
  ngrid = NP // BN

  def body(a_ref, hp_ref, dinv_ref, b3_ref, Wt1_ref, bt1_ref, Wt2_ref,
           bt2_ref, batch_ref, Wg1_ref, bg1_ref, Wg2_ref, bg2_ref,
           theta_ref, bg_ref, sums_scr, cnts_scr):
    i = pl.program_id(0)
    dinv = dinv_ref[...]
    hp = jnp.concatenate([hp_ref[0], hp_ref[1]], axis=1)
    h3 = jax.nn.relu(dinv * (_acc_sum(a_ref) + hp) + b3_ref[...])

    t1 = jax.nn.relu(
        jnp.dot(h3, Wt1_ref[...], preferred_element_type=F32) + bt1_ref[...])
    t2 = jnp.dot(t1, Wt2_ref[...], preferred_element_type=F32) + bt2_ref[...]
    theta_ref[...] = jnp.pi * jax.nn.sigmoid(t2)

    @pl.when(i == 0)
    def _():
      sums_scr[...] = jnp.zeros((G, 32), F32)
      cnts_scr[...] = jnp.zeros((G, 1), F32)

    gids = jax.lax.broadcasted_iota(I32, (1, G), 1)
    mask = (batch_ref[...] == gids).astype(F32)
    dn = (((0,), (0,)), ((), ()))
    sums_scr[...] += jax.lax.dot_general(
        mask, h3, dn, preferred_element_type=F32)
    cnts_scr[...] += jax.lax.dot_general(
        mask, jnp.ones((BN, 1), F32), dn, preferred_element_type=F32)

    @pl.when(i == ngrid - 1)
    def _():
      emb = sums_scr[...] / jnp.maximum(cnts_scr[...], 1.0)
      g1 = jax.nn.relu(
          jnp.dot(emb, Wg1_ref[...], preferred_element_type=F32)
          + bg1_ref[...])
      g2 = jnp.dot(g1, Wg2_ref[...], preferred_element_type=F32) + bg2_ref[...]
      bg_ref[...] = 2.0 * jnp.pi * jax.nn.sigmoid(g2)

  return pl.pallas_call(
      body,
      grid=(ngrid,),
      in_specs=[
          _acc_spec(), _pair_spec((16,)), _node_spec((1,)),
          _full_spec((1, 32)), _full_spec((32, 32)), _full_spec((1, 32)),
          _full_spec((32, 1)), _full_spec((1, 1)), _node_spec((1,)),
          _full_spec((32, 32)), _full_spec((1, 32)), _full_spec((32, 2)),
          _full_spec((1, 2)),
      ],
      out_specs=[_node_spec((1,)), _full_spec((G, 2))],
      out_shape=[
          jax.ShapeDtypeStruct((NP, 1), F32),
          jax.ShapeDtypeStruct((G, 2), F32),
      ],
      scratch_shapes=[pltpu.VMEM((G, 32), F32), pltpu.VMEM((G, 1), F32)],
  )(accp, hph, dinv, b3, Wt1, bt1, Wt2, bt2, batch, Wg1, bg1, Wg2, bg2)




def kernel(x, edge_index, batch, W1, b1, W2, b2, W3, b3, Wt1, bt1, Wt2, bt2,
           Wg1, bg1, Wg2, bg2):
  N = x.shape[0]
  E = edge_index.shape[1]
  G = 64

  NP = -(-N // BN) * BN
  EP = -(-E // (NW * CH)) * (NW * CH)

  src = jnp.concatenate([edge_index[0], jnp.zeros((EP - E,), I32)])
  dst = jnp.concatenate(
      [edge_index[1], jnp.full((EP - E,), N, I32)])
  x_p = jnp.pad(x, ((0, NP - N), (0, 0)))
  batch_p = jnp.pad(batch, (0, NP - N), constant_values=G)[:, None]

  b1r, b2r, b3r = b1[None, :], b2[None, :], b3[None, :]
  bt1r, bt2r = bt1[None, :], bt2[None, :]
  bg1r, bg2r = bg1[None, :], bg2[None, :]

  dinv, xp, acc1p = _make_sc_head(NP, EP)(x_p[:, 0], src, dst)
  dinv = dinv[:, None]
  hph2 = _tc_mid1(acc1p[:, :, None], xp[:, None], dinv, W1, b1r, W2, NP)

  acc2p = _make_sc_edge(NP, EP, 16)(hph2[0], hph2[1], src, dst)
  hph3 = _tc_mid2(acc2p, hph2, dinv, b2r, W3, NP)

  acc3p = _make_sc_edge(NP, EP, 16)(hph3[0], hph3[1], src, dst)
  theta_p, beta_gamma = _tc_final(acc3p, hph3, dinv, b3r, Wt1, bt1r, Wt2,
                                  bt2r, batch_p, Wg1, bg1r, Wg2, bg2r, NP, G)

  return (theta_p[:N, 0], beta_gamma)

# --- scband reference (transcript-rebuilt; emitter-appended) ---
"""Pipeline reference for scband-qaoainitialiser-gnn-41875931136205 (READ-ONLY COPY).

The authoritative reference and input builder live on the scoring server;
editing this copy changes nothing except your own understanding.
"""

import jax, jax.numpy as jnp
import numpy as np

N = 100000
E = 1600000
G = 64
IN_DIM = 1
H = 32


def _gcn_conv(x, src, dst, W, b):
    # GCN with self-loops already appended to (src, dst); symmetric normalization
    n = x.shape[0]
    deg = jnp.zeros((n,), x.dtype).at[dst].add(1.0)
    dinv = jnp.where(deg > 0, 1.0 / jnp.sqrt(deg), 0.0)
    norm = dinv[src] * dinv[dst]
    h = x @ W
    msg = jnp.take(h, src, axis=0) * norm[:, None]
    out = jnp.zeros((n, W.shape[1]), x.dtype).at[dst].add(msg)
    return out + b


def setup_inputs(seed: int = 0) -> dict:
    key = jax.random.key(seed)
    ks = jax.random.split(key, 20)
    x = jax.random.normal(ks[0], (N, IN_DIM), dtype=jnp.float32)
    edge_index = jax.random.randint(ks[1], (2, E), 0, N, dtype=jnp.int32)
    batch = jnp.sort(jax.random.randint(ks[2], (N,), 0, G, dtype=jnp.int32))

    def lin(k, fan_in, fan_out):
        s = 1.0 / np.sqrt(fan_in)
        return jax.random.uniform(k, (fan_in, fan_out), jnp.float32, -s, s)

    return {
        "x": x,
        "edge_index": edge_index,
        "batch": batch,
        "W1": lin(ks[3], IN_DIM, H), "b1": jnp.zeros((H,), jnp.float32),
        "W2": lin(ks[4], H, H), "b2": jnp.zeros((H,), jnp.float32),
        "W3": lin(ks[5], H, H), "b3": jnp.zeros((H,), jnp.float32),
        "Wt1": lin(ks[6], H, 32), "bt1": jnp.zeros((32,), jnp.float32),
        "Wt2": lin(ks[7], 32, 1), "bt2": jnp.zeros((1,), jnp.float32),
        "Wg1": lin(ks[8], H, 32), "bg1": jnp.zeros((32,), jnp.float32),
        "Wg2": lin(ks[9], 32, 2), "bg2": jnp.zeros((2,), jnp.float32),
    }


def reference(x, edge_index, batch, W1, b1, W2, b2, W3, b3, Wt1, bt1, Wt2, bt2, Wg1, bg1, Wg2, bg2):
    n = x.shape[0]
    loop = jnp.arange(n, dtype=edge_index.dtype)
    src = jnp.concatenate([edge_index[0], loop])
    dst = jnp.concatenate([edge_index[1], loop])

    h = jax.nn.relu(_gcn_conv(x, src, dst, W1, b1))
    h = jax.nn.relu(_gcn_conv(h, src, dst, W2, b2))
    h = jax.nn.relu(_gcn_conv(h, src, dst, W3, b3))

    theta = jnp.pi * jax.nn.sigmoid(jax.nn.relu(h @ Wt1 + bt1) @ Wt2 + bt2).squeeze(-1)

    counts = jnp.zeros((G,), h.dtype).at[batch].add(1.0)
    sums = jnp.zeros((G, h.shape[1]), h.dtype).at[batch].add(h)
    emb = sums / jnp.maximum(counts, 1.0)[:, None]

    beta_gamma = 2.0 * jnp.pi * jax.nn.sigmoid(jax.nn.relu(emb @ Wg1 + bg1) @ Wg2 + bg2)
    return (theta, beta_gamma)

if __name__ == "__main__":
    import jax
    _d = setup_inputs()
    print(jax.jit(kernel)(*tuple(_d.values())))

</pallas_src>

<mosaic_0001>
#map = affine_map<(d0, d1) -> (0, 0)>
#map1 = affine_map<(d0, d1) -> (0)>
#map2 = affine_map<(d0, d1) -> (0, 0, 0, 0)>
module attributes {stable_mosaic.version = 14 : i64} {
  func.func @body(%arg0: i32, %arg1: i32, %arg2: memref<100352x16xf32, #tpu.memory_space<hbm>>, %arg3: memref<100352x16xf32, #tpu.memory_space<hbm>>, %arg4: memref<1605632xi32, #tpu.memory_space<hbm>>, %arg5: memref<1605632xi32, #tpu.memory_space<hbm>>, %arg6: memref<2x2x100352x16xf32, #tpu.memory_space<hbm>>, %arg7: memref<1024xi32, #tpu.memory_space<vmem>>, %arg8: memref<1024xi32, #tpu.memory_space<vmem>>, %arg9: memref<1024x16xf32, #tpu.memory_space<vmem>>, %arg10: memref<448x16xf32, #tpu.memory_space<vmem>>, %arg11: memref<100352x16xf32, #tpu.memory_space<vmem_shared>>, %arg12: memref<!tpu.dma_semaphore, #tpu.memory_space<semaphore_mem>>) attributes {dimension_semantics = [#tpu.dimension_semantics<core_parallel>, #tpu.dimension_semantics<subcore_parallel>], iteration_bounds = array<i64: 2, 16>, scalar_prefetch = 0 : i64, scratch_operands = 6 : i64, tpu.core_type = #tpu.core_type<sc_vector_subcore>, window_params = [{transform_indices = #map}, {transform_indices = #map}, {transform_indices = #map1}, {transform_indices = #map1}, {transform_indices = #map2}]} {
    %mul3A = arith.constant 16 : i32
    %mul3A_0 = arith.muli %arg0, %mul3A : i32
    %add3A = arith.addi %mul3A_0, %arg1 : i32
    %scan3A = arith.constant 0 : i32
    %scan3A_1 = arith.constant 448 : i32
    %scan3A_2 = arith.addi %scan3A, %scan3A_1 : i32
    %scan3A_3 = arith.constant 1 : i32
    scf.for %scan3A_39 = %scan3A to %scan3A_2 step %scan3A_3  : i32 {
      %mul3A_40 = arith.constant 1 : i32
      %mul3A_41 = arith.muli %scan3A_39, %mul3A_40 : i32
      %add3A_42 = arith.constant 0 : i32
      %add3A_43 = arith.addi %add3A_42, %mul3A_41 : i32
      %broadcast_in_dim3A = arith.constant 0.000000e+00 : f32
      %broadcast_in_dim3A_44 = vector.broadcast %broadcast_in_dim3A : f32 to vector<16xf32>
      %swap3A = arith.index_cast %add3A_43 : i32 to index
      %swap3A_45 = arith.constant 0 : index
      %swap3A_46 = tpu.vector_load %arg10[%swap3A, %swap3A_45] {strides = array<i32>} : memref<448x16xf32, #tpu.memory_space<vmem>>, vector<1x16xf32>,
      %swap3A_47 = vector.shape_cast %swap3A_46 : vector<1x16xf32> to vector<16xf32>
      %swap3A_48 = vector.shape_cast %broadcast_in_dim3A_44 : vector<16xf32> to vector<1x16xf32>
      tpu.vector_store %arg10[%swap3A, %swap3A_45], %swap3A_48 {strides = array<i32>} : memref<448x16xf32, #tpu.memory_space<vmem>>, vector<1x16xf32>,
    }
    %scan3A_4 = arith.constant 448 : i32
    %scan3A_5 = arith.constant 0 : i32
    %scan3A_6 = arith.constant 14 : i32
    %scan3A_7 = arith.addi %scan3A_5, %scan3A_6 : i32
    %scan3A_8 = arith.constant 1 : i32
    scf.for %scan3A_39 = %scan3A_5 to %scan3A_7 step %scan3A_8  : i32 {
      %mul3A_40 = arith.constant 1 : i32
      %mul3A_41 = arith.muli %scan3A_39, %mul3A_40 : i32
      %add3A_42 = arith.constant 0 : i32
      %add3A_43 = arith.addi %add3A_42, %mul3A_41 : i32
      %mul3A_44 = arith.constant 6272 : i32
      %mul3A_45 = arith.muli %arg1, %mul3A_44 : i32
      %mul3A_46 = arith.constant 448 : i32
      %mul3A_47 = arith.muli %add3A_43, %mul3A_46 : i32
      %add3A_48 = arith.addi %mul3A_45, %mul3A_47 : i32
      "tpu.region"() ({
        %run_scoped3A_49 = tpu.sem_alloc : memref<!tpu.dma_semaphore, #tpu.memory_space<semaphore_mem>>
        %dma_start3A = arith.constant 0 : i32
        %dma_start3A_50 = tpu.memref_slice %arg11[%add3A_48, %dma_start3A] : memref<100352x16xf32, #tpu.memory_space<vmem_shared>> -> memref<448x16xf32, #tpu.memory_space<vmem_shared>>
        %dma_start3A_51 = arith.constant 0 : i32
        %dma_start3A_52 = tpu.memref_slice %arg11[%add3A_48, %dma_start3A_51] : memref<100352x16xf32, #tpu.memory_space<vmem_shared>> -> memref<448x16xf32, #tpu.memory_space<vmem_shared>>
        tpu.enqueue_dma source(%arg10 : memref<448x16xf32, #tpu.memory_space<vmem>>) target(%dma_start3A_52 : memref<448x16xf32, #tpu.memory_space<vmem_shared>>) target_semaphore(%run_scoped3A_49 : memref<!tpu.dma_semaphore, #tpu.memory_space<semaphore_mem>>)
        %dma_wait3A = arith.constant 0 : i32
        %dma_wait3A_53 = tpu.memref_slice %arg11[%add3A_48, %dma_wait3A] : memref<100352x16xf32, #tpu.memory_space<vmem_shared>> -> memref<448x16xf32, #tpu.memory_space<vmem_shared>>
        %dma_wait3A_54 = arith.constant 0 : i32
        %dma_wait3A_55 = tpu.memref_slice %arg11[%add3A_48, %dma_wait3A_54] : memref<100352x16xf32, #tpu.memory_space<vmem_shared>> -> memref<448x16xf32, #tpu.memory_space<vmem_shared>>
        tpu.wait_dma2 semaphore(%run_scoped3A_49 : memref<!tpu.dma_semaphore, #tpu.memory_space<semaphore_mem>>) src(%arg10 : memref<448x16xf32, #tpu.memory_space<vmem>>) dst(%dma_wait3A_55 : memref<448x16xf32, #tpu.memory_space<vmem_shared>>)
        tpu.yield
      }) : () -> ()
    }
    %scan3A_9 = arith.constant 14 : i32
    %barrier3A = arith.constant 0 : index
    tpu.barrier barrier_id(%barrier3A)
    %scan3A_10 = arith.constant 0 : i32
    %scan3A_11 = arith.constant 49 : i32
    %scan3A_12 = arith.addi %scan3A_10, %scan3A_11 : i32
    %scan3A_13 = arith.constant 1 : i32
    scf.for %scan3A_39 = %scan3A_10 to %scan3A_12 step %scan3A_13  : i32 {
      %mul3A_40 = arith.constant 1 : i32
      %mul3A_41 = arith.muli %scan3A_39, %mul3A_40 : i32
      %add3A_42 = arith.constant 0 : i32
      %add3A_43 = arith.addi %add3A_42, %mul3A_41 : i32
      %mul3A_44 = arith.constant 50176 : i32
      %mul3A_45 = arith.muli %add3A, %mul3A_44 : i32
      %mul3A_46 = arith.constant 1024 : i32
      %mul3A_47 = arith.muli %add3A_43, %mul3A_46 : i32
      %add3A_48 = arith.addi %mul3A_45, %mul3A_47 : i32
      "tpu.region"() ({
        %run_scoped3A_53 = tpu.sem_alloc : memref<!tpu.dma_semaphore, #tpu.memory_space<semaphore_mem>>
        %dma_start3A_54 = tpu.memref_slice %arg4[%add3A_48] : memref<1605632xi32, #tpu.memory_space<hbm>> -> memref<1024xi32, #tpu.memory_space<hbm>>
        %dma_start3A_55 = tpu.memref_slice %arg4[%add3A_48] : memref<1605632xi32, #tpu.memory_space<hbm>> -> memref<1024xi32, #tpu.memory_space<hbm>>
        tpu.enqueue_dma source(%dma_start3A_55 : memref<1024xi32, #tpu.memory_space<hbm>>) target(%arg7 : memref<1024xi32, #tpu.memory_space<vmem>>) target_semaphore(%run_scoped3A_53 : memref<!tpu.dma_semaphore, #tpu.memory_space<semaphore_mem>>)
        %dma_wait3A_56 = tpu.memref_slice %arg4[%add3A_48] : memref<1605632xi32, #tpu.memory_space<hbm>> -> memref<1024xi32, #tpu.memory_space<hbm>>
        %dma_wait3A_57 = tpu.memref_slice %arg4[%add3A_48] : memref<1605632xi32, #tpu.memory_space<hbm>> -> memref<1024xi32, #tpu.memory_space<hbm>>
        tpu.wait_dma2 semaphore(%run_scoped3A_53 : memref<!tpu.dma_semaphore, #tpu.memory_space<semaphore_mem>>) src(%dma_wait3A_57 : memref<1024xi32, #tpu.memory_space<hbm>>) dst(%arg7 : memref<1024xi32, #tpu.memory_space<vmem>>)
        tpu.yield
      }) : () -> ()
      %dma_start3A = arith.constant 0 : i32
      %dma_start3A_49 = arith.constant 0 : i32
      %dma_start3A_50 = tpu.memref_slice %arg2[%dma_start3A, %dma_start3A_49] : memref<100352x16xf32, #tpu.memory_space<hbm>> -> memref<100352x16xf32, #tpu.memory_space<hbm>>
      tpu.enqueue_indirect_dma source(%dma_start3A_50 : memref<100352x16xf32, #tpu.memory_space<hbm>>) target(%arg9 : memref<1024x16xf32, #tpu.memory_space<vmem>>) offsets(%arg7 : memref<1024xi32, #tpu.memory_space<vmem>>) semaphore(%arg12 : memref<!tpu.dma_semaphore, #tpu.memory_space<semaphore_mem>>)
      %dma_wait3A = arith.constant 0 : i32
      %dma_wait3A_51 = arith.constant 0 : i32
      %dma_wait3A_52 = tpu.memref_slice %arg2[%dma_wait3A, %dma_wait3A_51] : memref<100352x16xf32, #tpu.memory_space<hbm>> -> memref<100352x16xf32, #tpu.memory_space<hbm>>
      tpu.wait_indirect_dma semaphore(%arg12 : memref<!tpu.dma_semaphore, #tpu.memory_space<semaphore_mem>>) src(%dma_wait3A_52 : memref<100352x16xf32, #tpu.memory_space<hbm>>) dst(%arg9 : memref<1024x16xf32, #tpu.memory_space<vmem>>)
      "tpu.region"() ({
        %run_scoped3A_53 = tpu.sem_alloc : memref<!tpu.dma_semaphore, #tpu.memory_space<semaphore_mem>>
        %dma_start3A_54 = tpu.memref_slice %arg5[%add3A_48] : memref<1605632xi32, #tpu.memory_space<hbm>> -> memref<1024xi32, #tpu.memory_space<hbm>>
        %dma_start3A_55 = tpu.memref_slice %arg5[%add3A_48] : memref<1605632xi32, #tpu.memory_space<hbm>> -> memref<1024xi32, #tpu.memory_space<hbm>>
        tpu.enqueue_dma source(%dma_start3A_55 : memref<1024xi32, #tpu.memory_space<hbm>>) target(%arg8 : memref<1024xi32, #tpu.memory_space<vmem>>) target_semaphore(%run_scoped3A_53 : memref<!tpu.dma_semaphore, #tpu.memory_space<semaphore_mem>>)
        %dma_wait3A_56 = tpu.memref_slice %arg5[%add3A_48] : memref<1605632xi32, #tpu.memory_space<hbm>> -> memref<1024xi32, #tpu.memory_space<hbm>>
        %dma_wait3A_57 = tpu.memref_slice %arg5[%add3A_48] : memref<1605632xi32, #tpu.memory_space<hbm>> -> memref<1024xi32, #tpu.memory_space<hbm>>
        tpu.wait_dma2 semaphore(%run_scoped3A_53 : memref<!tpu.dma_semaphore, #tpu.memory_space<semaphore_mem>>) src(%dma_wait3A_57 : memref<1024xi32, #tpu.memory_space<hbm>>) dst(%arg8 : memref<1024xi32, #tpu.memory_space<vmem>>)
        tpu.yield
      }) : () -> ()
      "tpu.region"() ({
        %run_scoped3A_53 = tpu.sem_alloc : memref<!tpu.dma_semaphore, #tpu.memory_space<semaphore_mem>>
        %dma_start3A_54 = arith.constant 0 : i32
        %dma_start3A_55 = arith.constant 0 : i32
        %dma_start3A_56 = tpu.memref_slice %arg11[%dma_start3A_54, %dma_start3A_55] : memref<100352x16xf32, #tpu.memory_space<vmem_shared>> -> memref<100352x16xf32, #tpu.memory_space<vmem_shared>>
        tpu.enqueue_indirect_dma source(%arg9 : memref<1024x16xf32, #tpu.memory_space<vmem>>) target(%dma_start3A_56 : memref<100352x16xf32, #tpu.memory_space<vmem_shared>>) offsets(%arg8 : memref<1024xi32, #tpu.memory_space<vmem>>) semaphore(%run_scoped3A_53 : memref<!tpu.dma_semaphore, #tpu.memory_space<semaphore_mem>>) {add = true}
        %dma_wait3A_57 = arith.constant 0 : i32
        %dma_wait3A_58 = arith.constant 0 : i32
        %dma_wait3A_59 = tpu.memref_slice %arg11[%dma_wait3A_57, %dma_wait3A_58] : memref<100352x16xf32, #tpu.memory_space<vmem_shared>> -> memref<100352x16xf32, #tpu.memory_space<vmem_shared>>
        tpu.wait_indirect_dma semaphore(%run_scoped3A_53 : memref<!tpu.dma_semaphore, #tpu.memory_space<semaphore_mem>>) src(%arg9 : memref<1024x16xf32, #tpu.memory_space<vmem>>) dst(%dma_wait3A_59 : memref<100352x16xf32, #tpu.memory_space<vmem_shared>>)
        tpu.yield
      }) : () -> ()
    }
    %scan3A_14 = arith.constant 49 : i32
    %barrier3A_15 = arith.constant 0 : index
    tpu.barrier barrier_id(%barrier3A_15)
    %mul3A_16 = arith.constant 6272 : i32
    %mul3A_17 = arith.muli %arg1, %mul3A_16 : i32
    %mul3A_18 = arith.constant 6272 : i32
    %mul3A_19 = arith.muli %arg1, %mul3A_18 : i32
    %run_scoped3A = arith.constant 0 : i32
    "tpu.region"() ({
      %run_scoped3A_39 = tpu.sem_alloc : memref<!tpu.dma_semaphore, #tpu.memory_space<semaphore_mem>>
      %dma_start3A = arith.constant 0 : i32
      %dma_start3A_40 = tpu.memref_slice %arg6[%arg0, %run_scoped3A, %mul3A_19, %dma_start3A] : memref<2x2x100352x16xf32, #tpu.memory_space<hbm>> -> memref<1x1x6272x16xf32, #tpu.memory_space<hbm>>
      %dma_start3A_41 = tpu.memref_squeeze %dma_start3A_40 : memref<1x1x6272x16xf32, #tpu.memory_space<hbm>> -> memref<6272x16xf32, #tpu.memory_space<hbm>>
      %dma_start3A_42 = arith.constant 0 : i32
      %dma_start3A_43 = tpu.memref_slice %arg11[%mul3A_17, %dma_start3A_42] : memref<100352x16xf32, #tpu.memory_space<vmem_shared>> -> memref<6272x16xf32, #tpu.memory_space<vmem_shared>>
      tpu.enqueue_dma source(%dma_start3A_43 : memref<6272x16xf32, #tpu.memory_space<vmem_shared>>) target(%dma_start3A_41 : memref<6272x16xf32, #tpu.memory_space<hbm>>) target_semaphore(%run_scoped3A_39 : memref<!tpu.dma_semaphore, #tpu.memory_space<semaphore_mem>>)
      %dma_wait3A = arith.constant 0 : i32
      %dma_wait3A_44 = tpu.memref_slice %arg6[%arg0, %run_scoped3A, %mul3A_19, %dma_wait3A] : memref<2x2x100352x16xf32, #tpu.memory_space<hbm>> -> memref<1x1x6272x16xf32, #tpu.memory_space<hbm>>
      %dma_wait3A_45 = tpu.memref_squeeze %dma_wait3A_44 : memref<1x1x6272x16xf32, #tpu.memory_space<hbm>> -> memref<6272x16xf32, #tpu.memory_space<hbm>>
      %dma_wait3A_46 = arith.constant 0 : i32
      %dma_wait3A_47 = tpu.memref_slice %arg11[%mul3A_17, %dma_wait3A_46] : memref<100352x16xf32, #tpu.memory_space<vmem_shared>> -> memref<6272x16xf32, #tpu.memory_space<vmem_shared>>
      tpu.wait_dma2 semaphore(%run_scoped3A_39 : memref<!tpu.dma_semaphore, #tpu.memory_space<semaphore_mem>>) src(%dma_wait3A_47 : memref<6272x16xf32, #tpu.memory_space<vmem_shared>>) dst(%dma_wait3A_45 : memref<6272x16xf32, #tpu.memory_space<hbm>>)
      tpu.yield
    }) : () -> ()
    %barrier3A_20 = arith.constant 0 : index
    tpu.barrier barrier_id(%barrier3A_20)
    %scan3A_21 = arith.constant 0 : i32
    %scan3A_22 = arith.constant 14 : i32
    %scan3A_23 = arith.addi %scan3A_21, %scan3A_22 : i32
    %scan3A_24 = arith.constant 1 : i32
    scf.for %scan3A_39 = %scan3A_21 to %scan3A_23 step %scan3A_24  : i32 {
      %mul3A_40 = arith.constant 1 : i32
      %mul3A_41 = arith.muli %scan3A_39, %mul3A_40 : i32
      %add3A_42 = arith.constant 0 : i32
      %add3A_43 = arith.addi %add3A_42, %mul3A_41 : i32
      %mul3A_44 = arith.constant 6272 : i32
      %mul3A_45 = arith.muli %arg1, %mul3A_44 : i32
      %mul3A_46 = arith.constant 448 : i32
      %mul3A_47 = arith.muli %add3A_43, %mul3A_46 : i32
      %add3A_48 = arith.addi %mul3A_45, %mul3A_47 : i32
      "tpu.region"() ({
        %run_scoped3A_49 = tpu.sem_alloc : memref<!tpu.dma_semaphore, #tpu.memory_space<semaphore_mem>>
        %dma_start3A = arith.constant 0 : i32
        %dma_start3A_50 = tpu.memref_slice %arg11[%add3A_48, %dma_start3A] : memref<100352x16xf32, #tpu.memory_space<vmem_shared>> -> memref<448x16xf32, #tpu.memory_space<vmem_shared>>
        %dma_start3A_51 = arith.constant 0 : i32
        %dma_start3A_52 = tpu.memref_slice %arg11[%add3A_48, %dma_start3A_51] : memref<100352x16xf32, #tpu.memory_space<vmem_shared>> -> memref<448x16xf32, #tpu.memory_space<vmem_shared>>
        tpu.enqueue_dma source(%arg10 : memref<448x16xf32, #tpu.memory_space<vmem>>) target(%dma_start3A_52 : memref<448x16xf32, #tpu.memory_space<vmem_shared>>) target_semaphore(%run_scoped3A_49 : memref<!tpu.dma_semaphore, #tpu.memory_space<semaphore_mem>>)
        %dma_wait3A = arith.constant 0 : i32
        %dma_wait3A_53 = tpu.memref_slice %arg11[%add3A_48, %dma_wait3A] : memref<100352x16xf32, #tpu.memory_space<vmem_shared>> -> memref<448x16xf32, #tpu.memory_space<vmem_shared>>
        %dma_wait3A_54 = arith.constant 0 : i32
        %dma_wait3A_55 = tpu.memref_slice %arg11[%add3A_48, %dma_wait3A_54] : memref<100352x16xf32, #tpu.memory_space<vmem_shared>> -> memref<448x16xf32, #tpu.memory_space<vmem_shared>>
        tpu.wait_dma2 semaphore(%run_scoped3A_49 : memref<!tpu.dma_semaphore, #tpu.memory_space<semaphore_mem>>) src(%arg10 : memref<448x16xf32, #tpu.memory_space<vmem>>) dst(%dma_wait3A_55 : memref<448x16xf32, #tpu.memory_space<vmem_shared>>)
        tpu.yield
      }) : () -> ()
    }
    %scan3A_25 = arith.constant 14 : i32
    %barrier3A_26 = arith.constant 0 : index
    tpu.barrier barrier_id(%barrier3A_26)
    %scan3A_27 = arith.constant 0 : i32
    %scan3A_28 = arith.constant 49 : i32
    %scan3A_29 = arith.addi %scan3A_27, %scan3A_28 : i32
    %scan3A_30 = arith.constant 1 : i32
    scf.for %scan3A_39 = %scan3A_27 to %scan3A_29 step %scan3A_30  : i32 {
      %mul3A_40 = arith.constant 1 : i32
      %mul3A_41 = arith.muli %scan3A_39, %mul3A_40 : i32
      %add3A_42 = arith.constant 0 : i32
      %add3A_43 = arith.addi %add3A_42, %mul3A_41 : i32
      %mul3A_44 = arith.constant 50176 : i32
      %mul3A_45 = arith.muli %add3A, %mul3A_44 : i32
      %mul3A_46 = arith.constant 1024 : i32
      %mul3A_47 = arith.muli %add3A_43, %mul3A_46 : i32
      %add3A_48 = arith.addi %mul3A_45, %mul3A_47 : i32
      "tpu.region"() ({
        %run_scoped3A_53 = tpu.sem_alloc : memref<!tpu.dma_semaphore, #tpu.memory_space<semaphore_mem>>
        %dma_start3A_54 = tpu.memref_slice %arg4[%add3A_48] : memref<1605632xi32, #tpu.memory_space<hbm>> -> memref<1024xi32, #tpu.memory_space<hbm>>
        %dma_start3A_55 = tpu.memref_slice %arg4[%add3A_48] : memref<1605632xi32, #tpu.memory_space<hbm>> -> memref<1024xi32, #tpu.memory_space<hbm>>
        tpu.enqueue_dma source(%dma_start3A_55 : memref<1024xi32, #tpu.memory_space<hbm>>) target(%arg7 : memref<1024xi32, #tpu.memory_space<vmem>>) target_semaphore(%run_scoped3A_53 : memref<!tpu.dma_semaphore, #tpu.memory_space<semaphore_mem>>)
        %dma_wait3A_56 = tpu.memref_slice %arg4[%add3A_48] : memref<1605632xi32, #tpu.memory_space<hbm>> -> memref<1024xi32, #tpu.memory_space<hbm>>
        %dma_wait3A_57 = tpu.memref_slice %arg4[%add3A_48] : memref<1605632xi32, #tpu.memory_space<hbm>> -> memref<1024xi32, #tpu.memory_space<hbm>>
        tpu.wait_dma2 semaphore(%run_scoped3A_53 : memref<!tpu.dma_semaphore, #tpu.memory_space<semaphore_mem>>) src(%dma_wait3A_57 : memref<1024xi32, #tpu.memory_space<hbm>>) dst(%arg7 : memref<1024xi32, #tpu.memory_space<vmem>>)
        tpu.yield
      }) : () -> ()
      %dma_start3A = arith.constant 0 : i32
      %dma_start3A_49 = arith.constant 0 : i32
      %dma_start3A_50 = tpu.memref_slice %arg3[%dma_start3A, %dma_start3A_49] : memref<100352x16xf32, #tpu.memory_space<hbm>> -> memref<100352x16xf32, #tpu.memory_space<hbm>>
      tpu.enqueue_indirect_dma source(%dma_start3A_50 : memref<100352x16xf32, #tpu.memory_space<hbm>>) target(%arg9 : memref<1024x16xf32, #tpu.memory_space<vmem>>) offsets(%arg7 : memref<1024xi32, #tpu.memory_space<vmem>>) semaphore(%arg12 : memref<!tpu.dma_semaphore, #tpu.memory_space<semaphore_mem>>)
      %dma_wait3A = arith.constant 0 : i32
      %dma_wait3A_51 = arith.constant 0 : i32
      %dma_wait3A_52 = tpu.memref_slice %arg3[%dma_wait3A, %dma_wait3A_51] : memref<100352x16xf32, #tpu.memory_space<hbm>> -> memref<100352x16xf32, #tpu.memory_space<hbm>>
      tpu.wait_indirect_dma semaphore(%arg12 : memref<!tpu.dma_semaphore, #tpu.memory_space<semaphore_mem>>) src(%dma_wait3A_52 : memref<100352x16xf32, #tpu.memory_space<hbm>>) dst(%arg9 : memref<1024x16xf32, #tpu.memory_space<vmem>>)
      "tpu.region"() ({
        %run_scoped3A_53 = tpu.sem_alloc : memref<!tpu.dma_semaphore, #tpu.memory_space<semaphore_mem>>
        %dma_start3A_54 = tpu.memref_slice %arg5[%add3A_48] : memref<1605632xi32, #tpu.memory_space<hbm>> -> memref<1024xi32, #tpu.memory_space<hbm>>
        %dma_start3A_55 = tpu.memref_slice %arg5[%add3A_48] : memref<1605632xi32, #tpu.memory_space<hbm>> -> memref<1024xi32, #tpu.memory_space<hbm>>
        tpu.enqueue_dma source(%dma_start3A_55 : memref<1024xi32, #tpu.memory_space<hbm>>) target(%arg8 : memref<1024xi32, #tpu.memory_space<vmem>>) target_semaphore(%run_scoped3A_53 : memref<!tpu.dma_semaphore, #tpu.memory_space<semaphore_mem>>)
        %dma_wait3A_56 = tpu.memref_slice %arg5[%add3A_48] : memref<1605632xi32, #tpu.memory_space<hbm>> -> memref<1024xi32, #tpu.memory_space<hbm>>
        %dma_wait3A_57 = tpu.memref_slice %arg5[%add3A_48] : memref<1605632xi32, #tpu.memory_space<hbm>> -> memref<1024xi32, #tpu.memory_space<hbm>>
        tpu.wait_dma2 semaphore(%run_scoped3A_53 : memref<!tpu.dma_semaphore, #tpu.memory_space<semaphore_mem>>) src(%dma_wait3A_57 : memref<1024xi32, #tpu.memory_space<hbm>>) dst(%arg8 : memref<1024xi32, #tpu.memory_space<vmem>>)
        tpu.yield
      }) : () -> ()
      "tpu.region"() ({
        %run_scoped3A_53 = tpu.sem_alloc : memref<!tpu.dma_semaphore, #tpu.memory_space<semaphore_mem>>
        %dma_start3A_54 = arith.constant 0 : i32
        %dma_start3A_55 = arith.constant 0 : i32
        %dma_start3A_56 = tpu.memref_slice %arg11[%dma_start3A_54, %dma_start3A_55] : memref<100352x16xf32, #tpu.memory_space<vmem_shared>> -> memref<100352x16xf32, #tpu.memory_space<vmem_shared>>
        tpu.enqueue_indirect_dma source(%arg9 : memref<1024x16xf32, #tpu.memory_space<vmem>>) target(%dma_start3A_56 : memref<100352x16xf32, #tpu.memory_space<vmem_shared>>) offsets(%arg8 : memref<1024xi32, #tpu.memory_space<vmem>>) semaphore(%run_scoped3A_53 : memref<!tpu.dma_semaphore, #tpu.memory_space<semaphore_mem>>) {add = true}
        %dma_wait3A_57 = arith.constant 0 : i32
        %dma_wait3A_58 = arith.constant 0 : i32
        %dma_wait3A_59 = tpu.memref_slice %arg11[%dma_wait3A_57, %dma_wait3A_58] : memref<100352x16xf32, #tpu.memory_space<vmem_shared>> -> memref<100352x16xf32, #tpu.memory_space<vmem_shared>>
        tpu.wait_indirect_dma semaphore(%run_scoped3A_53 : memref<!tpu.dma_semaphore, #tpu.memory_space<semaphore_mem>>) src(%arg9 : memref<1024x16xf32, #tpu.memory_space<vmem>>) dst(%dma_wait3A_59 : memref<100352x16xf32, #tpu.memory_space<vmem_shared>>)
        tpu.yield
      }) : () -> ()
    }
    %scan3A_31 = arith.constant 49 : i32
    %barrier3A_32 = arith.constant 0 : index
    tpu.barrier barrier_id(%barrier3A_32)
    %mul3A_33 = arith.constant 6272 : i32
    %mul3A_34 = arith.muli %arg1, %mul3A_33 : i32
    %mul3A_35 = arith.constant 6272 : i32
    %mul3A_36 = arith.muli %arg1, %mul3A_35 : i32
    %run_scoped3A_37 = arith.constant 1 : i32
    "tpu.region"() ({
      %run_scoped3A_39 = tpu.sem_alloc : memref<!tpu.dma_semaphore, #tpu.memory_space<semaphore_mem>>
      %dma_start3A = arith.constant 0 : i32
      %dma_start3A_40 = tpu.memref_slice %arg6[%arg0, %run_scoped3A_37, %mul3A_36, %dma_start3A] : memref<2x2x100352x16xf32, #tpu.memory_space<hbm>> -> memref<1x1x6272x16xf32, #tpu.memory_space<hbm>>
      %dma_start3A_41 = tpu.memref_squeeze %dma_start3A_40 : memref<1x1x6272x16xf32, #tpu.memory_space<hbm>> -> memref<6272x16xf32, #tpu.memory_space<hbm>>
      %dma_start3A_42 = arith.constant 0 : i32
      %dma_start3A_43 = tpu.memref_slice %arg11[%mul3A_34, %dma_start3A_42] : memref<100352x16xf32, #tpu.memory_space<vmem_shared>> -> memref<6272x16xf32, #tpu.memory_space<vmem_shared>>
      tpu.enqueue_dma source(%dma_start3A_43 : memref<6272x16xf32, #tpu.memory_space<vmem_shared>>) target(%dma_start3A_41 : memref<6272x16xf32, #tpu.memory_space<hbm>>) target_semaphore(%run_scoped3A_39 : memref<!tpu.dma_semaphore, #tpu.memory_space<semaphore_mem>>)
      %dma_wait3A = arith.constant 0 : i32
      %dma_wait3A_44 = tpu.memref_slice %arg6[%arg0, %run_scoped3A_37, %mul3A_36, %dma_wait3A] : memref<2x2x100352x16xf32, #tpu.memory_space<hbm>> -> memref<1x1x6272x16xf32, #tpu.memory_space<hbm>>
      %dma_wait3A_45 = tpu.memref_squeeze %dma_wait3A_44 : memref<1x1x6272x16xf32, #tpu.memory_space<hbm>> -> memref<6272x16xf32, #tpu.memory_space<hbm>>
      %dma_wait3A_46 = arith.constant 0 : i32
      %dma_wait3A_47 = tpu.memref_slice %arg11[%mul3A_34, %dma_wait3A_46] : memref<100352x16xf32, #tpu.memory_space<vmem_shared>> -> memref<6272x16xf32, #tpu.memory_space<vmem_shared>>
      tpu.wait_dma2 semaphore(%run_scoped3A_39 : memref<!tpu.dma_semaphore, #tpu.memory_space<semaphore_mem>>) src(%dma_wait3A_47 : memref<6272x16xf32, #tpu.memory_space<vmem_shared>>) dst(%dma_wait3A_45 : memref<6272x16xf32, #tpu.memory_space<hbm>>)
      tpu.yield
    }) : () -> ()
    %barrier3A_38 = arith.constant 0 : index
    tpu.barrier barrier_id(%barrier3A_38)
    return
  }
}

#map = affine_map<(d0, d1) -> (0, 0)>
#map1 = affine_map<(d0, d1) -> (0)>
#map2 = affine_map<(d0, d1) -> (0, 0, 0, 0)>
module attributes {stable_mosaic.version = 14 : i64} {
  func.func @body(%arg0: i32, %arg1: i32, %arg2: memref<100352x16xf32, #tpu.memory_space<hbm>>, %arg3: memref<100352x16xf32, #tpu.memory_space<hbm>>, %arg4: memref<1605632xi32, #tpu.memory_space<hbm>>, %arg5: memref<1605632xi32, #tpu.memory_space<hbm>>, %arg6: memref<2x2x100352x16xf32, #tpu.memory_space<hbm>>, %arg7: memref<1024xi32, #tpu.memory_space<vmem>>, %arg8: memref<1024xi32, #tpu.memory_space<vmem>>, %arg9: memref<1024x16xf32, #tpu.memory_space<vmem>>, %arg10: memref<448x16xf32, #tpu.memory_space<vmem>>, %arg11: memref<100352x16xf32, #tpu.memory_space<vmem_shared>>, %arg12: memref<!tpu.dma_semaphore, #tpu.memory_space<semaphore_mem>>) attributes {dimension_semantics = [#tpu.dimension_semantics<core_parallel>, #tpu.dimension_semantics<subcore_parallel>], iteration_bounds = array<i64: 2, 16>, scalar_prefetch = 0 : i64, scratch_operands = 6 : i64, tpu.core_type = #tpu.core_type<sc_vector_subcore>, window_params = [{transform_indices = #map}, {transform_indices = #map}, {transform_indices = #map1}, {transform_indices = #map1}, {transform_indices = #map2}]} {
    %mul3A = arith.constant 16 : i32
    %mul3A_0 = arith.muli %arg0, %mul3A : i32
    %add3A = arith.addi %mul3A_0, %arg1 : i32
    %scan3A = arith.constant 0 : i32
    %scan3A_1 = arith.constant 448 : i32
    %scan3A_2 = arith.addi %scan3A, %scan3A_1 : i32
    %scan3A_3 = arith.constant 1 : i32
    scf.for %scan3A_39 = %scan3A to %scan3A_2 step %scan3A_3  : i32 {
      %mul3A_40 = arith.constant 1 : i32
      %mul3A_41 = arith.muli %scan3A_39, %mul3A_40 : i32
      %add3A_42 = arith.constant 0 : i32
      %add3A_43 = arith.addi %add3A_42, %mul3A_41 : i32
      %broadcast_in_dim3A = arith.constant 0.000000e+00 : f32
      %broadcast_in_dim3A_44 = vector.broadcast %broadcast_in_dim3A : f32 to vector<16xf32>
      %swap3A = arith.index_cast %add3A_43 : i32 to index
      %swap3A_45 = arith.constant 0 : index
      %swap3A_46 = tpu.vector_load %arg10[%swap3A, %swap3A_45] {strides = array<i32>} : memref<448x16xf32, #tpu.memory_space<vmem>>, vector<1x16xf32>,
      %swap3A_47 = vector.shape_cast %swap3A_46 : vector<1x16xf32> to vector<16xf32>
      %swap3A_48 = vector.shape_cast %broadcast_in_dim3A_44 : vector<16xf32> to vector<1x16xf32>
      tpu.vector_store %arg10[%swap3A, %swap3A_45], %swap3A_48 {strides = array<i32>} : memref<448x16xf32, #tpu.memory_space<vmem>>, vector<1x16xf32>,
    }
    %scan3A_4 = arith.constant 448 : i32
    %scan3A_5 = arith.constant 0 : i32
    %scan3A_6 = arith.constant 14 : i32
    %scan3A_7 = arith.addi %scan3A_5, %scan3A_6 : i32
    %scan3A_8 = arith.constant 1 : i32
    scf.for %scan3A_39 = %scan3A_5 to %scan3A_7 step %scan3A_8  : i32 {
      %mul3A_40 = arith.constant 1 : i32
      %mul3A_41 = arith.muli %scan3A_39, %mul3A_40 : i32
      %add3A_42 = arith.constant 0 : i32
      %add3A_43 = arith.addi %add3A_42, %mul3A_41 : i32
      %mul3A_44 = arith.constant 6272 : i32
      %mul3A_45 = arith.muli %arg1, %mul3A_44 : i32
      %mul3A_46 = arith.constant 448 : i32
      %mul3A_47 = arith.muli %add3A_43, %mul3A_46 : i32
      %add3A_48 = arith.addi %mul3A_45, %mul3A_47 : i32
      "tpu.region"() ({
        %run_scoped3A_49 = tpu.sem_alloc : memref<!tpu.dma_semaphore, #tpu.memory_space<semaphore_mem>>
        %dma_start3A = arith.constant 0 : i32
        %dma_start3A_50 = tpu.memref_slice %arg11[%add3A_48, %dma_start3A] : memref<100352x16xf32, #tpu.memory_space<vmem_shared>> -> memref<448x16xf32, #tpu.memory_space<vmem_shared>>
        %dma_start3A_51 = arith.constant 0 : i32
        %dma_start3A_52 = tpu.memref_slice %arg11[%add3A_48, %dma_start3A_51] : memref<100352x16xf32, #tpu.memory_space<vmem_shared>> -> memref<448x16xf32, #tpu.memory_space<vmem_shared>>
        tpu.enqueue_dma source(%arg10 : memref<448x16xf32, #tpu.memory_space<vmem>>) target(%dma_start3A_52 : memref<448x16xf32, #tpu.memory_space<vmem_shared>>) target_semaphore(%run_scoped3A_49 : memref<!tpu.dma_semaphore, #tpu.memory_space<semaphore_mem>>)
        %dma_wait3A = arith.constant 0 : i32
        %dma_wait3A_53 = tpu.memref_slice %arg11[%add3A_48, %dma_wait3A] : memref<100352x16xf32, #tpu.memory_space<vmem_shared>> -> memref<448x16xf32, #tpu.memory_space<vmem_shared>>
        %dma_wait3A_54 = arith.constant 0 : i32
        %dma_wait3A_55 = tpu.memref_slice %arg11[%add3A_48, %dma_wait3A_54] : memref<100352x16xf32, #tpu.memory_space<vmem_shared>> -> memref<448x16xf32, #tpu.memory_space<vmem_shared>>
        tpu.wait_dma2 semaphore(%run_scoped3A_49 : memref<!tpu.dma_semaphore, #tpu.memory_space<semaphore_mem>>) src(%arg10 : memref<448x16xf32, #tpu.memory_space<vmem>>) dst(%dma_wait3A_55 : memref<448x16xf32, #tpu.memory_space<vmem_shared>>)
        tpu.yield
      }) : () -> ()
    }
    %scan3A_9 = arith.constant 14 : i32
    %barrier3A = arith.constant 0 : index
    tpu.barrier barrier_id(%barrier3A)
    %scan3A_10 = arith.constant 0 : i32
    %scan3A_11 = arith.constant 49 : i32
    %scan3A_12 = arith.addi %scan3A_10, %scan3A_11 : i32
    %scan3A_13 = arith.constant 1 : i32
    scf.for %scan3A_39 = %scan3A_10 to %scan3A_12 step %scan3A_13  : i32 {
      %mul3A_40 = arith.constant 1 : i32
      %mul3A_41 = arith.muli %scan3A_39, %mul3A_40 : i32
      %add3A_42 = arith.constant 0 : i32
      %add3A_43 = arith.addi %add3A_42, %mul3A_41 : i32
      %mul3A_44 = arith.constant 50176 : i32
      %mul3A_45 = arith.muli %add3A, %mul3A_44 : i32
      %mul3A_46 = arith.constant 1024 : i32
      %mul3A_47 = arith.muli %add3A_43, %mul3A_46 : i32
      %add3A_48 = arith.addi %mul3A_45, %mul3A_47 : i32
      "tpu.region"() ({
        %run_scoped3A_53 = tpu.sem_alloc : memref<!tpu.dma_semaphore, #tpu.memory_space<semaphore_mem>>
        %dma_start3A_54 = tpu.memref_slice %arg4[%add3A_48] : memref<1605632xi32, #tpu.memory_space<hbm>> -> memref<1024xi32, #tpu.memory_space<hbm>>
        %dma_start3A_55 = tpu.memref_slice %arg4[%add3A_48] : memref<1605632xi32, #tpu.memory_space<hbm>> -> memref<1024xi32, #tpu.memory_space<hbm>>
        tpu.enqueue_dma source(%dma_start3A_55 : memref<1024xi32, #tpu.memory_space<hbm>>) target(%arg7 : memref<1024xi32, #tpu.memory_space<vmem>>) target_semaphore(%run_scoped3A_53 : memref<!tpu.dma_semaphore, #tpu.memory_space<semaphore_mem>>)
        %dma_wait3A_56 = tpu.memref_slice %arg4[%add3A_48] : memref<1605632xi32, #tpu.memory_space<hbm>> -> memref<1024xi32, #tpu.memory_space<hbm>>
        %dma_wait3A_57 = tpu.memref_slice %arg4[%add3A_48] : memref<1605632xi32, #tpu.memory_space<hbm>> -> memref<1024xi32, #tpu.memory_space<hbm>>
        tpu.wait_dma2 semaphore(%run_scoped3A_53 : memref<!tpu.dma_semaphore, #tpu.memory_space<semaphore_mem>>) src(%dma_wait3A_57 : memref<1024xi32, #tpu.memory_space<hbm>>) dst(%arg7 : memref<1024xi32, #tpu.memory_space<vmem>>)
        tpu.yield
      }) : () -> ()
      %dma_start3A = arith.constant 0 : i32
      %dma_start3A_49 = arith.constant 0 : i32
      %dma_start3A_50 = tpu.memref_slice %arg2[%dma_start3A, %dma_start3A_49] : memref<100352x16xf32, #tpu.memory_space<hbm>> -> memref<100352x16xf32, #tpu.memory_space<hbm>>
      tpu.enqueue_indirect_dma source(%dma_start3A_50 : memref<100352x16xf32, #tpu.memory_space<hbm>>) target(%arg9 : memref<1024x16xf32, #tpu.memory_space<vmem>>) offsets(%arg7 : memref<1024xi32, #tpu.memory_space<vmem>>) semaphore(%arg12 : memref<!tpu.dma_semaphore, #tpu.memory_space<semaphore_mem>>)
      %dma_wait3A = arith.constant 0 : i32
      %dma_wait3A_51 = arith.constant 0 : i32
      %dma_wait3A_52 = tpu.memref_slice %arg2[%dma_wait3A, %dma_wait3A_51] : memref<100352x16xf32, #tpu.memory_space<hbm>> -> memref<100352x16xf32, #tpu.memory_space<hbm>>
      tpu.wait_indirect_dma semaphore(%arg12 : memref<!tpu.dma_semaphore, #tpu.memory_space<semaphore_mem>>) src(%dma_wait3A_52 : memref<100352x16xf32, #tpu.memory_space<hbm>>) dst(%arg9 : memref<1024x16xf32, #tpu.memory_space<vmem>>)
      "tpu.region"() ({
        %run_scoped3A_53 = tpu.sem_alloc : memref<!tpu.dma_semaphore, #tpu.memory_space<semaphore_mem>>
        %dma_start3A_54 = tpu.memref_slice %arg5[%add3A_48] : memref<1605632xi32, #tpu.memory_space<hbm>> -> memref<1024xi32, #tpu.memory_space<hbm>>
        %dma_start3A_55 = tpu.memref_slice %arg5[%add3A_48] : memref<1605632xi32, #tpu.memory_space<hbm>> -> memref<1024xi32, #tpu.memory_space<hbm>>
        tpu.enqueue_dma source(%dma_start3A_55 : memref<1024xi32, #tpu.memory_space<hbm>>) target(%arg8 : memref<1024xi32, #tpu.memory_space<vmem>>) target_semaphore(%run_scoped3A_53 : memref<!tpu.dma_semaphore, #tpu.memory_space<semaphore_mem>>)
        %dma_wait3A_56 = tpu.memref_slice %arg5[%add3A_48] : memref<1605632xi32, #tpu.memory_space<hbm>> -> memref<1024xi32, #tpu.memory_space<hbm>>
        %dma_wait3A_57 = tpu.memref_slice %arg5[%add3A_48] : memref<1605632xi32, #tpu.memory_space<hbm>> -> memref<1024xi32, #tpu.memory_space<hbm>>
        tpu.wait_dma2 semaphore(%run_scoped3A_53 : memref<!tpu.dma_semaphore, #tpu.memory_space<semaphore_mem>>) src(%dma_wait3A_57 : memref<1024xi32, #tpu.memory_space<hbm>>) dst(%arg8 : memref<1024xi32, #tpu.memory_space<vmem>>)
        tpu.yield
      }) : () -> ()
      "tpu.region"() ({
        %run_scoped3A_53 = tpu.sem_alloc : memref<!tpu.dma_semaphore, #tpu.memory_space<semaphore_mem>>
        %dma_start3A_54 = arith.constant 0 : i32
        %dma_start3A_55 = arith.constant 0 : i32
        %dma_start3A_56 = tpu.memref_slice %arg11[%dma_start3A_54, %dma_start3A_55] : memref<100352x16xf32, #tpu.memory_space<vmem_shared>> -> memref<100352x16xf32, #tpu.memory_space<vmem_shared>>
        tpu.enqueue_indirect_dma source(%arg9 : memref<1024x16xf32, #tpu.memory_space<vmem>>) target(%dma_start3A_56 : memref<100352x16xf32, #tpu.memory_space<vmem_shared>>) offsets(%arg8 : memref<1024xi32, #tpu.memory_space<vmem>>) semaphore(%run_scoped3A_53 : memref<!tpu.dma_semaphore, #tpu.memory_space<semaphore_mem>>) {add = true}
        %dma_wait3A_57 = arith.constant 0 : i32
        %dma_wait3A_58 = arith.constant 0 : i32
        %dma_wait3A_59 = tpu.memref_slice %arg11[%dma_wait3A_57, %dma_wait3A_58] : memref<100352x16xf32, #tpu.memory_space<vmem_shared>> -> memref<100352x16xf32, #tpu.memory_space<vmem_shared>>
        tpu.wait_indirect_dma semaphore(%run_scoped3A_53 : memref<!tpu.dma_semaphore, #tpu.memory_space<semaphore_mem>>) src(%arg9 : memref<1024x16xf32, #tpu.memory_space<vmem>>) dst(%dma_wait3A_59 : memref<100352x16xf32, #tpu.memory_space<vmem_shared>>)
        tpu.yield
      }) : () -> ()
    }
    %scan3A_14 = arith.constant 49 : i32
    %barrier3A_15 = arith.constant 0 : index
    tpu.barrier barrier_id(%barrier3A_15)
    %mul3A_16 = arith.constant 6272 : i32
    %mul3A_17 = arith.muli %arg1, %mul3A_16 : i32
    %mul3A_18 = arith.constant 6272 : i32
    %mul3A_19 = arith.muli %arg1, %mul3A_18 : i32
    %run_scoped3A = arith.constant 0 : i32
    "tpu.region"() ({
      %run_scoped3A_39 = tpu.sem_alloc : memref<!tpu.dma_semaphore, #tpu.memory_space<semaphore_mem>>
      %dma_start3A = arith.constant 0 : i32
      %dma_start3A_40 = tpu.memref_slice %arg6[%arg0, %run_scoped3A, %mul3A_19, %dma_start3A] : memref<2x2x100352x16xf32, #tpu.memory_space<hbm>> -> memref<1x1x6272x16xf32, #tpu.memory_space<hbm>>
      %dma_start3A_41 = tpu.memref_squeeze %dma_start3A_40 : memref<1x1x6272x16xf32, #tpu.memory_space<hbm>> -> memref<6272x16xf32, #tpu.memory_space<hbm>>
      %dma_start3A_42 = arith.constant 0 : i32
      %dma_start3A_43 = tpu.memref_slice %arg11[%mul3A_17, %dma_start3A_42] : memref<100352x16xf32, #tpu.memory_space<vmem_shared>> -> memref<6272x16xf32, #tpu.memory_space<vmem_shared>>
      tpu.enqueue_dma source(%dma_start3A_43 : memref<6272x16xf32, #tpu.memory_space<vmem_shared>>) target(%dma_start3A_41 : memref<6272x16xf32, #tpu.memory_space<hbm>>) target_semaphore(%run_scoped3A_39 : memref<!tpu.dma_semaphore, #tpu.memory_space<semaphore_mem>>)
      %dma_wait3A = arith.constant 0 : i32
      %dma_wait3A_44 = tpu.memref_slice %arg6[%arg0, %run_scoped3A, %mul3A_19, %dma_wait3A] : memref<2x2x100352x16xf32, #tpu.memory_space<hbm>> -> memref<1x1x6272x16xf32, #tpu.memory_space<hbm>>
      %dma_wait3A_45 = tpu.memref_squeeze %dma_wait3A_44 : memref<1x1x6272x16xf32, #tpu.memory_space<hbm>> -> memref<6272x16xf32, #tpu.memory_space<hbm>>
      %dma_wait3A_46 = arith.constant 0 : i32
      %dma_wait3A_47 = tpu.memref_slice %arg11[%mul3A_17, %dma_wait3A_46] : memref<100352x16xf32, #tpu.memory_space<vmem_shared>> -> memref<6272x16xf32, #tpu.memory_space<vmem_shared>>
      tpu.wait_dma2 semaphore(%run_scoped3A_39 : memref<!tpu.dma_semaphore, #tpu.memory_space<semaphore_mem>>) src(%dma_wait3A_47 : memref<6272x16xf32, #tpu.memory_space<vmem_shared>>) dst(%dma_wait3A_45 : memref<6272x16xf32, #tpu.memory_space<hbm>>)
      tpu.yield
    }) : () -> ()
    %barrier3A_20 = arith.constant 0 : index
    tpu.barrier barrier_id(%barrier3A_20)
    %scan3A_21 = arith.constant 0 : i32
    %scan3A_22 = arith.constant 14 : i32
    %scan3A_23 = arith.addi %scan3A_21, %scan3A_22 : i32
    %scan3A_24 = arith.constant 1 : i32
    scf.for %scan3A_39 = %scan3A_21 to %scan3A_23 step %scan3A_24  : i32 {
      %mul3A_40 = arith.constant 1 : i32
      %mul3A_41 = arith.muli %scan3A_39, %mul3A_40 : i32
      %add3A_42 = arith.constant 0 : i32
      %add3A_43 = arith.addi %add3A_42, %mul3A_41 : i32
      %mul3A_44 = arith.constant 6272 : i32
      %mul3A_45 = arith.muli %arg1, %mul3A_44 : i32
      %mul3A_46 = arith.constant 448 : i32
      %mul3A_47 = arith.muli %add3A_43, %mul3A_46 : i32
      %add3A_48 = arith.addi %mul3A_45, %mul3A_47 : i32
      "tpu.region"() ({
        %run_scoped3A_49 = tpu.sem_alloc : memref<!tpu.dma_semaphore, #tpu.memory_space<semaphore_mem>>
        %dma_start3A = arith.constant 0 : i32
        %dma_start3A_50 = tpu.memref_slice %arg11[%add3A_48, %dma_start3A] : memref<100352x16xf32, #tpu.memory_space<vmem_shared>> -> memref<448x16xf32, #tpu.memory_space<vmem_shared>>
        %dma_start3A_51 = arith.constant 0 : i32
        %dma_start3A_52 = tpu.memref_slice %arg11[%add3A_48, %dma_start3A_51] : memref<100352x16xf32, #tpu.memory_space<vmem_shared>> -> memref<448x16xf32, #tpu.memory_space<vmem_shared>>
        tpu.enqueue_dma source(%arg10 : memref<448x16xf32, #tpu.memory_space<vmem>>) target(%dma_start3A_52 : memref<448x16xf32, #tpu.memory_space<vmem_shared>>) target_semaphore(%run_scoped3A_49 : memref<!tpu.dma_semaphore, #tpu.memory_space<semaphore_mem>>)
        %dma_wait3A = arith.constant 0 : i32
        %dma_wait3A_53 = tpu.memref_slice %arg11[%add3A_48, %dma_wait3A] : memref<100352x16xf32, #tpu.memory_space<vmem_shared>> -> memref<448x16xf32, #tpu.memory_space<vmem_shared>>
        %dma_wait3A_54 = arith.constant 0 : i32
        %dma_wait3A_55 = tpu.memref_slice %arg11[%add3A_48, %dma_wait3A_54] : memref<100352x16xf32, #tpu.memory_space<vmem_shared>> -> memref<448x16xf32, #tpu.memory_space<vmem_shared>>
        tpu.wait_dma2 semaphore(%run_scoped3A_49 : memref<!tpu.dma_semaphore, #tpu.memory_space<semaphore_mem>>) src(%arg10 : memref<448x16xf32, #tpu.memory_space<vmem>>) dst(%dma_wait3A_55 : memref<448x16xf32, #tpu.memory_space<vmem_shared>>)
        tpu.yield
      }) : () -> ()
    }
    %scan3A_25 = arith.constant 14 : i32
    %barrier3A_26 = arith.constant 0 : index
    tpu.barrier barrier_id(%barrier3A_26)
    %scan3A_27 = arith.constant 0 : i32
    %scan3A_28 = arith.constant 49 : i32
    %scan3A_29 = arith.addi %scan3A_27, %scan3A_28 : i32
    %scan3A_30 = arith.constant 1 : i32
    scf.for %scan3A_39 = %scan3A_27 to %scan3A_29 step %scan3A_30  : i32 {
      %mul3A_40 = arith.constant 1 : i32
      %mul3A_41 = arith.muli %scan3A_39, %mul3A_40 : i32
      %add3A_42 = arith.constant 0 : i32
      %add3A_43 = arith.addi %add3A_42, %mul3A_41 : i32
      %mul3A_44 = arith.constant 50176 : i32
      %mul3A_45 = arith.muli %add3A, %mul3A_44 : i32
      %mul3A_46 = arith.constant 1024 : i32
      %mul3A_47 = arith.muli %add3A_43, %mul3A_46 : i32
      %add3A_48 = arith.addi %mul3A_45, %mul3A_47 : i32
      "tpu.region"() ({
        %run_scoped3A_53 = tpu.sem_alloc : memref<!tpu.dma_semaphore, #tpu.memory_space<semaphore_mem>>
        %dma_start3A_54 = tpu.memref_slice %arg4[%add3A_48] : memref<1605632xi32, #tpu.memory_space<hbm>> -> memref<1024xi32, #tpu.memory_space<hbm>>
        %dma_start3A_55 = tpu.memref_slice %arg4[%add3A_48] : memref<1605632xi32, #tpu.memory_space<hbm>> -> memref<1024xi32, #tpu.memory_space<hbm>>
        tpu.enqueue_dma source(%dma_start3A_55 : memref<1024xi32, #tpu.memory_space<hbm>>) target(%arg7 : memref<1024xi32, #tpu.memory_space<vmem>>) target_semaphore(%run_scoped3A_53 : memref<!tpu.dma_semaphore, #tpu.memory_space<semaphore_mem>>)
        %dma_wait3A_56 = tpu.memref_slice %arg4[%add3A_48] : memref<1605632xi32, #tpu.memory_space<hbm>> -> memref<1024xi32, #tpu.memory_space<hbm>>
        %dma_wait3A_57 = tpu.memref_slice %arg4[%add3A_48] : memref<1605632xi32, #tpu.memory_space<hbm>> -> memref<1024xi32, #tpu.memory_space<hbm>>
        tpu.wait_dma2 semaphore(%run_scoped3A_53 : memref<!tpu.dma_semaphore, #tpu.memory_space<semaphore_mem>>) src(%dma_wait3A_57 : memref<1024xi32, #tpu.memory_space<hbm>>) dst(%arg7 : memref<1024xi32, #tpu.memory_space<vmem>>)
        tpu.yield
      }) : () -> ()
      %dma_start3A = arith.constant 0 : i32
      %dma_start3A_49 = arith.constant 0 : i32
      %dma_start3A_50 = tpu.memref_slice %arg3[%dma_start3A, %dma_start3A_49] : memref<100352x16xf32, #tpu.memory_space<hbm>> -> memref<100352x16xf32, #tpu.memory_space<hbm>>
      tpu.enqueue_indirect_dma source(%dma_start3A_50 : memref<100352x16xf32, #tpu.memory_space<hbm>>) target(%arg9 : memref<1024x16xf32, #tpu.memory_space<vmem>>) offsets(%arg7 : memref<1024xi32, #tpu.memory_space<vmem>>) semaphore(%arg12 : memref<!tpu.dma_semaphore, #tpu.memory_space<semaphore_mem>>)
      %dma_wait3A = arith.constant 0 : i32
      %dma_wait3A_51 = arith.constant 0 : i32
      %dma_wait3A_52 = tpu.memref_slice %arg3[%dma_wait3A, %dma_wait3A_51] : memref<100352x16xf32, #tpu.memory_space<hbm>> -> memref<100352x16xf32, #tpu.memory_space<hbm>>
      tpu.wait_indirect_dma semaphore(%arg12 : memref<!tpu.dma_semaphore, #tpu.memory_space<semaphore_mem>>) src(%dma_wait3A_52 : memref<100352x16xf32, #tpu.memory_space<hbm>>) dst(%arg9 : memref<1024x16xf32, #tpu.memory_space<vmem>>)
      "tpu.region"() ({
        %run_scoped3A_53 = tpu.sem_alloc : memref<!tpu.dma_semaphore, #tpu.memory_space<semaphore_mem>>
        %dma_start3A_54 = tpu.memref_slice %arg5[%add3A_48] : memref<1605632xi32, #tpu.memory_space<hbm>> -> memref<1024xi32, #tpu.memory_space<hbm>>
        %dma_start3A_55 = tpu.memref_slice %arg5[%add3A_48] : memref<1605632xi32, #tpu.memory_space<hbm>> -> memref<1024xi32, #tpu.memory_space<hbm>>
        tpu.enqueue_dma source(%dma_start3A_55 : memref<1024xi32, #tpu.memory_space<hbm>>) target(%arg8 : memref<1024xi32, #tpu.memory_space<vmem>>) target_semaphore(%run_scoped3A_53 : memref<!tpu.dma_semaphore, #tpu.memory_space<semaphore_mem>>)
        %dma_wait3A_56 = tpu.memref_slice %arg5[%add3A_48] : memref<1605632xi32, #tpu.memory_space<hbm>> -> memref<1024xi32, #tpu.memory_space<hbm>>
        %dma_wait3A_57 = tpu.memref_slice %arg5[%add3A_48] : memref<1605632xi32, #tpu.memory_space<hbm>> -> memref<1024xi32, #tpu.memory_space<hbm>>
        tpu.wait_dma2 semaphore(%run_scoped3A_53 : memref<!tpu.dma_semaphore, #tpu.memory_space<semaphore_mem>>) src(%dma_wait3A_57 : memref<1024xi32, #tpu.memory_space<hbm>>) dst(%arg8 : memref<1024xi32, #tpu.memory_space<vmem>>)
        tpu.yield
      }) : () -> ()
      "tpu.region"() ({
        %run_scoped3A_53 = tpu.sem_alloc : memref<!tpu.dma_semaphore, #tpu.memory_space<semaphore_mem>>
        %dma_start3A_54 = arith.constant 0 : i32
        %dma_start3A_55 = arith.constant 0 : i32
        %dma_start3A_56 = tpu.memref_slice %arg11[%dma_start3A_54, %dma_start3A_55] : memref<100352x16xf32, #tpu.memory_space<vmem_shared>> -> memref<100352x16xf32, #tpu.memory_space<vmem_shared>>
        tpu.enqueue_indirect_dma source(%arg9 : memref<1024x16xf32, #tpu.memory_space<vmem>>) target(%dma_start3A_56 : memref<100352x16xf32, #tpu.memory_space<vmem_shared>>) offsets(%arg8 : memref<1024xi32, #tpu.memory_space<vmem>>) semaphore(%run_scoped3A_53 : memref<!tpu.dma_semaphore, #tpu.memory_space<semaphore_mem>>) {add = true}
        %dma_wait3A_57 = arith.constant 0 : i32
        %dma_wait3A_58 = arith.constant 0 : i32
        %dma_wait3A_59 = tpu.memref_slice %arg11[%dma_wait3A_57, %dma_wait3A_58] : memref<100352x16xf32, #tpu.memory_space<vmem_shared>> -> memref<100352x16xf32, #tpu.memory_space<vmem_shared>>
        tpu.wait_indirect_dma semaphore(%run_scoped3A_53 : memref<!tpu.dma_semaphore, #tpu.memory_space<semaphore_mem>>) src(%arg9 : memref<1024x16xf32, #tpu.memory_space<vmem>>) dst(%dma_wait3A_59 : memref<100352x16xf32, #tpu.memory_space<vmem_shared>>)
        tpu.yield
      }) : () -> ()
    }
    %scan3A_31 = arith.constant 49 : i32
    %barrier3A_32 = arith.constant 0 : index
    tpu.barrier barrier_id(%barrier3A_32)
    %mul3A_33 = arith.constant 6272 : i32
    %mul3A_34 = arith.muli %arg1, %mul3A_33 : i32
    %mul3A_35 = arith.constant 6272 : i32
    %mul3A_36 = arith.muli %arg1, %mul3A_35 : i32
    %run_scoped3A_37 = arith.constant 1 : i32
    "tpu.region"() ({
      %run_scoped3A_39 = tpu.sem_alloc : memref<!tpu.dma_semaphore, #tpu.memory_space<semaphore_mem>>
      %dma_start3A = arith.constant 0 : i32
      %dma_start3A_40 = tpu.memref_slice %arg6[%arg0, %run_scoped3A_37, %mul3A_36, %dma_start3A] : memref<2x2x100352x16xf32, #tpu.memory_space<hbm>> -> memref<1x1x6272x16xf32, #tpu.memory_space<hbm>>
      %dma_start3A_41 = tpu.memref_squeeze %dma_start3A_40 : memref<1x1x6272x16xf32, #tpu.memory_space<hbm>> -> memref<6272x16xf32, #tpu.memory_space<hbm>>
      %dma_start3A_42 = arith.constant 0 : i32
      %dma_start3A_43 = tpu.memref_slice %arg11[%mul3A_34, %dma_start3A_42] : memref<100352x16xf32, #tpu.memory_space<vmem_shared>> -> memref<6272x16xf32, #tpu.memory_space<vmem_shared>>
      tpu.enqueue_dma source(%dma_start3A_43 : memref<6272x16xf32, #tpu.memory_space<vmem_shared>>) target(%dma_start3A_41 : memref<6272x16xf32, #tpu.memory_space<hbm>>) target_semaphore(%run_scoped3A_39 : memref<!tpu.dma_semaphore, #tpu.memory_space<semaphore_mem>>)
      %dma_wait3A = arith.constant 0 : i32
      %dma_wait3A_44 = tpu.memref_slice %arg6[%arg0, %run_scoped3A_37, %mul3A_36, %dma_wait3A] : memref<2x2x100352x16xf32, #tpu.memory_space<hbm>> -> memref<1x1x6272x16xf32, #tpu.memory_space<hbm>>
      %dma_wait3A_45 = tpu.memref_squeeze %dma_wait3A_44 : memref<1x1x6272x16xf32, #tpu.memory_space<hbm>> -> memref<6272x16xf32, #tpu.memory_space<hbm>>
      %dma_wait3A_46 = arith.constant 0 : i32
      %dma_wait3A_47 = tpu.memref_slice %arg11[%mul3A_34, %dma_wait3A_46] : memref<100352x16xf32, #tpu.memory_space<vmem_shared>> -> memref<6272x16xf32, #tpu.memory_space<vmem_shared>>
      tpu.wait_dma2 semaphore(%run_scoped3A_39 : memref<!tpu.dma_semaphore, #tpu.memory_space<semaphore_mem>>) src(%dma_wait3A_47 : memref<6272x16xf32, #tpu.memory_space<vmem_shared>>) dst(%dma_wait3A_45 : memref<6272x16xf32, #tpu.memory_space<hbm>>)
      tpu.yield
    }) : () -> ()
    %barrier3A_38 = arith.constant 0 : index
    tpu.barrier barrier_id(%barrier3A_38)
    return
  }
}

#map = affine_map<(d0, d1) -> (0)>
#map1 = affine_map<(d0, d1) -> (0, 0)>
module attributes {stable_mosaic.version = 14 : i64} {
  func.func @body(%arg0: i32, %arg1: i32, %arg2: memref<100352xf32, #tpu.memory_space<hbm>>, %arg3: memref<1605632xi32, #tpu.memory_space<hbm>>, %arg4: memref<1605632xi32, #tpu.memory_space<hbm>>, %arg5: memref<100352xf32, #tpu.memory_space<hbm>>, %arg6: memref<100352xf32, #tpu.memory_space<hbm>>, %arg7: memref<2x100352xf32, #tpu.memory_space<hbm>>, %arg8: memref<1024xi32, #tpu.memory_space<vmem>>, %arg9: memref<1024xi32, #tpu.memory_space<vmem>>, %arg10: memref<1024xf32, #tpu.memory_space<vmem>>, %arg11: memref<448xf32, #tpu.memory_space<vmem>>, %arg12: memref<6272xf32, #tpu.memory_space<vmem>>, %arg13: memref<6272xf32, #tpu.memory_space<vmem>>, %arg14: memref<100352xf32, #tpu.memory_space<vmem_shared>>, %arg15: memref<100352xf32, #tpu.memory_space<vmem_shared>>, %arg16: memref<100352xf32, #tpu.memory_space<vmem_shared>>) attributes {dimension_semantics = [#tpu.dimension_semantics<core_parallel>, #tpu.dimension_semantics<subcore_parallel>], iteration_bounds = array<i64: 2, 16>, scalar_prefetch = 0 : i64, scratch_operands = 9 : i64, tpu.core_type = #tpu.core_type<sc_vector_subcore>, window_params = [{transform_indices = #map}, {transform_indices = #map}, {transform_indices = #map}, {transform_indices = #map}, {transform_indices = #map}, {transform_indices = #map1}]} {
    %mul3A = arith.constant 16 : i32
    %mul3A_0 = arith.muli %arg0, %mul3A : i32
    %add3A = arith.addi %mul3A_0, %arg1 : i32
    %scan3A = arith.constant 0 : i32
    %scan3A_1 = arith.constant 28 : i32
    %scan3A_2 = arith.addi %scan3A, %scan3A_1 : i32
    %scan3A_3 = arith.constant 1 : i32
    scf.for %scan3A_41 = %scan3A to %scan3A_2 step %scan3A_3  : i32 {
      %mul3A_42 = arith.constant 1 : i32
      %mul3A_43 = arith.muli %scan3A_41, %mul3A_42 : i32
      %add3A_44 = arith.constant 0 : i32
      %add3A_45 = arith.addi %add3A_44, %mul3A_43 : i32
      %broadcast_in_dim3A = arith.constant 0.000000e+00 : f32
      %broadcast_in_dim3A_46 = vector.broadcast %broadcast_in_dim3A : f32 to vector<16xf32>
      %mul3A_47 = arith.constant 16 : i32
      %mul3A_48 = arith.muli %add3A_45, %mul3A_47 : i32
      %swap3A = arith.index_cast %mul3A_48 : i32 to index
      %swap3A_49 = tpu.vector_load %arg11[%swap3A] {strides = array<i32>} : memref<448xf32, #tpu.memory_space<vmem>>, vector<16xf32>,
      %swap3A_50 = vector.shape_cast %swap3A_49 : vector<16xf32> to vector<16xf32>
      %swap3A_51 = vector.shape_cast %broadcast_in_dim3A_46 : vector<16xf32> to vector<16xf32>
      tpu.vector_store %arg11[%swap3A], %swap3A_51 {strides = array<i32>} : memref<448xf32, #tpu.memory_space<vmem>>, vector<16xf32>,
    }
    %scan3A_4 = arith.constant 28 : i32
    %scan3A_5 = arith.constant 0 : i32
    %scan3A_6 = arith.constant 14 : i32
    %scan3A_7 = arith.addi %scan3A_5, %scan3A_6 : i32
    %scan3A_8 = arith.constant 1 : i32
    scf.for %scan3A_41 = %scan3A_5 to %scan3A_7 step %scan3A_8  : i32 {
      %mul3A_42 = arith.constant 1 : i32
      %mul3A_43 = arith.muli %scan3A_41, %mul3A_42 : i32
      %add3A_44 = arith.constant 0 : i32
      %add3A_45 = arith.addi %add3A_44, %mul3A_43 : i32
      %mul3A_46 = arith.constant 6272 : i32
      %mul3A_47 = arith.muli %arg1, %mul3A_46 : i32
      %mul3A_48 = arith.constant 448 : i32
      %mul3A_49 = arith.muli %add3A_45, %mul3A_48 : i32
      %add3A_50 = arith.addi %mul3A_47, %mul3A_49 : i32
      "tpu.region"() ({
        %run_scoped3A = tpu.sem_alloc : memref<!tpu.dma_semaphore, #tpu.memory_space<semaphore_mem>>
        %dma_start3A = tpu.memref_slice %arg14[%add3A_50] : memref<100352xf32, #tpu.memory_space<vmem_shared>> -> memref<448xf32, #tpu.memory_space<vmem_shared>>
        %dma_start3A_56 = tpu.memref_slice %arg14[%add3A_50] : memref<100352xf32, #tpu.memory_space<vmem_shared>> -> memref<448xf32, #tpu.memory_space<vmem_shared>>
        tpu.enqueue_dma source(%arg11 : memref<448xf32, #tpu.memory_space<vmem>>) target(%dma_start3A_56 : memref<448xf32, #tpu.memory_space<vmem_shared>>) target_semaphore(%run_scoped3A : memref<!tpu.dma_semaphore, #tpu.memory_space<semaphore_mem>>)
        %dma_wait3A = tpu.memref_slice %arg14[%add3A_50] : memref<100352xf32, #tpu.memory_space<vmem_shared>> -> memref<448xf32, #tpu.memory_space<vmem_shared>>
        %dma_wait3A_57 = tpu.memref_slice %arg14[%add3A_50] : memref<100352xf32, #tpu.memory_space<vmem_shared>> -> memref<448xf32, #tpu.memory_space<vmem_shared>>
        tpu.wait_dma2 semaphore(%run_scoped3A : memref<!tpu.dma_semaphore, #tpu.memory_space<semaphore_mem>>) src(%arg11 : memref<448xf32, #tpu.memory_space<vmem>>) dst(%dma_wait3A_57 : memref<448xf32, #tpu.memory_space<vmem_shared>>)
        tpu.yield
      }) : () -> ()
      %mul3A_51 = arith.constant 6272 : i32
      %mul3A_52 = arith.muli %arg1, %mul3A_51 : i32
      %mul3A_53 = arith.constant 448 : i32
      %mul3A_54 = arith.muli %add3A_45, %mul3A_53 : i32
      %add3A_55 = arith.addi %mul3A_52, %mul3A_54 : i32
      "tpu.region"() ({
        %run_scoped3A = tpu.sem_alloc : memref<!tpu.dma_semaphore, #tpu.memory_space<semaphore_mem>>
        %dma_start3A = tpu.memref_slice %arg16[%add3A_55] : memref<100352xf32, #tpu.memory_space<vmem_shared>> -> memref<448xf32, #tpu.memory_space<vmem_shared>>
        %dma_start3A_56 = tpu.memref_slice %arg16[%add3A_55] : memref<100352xf32, #tpu.memory_space<vmem_shared>> -> memref<448xf32, #tpu.memory_space<vmem_shared>>
        tpu.enqueue_dma source(%arg11 : memref<448xf32, #tpu.memory_space<vmem>>) target(%dma_start3A_56 : memref<448xf32, #tpu.memory_space<vmem_shared>>) target_semaphore(%run_scoped3A : memref<!tpu.dma_semaphore, #tpu.memory_space<semaphore_mem>>)
        %dma_wait3A = tpu.memref_slice %arg16[%add3A_55] : memref<100352xf32, #tpu.memory_space<vmem_shared>> -> memref<448xf32, #tpu.memory_space<vmem_shared>>
        %dma_wait3A_57 = tpu.memref_slice %arg16[%add3A_55] : memref<100352xf32, #tpu.memory_space<vmem_shared>> -> memref<448xf32, #tpu.memory_space<vmem_shared>>
        tpu.wait_dma2 semaphore(%run_scoped3A : memref<!tpu.dma_semaphore, #tpu.memory_space<semaphore_mem>>) src(%arg11 : memref<448xf32, #tpu.memory_space<vmem>>) dst(%dma_wait3A_57 : memref<448xf32, #tpu.memory_space<vmem_shared>>)
        tpu.yield
      }) : () -> ()
    }
    %scan3A_9 = arith.constant 14 : i32
    %scan3A_10 = arith.constant 0 : i32
    %scan3A_11 = arith.constant 64 : i32
    %scan3A_12 = arith.addi %scan3A_10, %scan3A_11 : i32
    %scan3A_13 = arith.constant 1 : i32
    scf.for %scan3A_41 = %scan3A_10 to %scan3A_12 step %scan3A_13  : i32 {
      %mul3A_42 = arith.constant 1 : i32
      %mul3A_43 = arith.muli %scan3A_41, %mul3A_42 : i32
      %add3A_44 = arith.constant 0 : i32
      %add3A_45 = arith.addi %add3A_44, %mul3A_43 : i32
      %broadcast_in_dim3A = arith.constant 1.000000e+00 : f32
      %broadcast_in_dim3A_46 = vector.broadcast %broadcast_in_dim3A : f32 to vector<16xf32>
      %mul3A_47 = arith.constant 16 : i32
      %mul3A_48 = arith.muli %add3A_45, %mul3A_47 : i32
      %swap3A = arith.index_cast %mul3A_48 : i32 to index
      %swap3A_49 = tpu.vector_load %arg10[%swap3A] {strides = array<i32>} : memref<1024xf32, #tpu.memory_space<vmem>>, vector<16xf32>,
      %swap3A_50 = vector.shape_cast %swap3A_49 : vector<16xf32> to vector<16xf32>
      %swap3A_51 = vector.shape_cast %broadcast_in_dim3A_46 : vector<16xf32> to vector<16xf32>
      tpu.vector_store %arg10[%swap3A], %swap3A_51 {strides = array<i32>} : memref<1024xf32, #tpu.memory_space<vmem>>, vector<16xf32>,
    }
    %scan3A_14 = arith.constant 64 : i32
    %barrier3A = arith.constant 0 : index
    tpu.barrier barrier_id(%barrier3A)
    %scan3A_15 = arith.constant 0 : i32
    %scan3A_16 = arith.constant 98 : i32
    %scan3A_17 = arith.addi %scan3A_15, %scan3A_16 : i32
    %scan3A_18 = arith.constant 1 : i32
    scf.for %scan3A_41 = %scan3A_15 to %scan3A_17 step %scan3A_18  : i32 {
      %mul3A_42 = arith.constant 1 : i32
      %mul3A_43 = arith.muli %scan3A_41, %mul3A_42 : i32
      %add3A_44 = arith.constant 0 : i32
      %add3A_45 = arith.addi %add3A_44, %mul3A_43 : i32
      %mul3A_46 = arith.constant 100352 : i32
      %mul3A_47 = arith.muli %arg1, %mul3A_46 : i32
      %mul3A_48 = arith.constant 1024 : i32
      %mul3A_49 = arith.muli %add3A_45, %mul3A_48 : i32
      %add3A_50 = arith.addi %mul3A_47, %mul3A_49 : i32
      "tpu.region"() ({
        %run_scoped3A = tpu.sem_alloc : memref<!tpu.dma_semaphore, #tpu.memory_space<semaphore_mem>>
        %dma_start3A = tpu.memref_slice %arg4[%add3A_50] : memref<1605632xi32, #tpu.memory_space<hbm>> -> memref<1024xi32, #tpu.memory_space<hbm>>
        %dma_start3A_51 = tpu.memref_slice %arg4[%add3A_50] : memref<1605632xi32, #tpu.memory_space<hbm>> -> memref<1024xi32, #tpu.memory_space<hbm>>
        tpu.enqueue_dma source(%dma_start3A_51 : memref<1024xi32, #tpu.memory_space<hbm>>) target(%arg9 : memref<1024xi32, #tpu.memory_space<vmem>>) target_semaphore(%run_scoped3A : memref<!tpu.dma_semaphore, #tpu.memory_space<semaphore_mem>>)
        %dma_wait3A = tpu.memref_slice %arg4[%add3A_50] : memref<1605632xi32, #tpu.memory_space<hbm>> -> memref<1024xi32, #tpu.memory_space<hbm>>
        %dma_wait3A_52 = tpu.memref_slice %arg4[%add3A_50] : memref<1605632xi32, #tpu.memory_space<hbm>> -> memref<1024xi32, #tpu.memory_space<hbm>>
        tpu.wait_dma2 semaphore(%run_scoped3A : memref<!tpu.dma_semaphore, #tpu.memory_space<semaphore_mem>>) src(%dma_wait3A_52 : memref<1024xi32, #tpu.memory_space<hbm>>) dst(%arg9 : memref<1024xi32, #tpu.memory_space<vmem>>)
        tpu.yield
      }) : () -> ()
      "tpu.region"() ({
        %run_scoped3A = tpu.sem_alloc : memref<!tpu.dma_semaphore, #tpu.memory_space<semaphore_mem>>
        %dma_start3A = arith.constant 0 : i32
        %dma_start3A_51 = tpu.memref_slice %arg14[%dma_start3A] : memref<100352xf32, #tpu.memory_space<vmem_shared>> -> memref<100352xf32, #tpu.memory_space<vmem_shared>>
        tpu.enqueue_indirect_dma source(%arg10 : memref<1024xf32, #tpu.memory_space<vmem>>) target(%dma_start3A_51 : memref<100352xf32, #tpu.memory_space<vmem_shared>>) offsets(%arg9 : memref<1024xi32, #tpu.memory_space<vmem>>) semaphore(%run_scoped3A : memref<!tpu.dma_semaphore, #tpu.memory_space<semaphore_mem>>) {add = true}
        %dma_wait3A = arith.constant 0 : i32
        %dma_wait3A_52 = tpu.memref_slice %arg14[%dma_wait3A] : memref<100352xf32, #tpu.memory_space<vmem_shared>> -> memref<100352xf32, #tpu.memory_space<vmem_shared>>
        tpu.wait_indirect_dma semaphore(%run_scoped3A : memref<!tpu.dma_semaphore, #tpu.memory_space<semaphore_mem>>) src(%arg10 : memref<1024xf32, #tpu.memory_space<vmem>>) dst(%dma_wait3A_52 : memref<100352xf32, #tpu.memory_space<vmem_shared>>)
        tpu.yield
      }) : () -> ()
    }
    %scan3A_19 = arith.constant 98 : i32
    %barrier3A_20 = arith.constant 0 : index
    tpu.barrier barrier_id(%barrier3A_20)
    %mul3A_21 = arith.constant 6272 : i32
    %mul3A_22 = arith.muli %arg1, %mul3A_21 : i32
    "tpu.region"() ({
      %run_scoped3A = tpu.sem_alloc : memref<!tpu.dma_semaphore, #tpu.memory_space<semaphore_mem>>
      %dma_start3A = tpu.memref_slice %arg14[%mul3A_22] : memref<100352xf32, #tpu.memory_space<vmem_shared>> -> memref<6272xf32, #tpu.memory_space<vmem_shared>>
      %dma_start3A_41 = tpu.memref_slice %arg14[%mul3A_22] : memref<100352xf32, #tpu.memory_space<vmem_shared>> -> memref<6272xf32, #tpu.memory_space<vmem_shared>>
      tpu.enqueue_dma source(%dma_start3A_41 : memref<6272xf32, #tpu.memory_space<vmem_shared>>) target(%arg12 : memref<6272xf32, #tpu.memory_space<vmem>>) target_semaphore(%run_scoped3A : memref<!tpu.dma_semaphore, #tpu.memory_space<semaphore_mem>>)
      %dma_wait3A = tpu.memref_slice %arg14[%mul3A_22] : memref<100352xf32, #tpu.memory_space<vmem_shared>> -> memref<6272xf32, #tpu.memory_space<vmem_shared>>
      %dma_wait3A_42 = tpu.memref_slice %arg14[%mul3A_22] : memref<100352xf32, #tpu.memory_space<vmem_shared>> -> memref<6272xf32, #tpu.memory_space<vmem_shared>>
      tpu.wait_dma2 semaphore(%run_scoped3A : memref<!tpu.dma_semaphore, #tpu.memory_space<semaphore_mem>>) src(%dma_wait3A_42 : memref<6272xf32, #tpu.memory_space<vmem_shared>>) dst(%arg12 : memref<6272xf32, #tpu.memory_space<vmem>>)
      tpu.yield
    }) : () -> ()
    "tpu.region"() ({
      %run_scoped3A = tpu.sem_alloc : memref<!tpu.dma_semaphore, #tpu.memory_space<semaphore_mem>>
      %dma_start3A = tpu.memref_slice %arg2[%mul3A_22] : memref<100352xf32, #tpu.memory_space<hbm>> -> memref<6272xf32, #tpu.memory_space<hbm>>
      %dma_start3A_41 = tpu.memref_slice %arg2[%mul3A_22] : memref<100352xf32, #tpu.memory_space<hbm>> -> memref<6272xf32, #tpu.memory_space<hbm>>
      tpu.enqueue_dma source(%dma_start3A_41 : memref<6272xf32, #tpu.memory_space<hbm>>) target(%arg13 : memref<6272xf32, #tpu.memory_space<vmem>>) target_semaphore(%run_scoped3A : memref<!tpu.dma_semaphore, #tpu.memory_space<semaphore_mem>>)
      %dma_wait3A = tpu.memref_slice %arg2[%mul3A_22] : memref<100352xf32, #tpu.memory_space<hbm>> -> memref<6272xf32, #tpu.memory_space<hbm>>
      %dma_wait3A_42 = tpu.memref_slice %arg2[%mul3A_22] : memref<100352xf32, #tpu.memory_space<hbm>> -> memref<6272xf32, #tpu.memory_space<hbm>>
      tpu.wait_dma2 semaphore(%run_scoped3A : memref<!tpu.dma_semaphore, #tpu.memory_space<semaphore_mem>>) src(%dma_wait3A_42 : memref<6272xf32, #tpu.memory_space<hbm>>) dst(%arg13 : memref<6272xf32, #tpu.memory_space<vmem>>)
      tpu.yield
    }) : () -> ()
    %scan3A_23 = arith.constant 0 : i32
    %scan3A_24 = arith.constant 392 : i32
    %scan3A_25 = arith.addi %scan3A_23, %scan3A_24 : i32
    %scan3A_26 = arith.constant 1 : i32
    scf.for %scan3A_41 = %scan3A_23 to %scan3A_25 step %scan3A_26  : i32 {
      %mul3A_42 = arith.constant 1 : i32
      %mul3A_43 = arith.muli %scan3A_41, %mul3A_42 : i32
      %add3A_44 = arith.constant 0 : i32
      %add3A_45 = arith.addi %add3A_44, %mul3A_43 : i32
      %mul3A_46 = arith.constant 16 : i32
      %mul3A_47 = arith.muli %add3A_45, %mul3A_46 : i32
      %get3A = arith.index_cast %mul3A_47 : i32 to index
      %get3A_48 = tpu.vector_load %arg12[%get3A] {strides = array<i32>} : memref<6272xf32, #tpu.memory_space<vmem>>, vector<16xf32>,
      %get3A_49 = vector.shape_cast %get3A_48 : vector<16xf32> to vector<16xf32>
      %add3A_50 = arith.constant 1.000000e+00 : f32
      %add3A_51 = vector.broadcast %add3A_50 : f32 to vector<16xf32>
      %add3A_52 = arith.addf %get3A_49, %add3A_51 : vector<16xf32>
      %mul3A_53 = arith.constant 2.500000e-01 : f32
      %mul3A_54 = vector.broadcast %mul3A_53 : f32 to vector<16xf32>
      %mul3A_55 = arith.mulf %mul3A_54, %add3A_52 : vector<16xf32>
      %add3A_56 = arith.constant 1.000000e+00 : f32
      %add3A_57 = vector.broadcast %add3A_56 : f32 to vector<16xf32>
      %add3A_58 = arith.addf %mul3A_55, %add3A_57 : vector<16xf32>
      %div3A = arith.divf %add3A_52, %add3A_58 : vector<16xf32>
      %add3A_59 = arith.addf %add3A_58, %div3A : vector<16xf32>
      %mul3A_60 = arith.constant 5.000000e-01 : f32
      %mul3A_61 = vector.broadcast %mul3A_60 : f32 to vector<16xf32>
      %mul3A_62 = arith.mulf %mul3A_61, %add3A_59 : vector<16xf32>
      %div3A_63 = arith.divf %add3A_52, %mul3A_62 : vector<16xf32>
      %add3A_64 = arith.addf %mul3A_62, %div3A_63 : vector<16xf32>
      %mul3A_65 = arith.constant 5.000000e-01 : f32
      %mul3A_66 = vector.broadcast %mul3A_65 : f32 to vector<16xf32>
      %mul3A_67 = arith.mulf %mul3A_66, %add3A_64 : vector<16xf32>
      %div3A_68 = arith.divf %add3A_52, %mul3A_67 : vector<16xf32>
      %add3A_69 = arith.addf %mul3A_67, %div3A_68 : vector<16xf32>
      %mul3A_70 = arith.constant 5.000000e-01 : f32
      %mul3A_71 = vector.broadcast %mul3A_70 : f32 to vector<16xf32>
      %mul3A_72 = arith.mulf %mul3A_71, %add3A_69 : vector<16xf32>
      %div3A_73 = arith.divf %add3A_52, %mul3A_72 : vector<16xf32>
      %add3A_74 = arith.addf %mul3A_72, %div3A_73 : vector<16xf32>
      %mul3A_75 = arith.constant 5.000000e-01 : f32
      %mul3A_76 = vector.broadcast %mul3A_75 : f32 to vector<16xf32>
      %mul3A_77 = arith.mulf %mul3A_76, %add3A_74 : vector<16xf32>
      %div3A_78 = arith.divf %add3A_52, %mul3A_77 : vector<16xf32>
      %add3A_79 = arith.addf %mul3A_77, %div3A_78 : vector<16xf32>
      %mul3A_80 = arith.constant 5.000000e-01 : f32
      %mul3A_81 = vector.broadcast %mul3A_80 : f32 to vector<16xf32>
      %mul3A_82 = arith.mulf %mul3A_81, %add3A_79 : vector<16xf32>
      %div3A_83 = arith.divf %add3A_52, %mul3A_82 : vector<16xf32>
      %add3A_84 = arith.addf %mul3A_82, %div3A_83 : vector<16xf32>
      %mul3A_85 = arith.constant 5.000000e-01 : f32
      %mul3A_86 = vector.broadcast %mul3A_85 : f32 to vector<16xf32>
      %mul3A_87 = arith.mulf %mul3A_86, %add3A_84 : vector<16xf32>
      %div3A_88 = arith.divf %add3A_52, %mul3A_87 : vector<16xf32>
      %add3A_89 = arith.addf %mul3A_87, %div3A_88 : vector<16xf32>
      %mul3A_90 = arith.constant 5.000000e-01 : f32
      %mul3A_91 = vector.broadcast %mul3A_90 : f32 to vector<16xf32>
      %mul3A_92 = arith.mulf %mul3A_91, %add3A_89 : vector<16xf32>
      %div3A_93 = arith.divf %add3A_52, %mul3A_92 : vector<16xf32>
      %add3A_94 = arith.addf %mul3A_92, %div3A_93 : vector<16xf32>
      %mul3A_95 = arith.constant 5.000000e-01 : f32
      %mul3A_96 = vector.broadcast %mul3A_95 : f32 to vector<16xf32>
      %mul3A_97 = arith.mulf %mul3A_96, %add3A_94 : vector<16xf32>
      %div3A_98 = arith.divf %add3A_52, %mul3A_97 : vector<16xf32>
      %add3A_99 = arith.addf %mul3A_97, %div3A_98 : vector<16xf32>
      %mul3A_100 = arith.constant 5.000000e-01 : f32
      %mul3A_101 = vector.broadcast %mul3A_100 : f32 to vector<16xf32>
      %mul3A_102 = arith.mulf %mul3A_101, %add3A_99 : vector<16xf32>
      %div3A_103 = arith.divf %add3A_52, %mul3A_102 : vector<16xf32>
      %add3A_104 = arith.addf %mul3A_102, %div3A_103 : vector<16xf32>
      %mul3A_105 = arith.constant 5.000000e-01 : f32
      %mul3A_106 = vector.broadcast %mul3A_105 : f32 to vector<16xf32>
      %mul3A_107 = arith.mulf %mul3A_106, %add3A_104 : vector<16xf32>
      %div3A_108 = arith.divf %add3A_52, %mul3A_107 : vector<16xf32>
      %add3A_109 = arith.addf %mul3A_107, %div3A_108 : vector<16xf32>
      %mul3A_110 = arith.constant 5.000000e-01 : f32
      %mul3A_111 = vector.broadcast %mul3A_110 : f32 to vector<16xf32>
      %mul3A_112 = arith.mulf %mul3A_111, %add3A_109 : vector<16xf32>
      %div3A_113 = arith.divf %add3A_52, %mul3A_112 : vector<16xf32>
      %add3A_114 = arith.addf %mul3A_112, %div3A_113 : vector<16xf32>
      %mul3A_115 = arith.constant 5.000000e-01 : f32
      %mul3A_116 = vector.broadcast %mul3A_115 : f32 to vector<16xf32>
      %mul3A_117 = arith.mulf %mul3A_116, %add3A_114 : vector<16xf32>
      %div3A_118 = arith.constant 1.000000e+00 : f32
      %div3A_119 = vector.broadcast %div3A_118 : f32 to vector<16xf32>
      %div3A_120 = arith.divf %div3A_119, %mul3A_117 : vector<16xf32>
      %mul3A_121 = arith.constant 16 : i32
      %mul3A_122 = arith.muli %add3A_45, %mul3A_121 : i32
      %swap3A = arith.index_cast %mul3A_122 : i32 to index
      %swap3A_123 = tpu.vector_load %arg12[%swap3A] {strides = array<i32>} : memref<6272xf32, #tpu.memory_space<vmem>>, vector<16xf32>,
      %swap3A_124 = vector.shape_cast %swap3A_123 : vector<16xf32> to vector<16xf32>
      %swap3A_125 = vector.shape_cast %div3A_120 : vector<16xf32> to vector<16xf32>
      tpu.vector_store %arg12[%swap3A], %swap3A_125 {strides = array<i32>} : memref<6272xf32, #tpu.memory_space<vmem>>, vector<16xf32>,
      %mul3A_126 = arith.constant 16 : i32
      %mul3A_127 = arith.muli %add3A_45, %mul3A_126 : i32
      %get3A_128 = arith.index_cast %mul3A_127 : i32 to index
      %get3A_129 = tpu.vector_load %arg13[%get3A_128] {strides = array<i32>} : memref<6272xf32, #tpu.memory_space<vmem>>, vector<16xf32>,
      %get3A_130 = vector.shape_cast %get3A_129 : vector<16xf32> to vector<16xf32>
      %mul3A_131 = arith.mulf %get3A_130, %div3A_120 : vector<16xf32>
      %mul3A_132 = arith.constant 16 : i32
      %mul3A_133 = arith.muli %add3A_45, %mul3A_132 : i32
      %swap3A_134 = arith.index_cast %mul3A_133 : i32 to index
      %swap3A_135 = tpu.vector_load %arg13[%swap3A_134] {strides = array<i32>} : memref<6272xf32, #tpu.memory_space<vmem>>, vector<16xf32>,
      %swap3A_136 = vector.shape_cast %swap3A_135 : vector<16xf32> to vector<16xf32>
      %swap3A_137 = vector.shape_cast %mul3A_131 : vector<16xf32> to vector<16xf32>
      tpu.vector_store %arg13[%swap3A_134], %swap3A_137 {strides = array<i32>} : memref<6272xf32, #tpu.memory_space<vmem>>, vector<16xf32>,
    }
    %scan3A_27 = arith.constant 392 : i32
    "tpu.region"() ({
      %run_scoped3A = tpu.sem_alloc : memref<!tpu.dma_semaphore, #tpu.memory_space<semaphore_mem>>
      %dma_start3A = tpu.memref_slice %arg15[%mul3A_22] : memref<100352xf32, #tpu.memory_space<vmem_shared>> -> memref<6272xf32, #tpu.memory_space<vmem_shared>>
      %dma_start3A_41 = tpu.memref_slice %arg15[%mul3A_22] : memref<100352xf32, #tpu.memory_space<vmem_shared>> -> memref<6272xf32, #tpu.memory_space<vmem_shared>>
      tpu.enqueue_dma source(%arg13 : memref<6272xf32, #tpu.memory_space<vmem>>) target(%dma_start3A_41 : memref<6272xf32, #tpu.memory_space<vmem_shared>>) target_semaphore(%run_scoped3A : memref<!tpu.dma_semaphore, #tpu.memory_space<semaphore_mem>>)
      %dma_wait3A = tpu.memref_slice %arg15[%mul3A_22] : memref<100352xf32, #tpu.memory_space<vmem_shared>> -> memref<6272xf32, #tpu.memory_space<vmem_shared>>
      %dma_wait3A_42 = tpu.memref_slice %arg15[%mul3A_22] : memref<100352xf32, #tpu.memory_space<vmem_shared>> -> memref<6272xf32, #tpu.memory_space<vmem_shared>>
      tpu.wait_dma2 semaphore(%run_scoped3A : memref<!tpu.dma_semaphore, #tpu.memory_space<semaphore_mem>>) src(%arg13 : memref<6272xf32, #tpu.memory_space<vmem>>) dst(%dma_wait3A_42 : memref<6272xf32, #tpu.memory_space<vmem_shared>>)
      tpu.yield
    }) : () -> ()
    %eq3A = arith.constant 0 : i32
    %eq3A_28 = arith.cmpi eq, %arg0, %eq3A : i32
    %convert_element_type3A = arith.extui %eq3A_28 : i1 to i32
    %cond3A = arith.constant 0 : i32
    %cond3A_29 = arith.cmpi ne, %convert_element_type3A, %cond3A : i32
    scf.if %cond3A_29 {
      "tpu.region"() ({
        %run_scoped3A = tpu.sem_alloc : memref<!tpu.dma_semaphore, #tpu.memory_space<semaphore_mem>>
        %dma_start3A = tpu.memref_slice %arg5[%mul3A_22] : memref<100352xf32, #tpu.memory_space<hbm>> -> memref<6272xf32, #tpu.memory_space<hbm>>
        %dma_start3A_41 = tpu.memref_slice %arg5[%mul3A_22] : memref<100352xf32, #tpu.memory_space<hbm>> -> memref<6272xf32, #tpu.memory_space<hbm>>
        tpu.enqueue_dma source(%arg12 : memref<6272xf32, #tpu.memory_space<vmem>>) target(%dma_start3A_41 : memref<6272xf32, #tpu.memory_space<hbm>>) target_semaphore(%run_scoped3A : memref<!tpu.dma_semaphore, #tpu.memory_space<semaphore_mem>>)
        %dma_wait3A = tpu.memref_slice %arg5[%mul3A_22] : memref<100352xf32, #tpu.memory_space<hbm>> -> memref<6272xf32, #tpu.memory_space<hbm>>
        %dma_wait3A_42 = tpu.memref_slice %arg5[%mul3A_22] : memref<100352xf32, #tpu.memory_space<hbm>> -> memref<6272xf32, #tpu.memory_space<hbm>>
        tpu.wait_dma2 semaphore(%run_scoped3A : memref<!tpu.dma_semaphore, #tpu.memory_space<semaphore_mem>>) src(%arg12 : memref<6272xf32, #tpu.memory_space<vmem>>) dst(%dma_wait3A_42 : memref<6272xf32, #tpu.memory_space<hbm>>)
        tpu.yield
      }) : () -> ()
      "tpu.region"() ({
        %run_scoped3A = tpu.sem_alloc : memref<!tpu.dma_semaphore, #tpu.memory_space<semaphore_mem>>
        %dma_start3A = tpu.memref_slice %arg6[%mul3A_22] : memref<100352xf32, #tpu.memory_space<hbm>> -> memref<6272xf32, #tpu.memory_space<hbm>>
        %dma_start3A_41 = tpu.memref_slice %arg6[%mul3A_22] : memref<100352xf32, #tpu.memory_space<hbm>> -> memref<6272xf32, #tpu.memory_space<hbm>>
        tpu.enqueue_dma source(%arg13 : memref<6272xf32, #tpu.memory_space<vmem>>) target(%dma_start3A_41 : memref<6272xf32, #tpu.memory_space<hbm>>) target_semaphore(%run_scoped3A : memref<!tpu.dma_semaphore, #tpu.memory_space<semaphore_mem>>)
        %dma_wait3A = tpu.memref_slice %arg6[%mul3A_22] : memref<100352xf32, #tpu.memory_space<hbm>> -> memref<6272xf32, #tpu.memory_space<hbm>>
        %dma_wait3A_42 = tpu.memref_slice %arg6[%mul3A_22] : memref<100352xf32, #tpu.memory_space<hbm>> -> memref<6272xf32, #tpu.memory_space<hbm>>
        tpu.wait_dma2 semaphore(%run_scoped3A : memref<!tpu.dma_semaphore, #tpu.memory_space<semaphore_mem>>) src(%arg13 : memref<6272xf32, #tpu.memory_space<vmem>>) dst(%dma_wait3A_42 : memref<6272xf32, #tpu.memory_space<hbm>>)
        tpu.yield
      }) : () -> ()
    } else {
    }
    %barrier3A_30 = arith.constant 0 : index
    tpu.barrier barrier_id(%barrier3A_30)
    %scan3A_31 = arith.constant 0 : i32
    %scan3A_32 = arith.constant 49 : i32
    %scan3A_33 = arith.addi %scan3A_31, %scan3A_32 : i32
    %scan3A_34 = arith.constant 1 : i32
    scf.for %scan3A_41 = %scan3A_31 to %scan3A_33 step %scan3A_34  : i32 {
      %mul3A_42 = arith.constant 1 : i32
      %mul3A_43 = arith.muli %scan3A_41, %mul3A_42 : i32
      %add3A_44 = arith.constant 0 : i32
      %add3A_45 = arith.addi %add3A_44, %mul3A_43 : i32
      %mul3A_46 = arith.constant 50176 : i32
      %mul3A_47 = arith.muli %add3A, %mul3A_46 : i32
      %mul3A_48 = arith.constant 1024 : i32
      %mul3A_49 = arith.muli %add3A_45, %mul3A_48 : i32
      %add3A_50 = arith.addi %mul3A_47, %mul3A_49 : i32
      "tpu.region"() ({
        %run_scoped3A = tpu.sem_alloc : memref<!tpu.dma_semaphore, #tpu.memory_space<semaphore_mem>>
        %dma_start3A = tpu.memref_slice %arg3[%add3A_50] : memref<1605632xi32, #tpu.memory_space<hbm>> -> memref<1024xi32, #tpu.memory_space<hbm>>
        %dma_start3A_51 = tpu.memref_slice %arg3[%add3A_50] : memref<1605632xi32, #tpu.memory_space<hbm>> -> memref<1024xi32, #tpu.memory_space<hbm>>
        tpu.enqueue_dma source(%dma_start3A_51 : memref<1024xi32, #tpu.memory_space<hbm>>) target(%arg8 : memref<1024xi32, #tpu.memory_space<vmem>>) target_semaphore(%run_scoped3A : memref<!tpu.dma_semaphore, #tpu.memory_space<semaphore_mem>>)
        %dma_wait3A = tpu.memref_slice %arg3[%add3A_50] : memref<1605632xi32, #tpu.memory_space<hbm>> -> memref<1024xi32, #tpu.memory_space<hbm>>
        %dma_wait3A_52 = tpu.memref_slice %arg3[%add3A_50] : memref<1605632xi32, #tpu.memory_space<hbm>> -> memref<1024xi32, #tpu.memory_space<hbm>>
        tpu.wait_dma2 semaphore(%run_scoped3A : memref<!tpu.dma_semaphore, #tpu.memory_space<semaphore_mem>>) src(%dma_wait3A_52 : memref<1024xi32, #tpu.memory_space<hbm>>) dst(%arg8 : memref<1024xi32, #tpu.memory_space<vmem>>)
        tpu.yield
      }) : () -> ()
      "tpu.region"() ({
        %run_scoped3A = tpu.sem_alloc : memref<!tpu.dma_semaphore, #tpu.memory_space<semaphore_mem>>
        %dma_start3A = arith.constant 0 : i32
        %dma_start3A_51 = tpu.memref_slice %arg15[%dma_start3A] : memref<100352xf32, #tpu.memory_space<vmem_shared>> -> memref<100352xf32, #tpu.memory_space<vmem_shared>>
        tpu.enqueue_indirect_dma source(%dma_start3A_51 : memref<100352xf32, #tpu.memory_space<vmem_shared>>) target(%arg10 : memref<1024xf32, #tpu.memory_space<vmem>>) offsets(%arg8 : memref<1024xi32, #tpu.memory_space<vmem>>) semaphore(%run_scoped3A : memref<!tpu.dma_semaphore, #tpu.memory_space<semaphore_mem>>)
        %dma_wait3A = arith.constant 0 : i32
        %dma_wait3A_52 = tpu.memref_slice %arg15[%dma_wait3A] : memref<100352xf32, #tpu.memory_space<vmem_shared>> -> memref<100352xf32, #tpu.memory_space<vmem_shared>>
        tpu.wait_indirect_dma semaphore(%run_scoped3A : memref<!tpu.dma_semaphore, #tpu.memory_space<semaphore_mem>>) src(%dma_wait3A_52 : memref<100352xf32, #tpu.memory_space<vmem_shared>>) dst(%arg10 : memref<1024xf32, #tpu.memory_space<vmem>>)
        tpu.yield
      }) : () -> ()
      "tpu.region"() ({
        %run_scoped3A = tpu.sem_alloc : memref<!tpu.dma_semaphore, #tpu.memory_space<semaphore_mem>>
        %dma_start3A = tpu.memref_slice %arg4[%add3A_50] : memref<1605632xi32, #tpu.memory_space<hbm>> -> memref<1024xi32, #tpu.memory_space<hbm>>
        %dma_start3A_51 = tpu.memref_slice %arg4[%add3A_50] : memref<1605632xi32, #tpu.memory_space<hbm>> -> memref<1024xi32, #tpu.memory_space<hbm>>
        tpu.enqueue_dma source(%dma_start3A_51 : memref<1024xi32, #tpu.memory_space<hbm>>) target(%arg9 : memref<1024xi32, #tpu.memory_space<vmem>>) target_semaphore(%run_scoped3A : memref<!tpu.dma_semaphore, #tpu.memory_space<semaphore_mem>>)
        %dma_wait3A = tpu.memref_slice %arg4[%add3A_50] : memref<1605632xi32, #tpu.memory_space<hbm>> -> memref<1024xi32, #tpu.memory_space<hbm>>
        %dma_wait3A_52 = tpu.memref_slice %arg4[%add3A_50] : memref<1605632xi32, #tpu.memory_space<hbm>> -> memref<1024xi32, #tpu.memory_space<hbm>>
        tpu.wait_dma2 semaphore(%run_scoped3A : memref<!tpu.dma_semaphore, #tpu.memory_space<semaphore_mem>>) src(%dma_wait3A_52 : memref<1024xi32, #tpu.memory_space<hbm>>) dst(%arg9 : memref<1024xi32, #tpu.memory_space<vmem>>)
        tpu.yield
      }) : () -> ()
      "tpu.region"() ({
        %run_scoped3A = tpu.sem_alloc : memref<!tpu.dma_semaphore, #tpu.memory_space<semaphore_mem>>
        %dma_start3A = arith.constant 0 : i32
        %dma_start3A_51 = tpu.memref_slice %arg16[%dma_start3A] : memref<100352xf32, #tpu.memory_space<vmem_shared>> -> memref<100352xf32, #tpu.memory_space<vmem_shared>>
        tpu.enqueue_indirect_dma source(%arg10 : memref<1024xf32, #tpu.memory_space<vmem>>) target(%dma_start3A_51 : memref<100352xf32, #tpu.memory_space<vmem_shared>>) offsets(%arg9 : memref<1024xi32, #tpu.memory_space<vmem>>) semaphore(%run_scoped3A : memref<!tpu.dma_semaphore, #tpu.memory_space<semaphore_mem>>) {add = true}
        %dma_wait3A = arith.constant 0 : i32
        %dma_wait3A_52 = tpu.memref_slice %arg16[%dma_wait3A] : memref<100352xf32, #tpu.memory_space<vmem_shared>> -> memref<100352xf32, #tpu.memory_space<vmem_shared>>
        tpu.wait_indirect_dma semaphore(%run_scoped3A : memref<!tpu.dma_semaphore, #tpu.memory_space<semaphore_mem>>) src(%arg10 : memref<1024xf32, #tpu.memory_space<vmem>>) dst(%dma_wait3A_52 : memref<100352xf32, #tpu.memory_space<vmem_shared>>)
        tpu.yield
      }) : () -> ()
    }
    %scan3A_35 = arith.constant 49 : i32
    %barrier3A_36 = arith.constant 0 : index
    tpu.barrier barrier_id(%barrier3A_36)
    %mul3A_37 = arith.constant 6272 : i32
    %mul3A_38 = arith.muli %arg1, %mul3A_37 : i32
    %mul3A_39 = arith.constant 6272 : i32
    %mul3A_40 = arith.muli %arg1, %mul3A_39 : i32
    "tpu.region"() ({
      %run_scoped3A = tpu.sem_alloc : memref<!tpu.dma_semaphore, #tpu.memory_space<semaphore_mem>>
      %dma_start3A = tpu.memref_slice %arg7[%arg0, %mul3A_40] : memref<2x100352xf32, #tpu.memory_space<hbm>> -> memref<1x6272xf32, #tpu.memory_space<hbm>>
      %dma_start3A_41 = tpu.memref_squeeze %dma_start3A : memref<1x6272xf32, #tpu.memory_space<hbm>> -> memref<6272xf32, #tpu.memory_space<hbm>>
      %dma_start3A_42 = tpu.memref_slice %arg16[%mul3A_38] : memref<100352xf32, #tpu.memory_space<vmem_shared>> -> memref<6272xf32, #tpu.memory_space<vmem_shared>>
      tpu.enqueue_dma source(%dma_start3A_42 : memref<6272xf32, #tpu.memory_space<vmem_shared>>) target(%dma_start3A_41 : memref<6272xf32, #tpu.memory_space<hbm>>) target_semaphore(%run_scoped3A : memref<!tpu.dma_semaphore, #tpu.memory_space<semaphore_mem>>)
      %dma_wait3A = tpu.memref_slice %arg7[%arg0, %mul3A_40] : memref<2x100352xf32, #tpu.memory_space<hbm>> -> memref<1x6272xf32, #tpu.memory_space<hbm>>
      %dma_wait3A_43 = tpu.memref_squeeze %dma_wait3A : memref<1x6272xf32, #tpu.memory_space<hbm>> -> memref<6272xf32, #tpu.memory_space<hbm>>
      %dma_wait3A_44 = tpu.memref_slice %arg16[%mul3A_38] : memref<100352xf32, #tpu.memory_space<vmem_shared>> -> memref<6272xf32, #tpu.memory_space<vmem_shared>>
      tpu.wait_dma2 semaphore(%run_scoped3A : memref<!tpu.dma_semaphore, #tpu.memory_space<semaphore_mem>>) src(%dma_wait3A_44 : memref<6272xf32, #tpu.memory_space<vmem_shared>>) dst(%dma_wait3A_43 : memref<6272xf32, #tpu.memory_space<hbm>>)
      tpu.yield
    }) : () -> ()
    return
  }
}

module attributes {stable_mosaic.version = 14 : i64} {
  func.func @body(%arg0: i32, %arg1: memref<2x2048x1xf32, #tpu.memory_space<vmem>>, %arg2: memref<2048x1xf32, #tpu.memory_space<vmem>>, %arg3: memref<2048x1xf32, #tpu.memory_space<vmem>>, %arg4: memref<1x32xf32, #tpu.memory_space<vmem>>, %arg5: memref<1x32xf32, #tpu.memory_space<vmem>>, %arg6: memref<32x32xf32, #tpu.memory_space<vmem>>, %arg7: memref<2x2048x16xf32, #tpu.memory_space<vmem>>) attributes {dimension_semantics = [#tpu.dimension_semantics<arbitrary>], iteration_bounds = array<i64: 49>, scalar_prefetch = 0 : i64, scratch_operands = 0 : i64, tpu.core_type = #tpu.core_type<tc>, window_params = [{transform_indices = @transform_0, window_bounds = array<i64: 2, 2048, 1>}, {transform_indices = @transform_1, window_bounds = array<i64: 2048, 1>}, {transform_indices = @transform_2, window_bounds = array<i64: 2048, 1>}, {pipeline_mode = #tpu.pipeline_mode<synchronous>, transform_indices = @transform_3, window_bounds = array<i64: 1, 32>}, {pipeline_mode = #tpu.pipeline_mode<synchronous>, transform_indices = @transform_4, window_bounds = array<i64: 1, 32>}, {pipeline_mode = #tpu.pipeline_mode<synchronous>, transform_indices = @transform_5, window_bounds = array<i64: 32, 32>}, {transform_indices = @transform_6, window_bounds = array<i64: 2, 2048, 16>}]} {
    %get3A = arith.constant 0 : index
    %get3A_0 = arith.constant 0 : index
    %get3A_1 = vector.load %arg3[%get3A, %get3A_0] : memref<2048x1xf32, #tpu.memory_space<vmem>>, vector<2048x1xf32>
    %get3A_2 = arith.constant 0 : index
    %get3A_3 = arith.constant 0 : index
    %get3A_4 = arith.constant 0 : index
    %get3A_5 = vector.load %arg1[%get3A_2, %get3A_3, %get3A_4] : memref<2x2048x1xf32, #tpu.memory_space<vmem>>, vector<1x2048x1xf32>
    %get3A_6 = vector.shape_cast %get3A_5 : vector<1x2048x1xf32> to vector<2048x1xf32>
    %get3A_7 = arith.constant 1 : index
    %get3A_8 = arith.constant 0 : index
    %get3A_9 = arith.constant 0 : index
    %get3A_10 = vector.load %arg1[%get3A_7, %get3A_8, %get3A_9] : memref<2x2048x1xf32, #tpu.memory_space<vmem>>, vector<1x2048x1xf32>
    %get3A_11 = vector.shape_cast %get3A_10 : vector<1x2048x1xf32> to vector<2048x1xf32>
    %add3A = arith.addf %get3A_6, %get3A_11 : vector<2048x1xf32>
    %get3A_12 = arith.constant 0 : index
    %get3A_13 = arith.constant 0 : index
    %get3A_14 = vector.load %arg2[%get3A_12, %get3A_13] : memref<2048x1xf32, #tpu.memory_space<vmem>>, vector<2048x1xf32>
    %add3A_15 = arith.addf %add3A, %get3A_14 : vector<2048x1xf32>
    %mul3A = arith.mulf %get3A_1, %add3A_15 : vector<2048x1xf32>
    %get3A_16 = arith.constant 0 : index
    %get3A_17 = arith.constant 0 : index
    %get3A_18 = vector.load %arg4[%get3A_16, %get3A_17] : memref<1x32xf32, #tpu.memory_space<vmem>>, vector<1x32xf32>
    %mul3A_19 = vector.broadcast %mul3A : vector<2048x1xf32> to vector<2048x32xf32>
    %mul3A_20 = vector.broadcast %get3A_18 : vector<1x32xf32> to vector<2048x32xf32>
    %mul3A_21 = arith.mulf %mul3A_19, %mul3A_20 : vector<2048x32xf32>
    %get3A_22 = arith.constant 0 : index
    %get3A_23 = arith.constant 0 : index
    %get3A_24 = vector.load %arg5[%get3A_22, %get3A_23] : memref<1x32xf32, #tpu.memory_space<vmem>>, vector<1x32xf32>
    %add3A_25 = vector.broadcast %get3A_24 : vector<1x32xf32> to vector<2048x32xf32>
    %add3A_26 = arith.addf %mul3A_21, %add3A_25 : vector<2048x32xf32>
    %max3A = arith.constant 0.000000e+00 : f32
    %max3A_27 = vector.broadcast %max3A : f32 to vector<2048x32xf32>
    %max3A_28 = arith.maximumf %add3A_26, %max3A_27 : vector<2048x32xf32>
    %get3A_29 = arith.constant 0 : index
    %get3A_30 = arith.constant 0 : index
    %get3A_31 = vector.load %arg6[%get3A_29, %get3A_30] : memref<32x32xf32, #tpu.memory_space<vmem>>, vector<32x32xf32>
    %dot_general3A = arith.constant dense<0.000000e+00> : vector<2048x32xf32>
    %dot_general3A_32 = tpu.matmul %max3A_28, %get3A_31, %dot_general3A {dimension_numbers = #tpu.dot_dimension_numbers<[1], [0], [0], [1], [0, 0, 1, 1], [], []>, transpose_lhs_hint = false} : vector<2048x32xf32>, vector<32x32xf32>, vector<2048x32xf32> -> vector<2048x32xf32>
    %mul3A_33 = vector.broadcast %get3A_1 : vector<2048x1xf32> to vector<2048x32xf32>
    %mul3A_34 = arith.mulf %dot_general3A_32, %mul3A_33 : vector<2048x32xf32>
    %slice3A = vector.extract_strided_slice %mul3A_34 {offsets = [0, 0], sizes = [2048, 16], strides = [1, 1]} : vector<2048x32xf32> to vector<2048x16xf32>
    %swap3A = arith.constant 0 : index
    %swap3A_35 = arith.constant 0 : index
    %swap3A_36 = arith.constant 0 : index
    %swap3A_37 = vector.load %arg7[%swap3A, %swap3A_35, %swap3A_36] : memref<2x2048x16xf32, #tpu.memory_space<vmem>>, vector<1x2048x16xf32>
    %swap3A_38 = vector.shape_cast %swap3A_37 : vector<1x2048x16xf32> to vector<2048x16xf32>
    %swap3A_39 = vector.shape_cast %slice3A : vector<2048x16xf32> to vector<1x2048x16xf32>
    tpu.vector_store %arg7[%swap3A, %swap3A_35, %swap3A_36], %swap3A_39 {strides = array<i32>} : memref<2x2048x16xf32, #tpu.memory_space<vmem>>, vector<1x2048x16xf32>,
    %slice3A_40 = vector.extract_strided_slice %mul3A_34 {offsets = [0, 16], sizes = [2048, 16], strides = [1, 1]} : vector<2048x32xf32> to vector<2048x16xf32>
    %swap3A_41 = arith.constant 1 : index
    %swap3A_42 = arith.constant 0 : index
    %swap3A_43 = arith.constant 0 : index
    %swap3A_44 = vector.load %arg7[%swap3A_41, %swap3A_42, %swap3A_43] : memref<2x2048x16xf32, #tpu.memory_space<vmem>>, vector<1x2048x16xf32>
    %swap3A_45 = vector.shape_cast %swap3A_44 : vector<1x2048x16xf32> to vector<2048x16xf32>
    %swap3A_46 = vector.shape_cast %slice3A_40 : vector<2048x16xf32> to vector<1x2048x16xf32>
    tpu.vector_store %arg7[%swap3A_41, %swap3A_42, %swap3A_43], %swap3A_46 {strides = array<i32>} : memref<2x2048x16xf32, #tpu.memory_space<vmem>>, vector<1x2048x16xf32>,
    return
  }
  func.func @transform_0(%arg0: i32) -> (i32, i32, i32) {
    %c0_i32 = arith.constant 0 : i32
    %c0_i32_0 = arith.constant 0 : i32
    %c0_i32_1 = arith.constant 0 : i32
    return %c0_i32, %arg0, %c0_i32_0 : i32, i32, i32
  }
  func.func @transform_1(%arg0: i32) -> (i32, i32) {
    %c0_i32 = arith.constant 0 : i32
    %c0_i32_0 = arith.constant 0 : i32
    return %arg0, %c0_i32 : i32, i32
  }
  func.func @transform_2(%arg0: i32) -> (i32, i32) {
    %c0_i32 = arith.constant 0 : i32
    %c0_i32_0 = arith.constant 0 : i32
    return %arg0, %c0_i32 : i32, i32
  }
  func.func @transform_3(%arg0: i32) -> (i32, i32) {
    %c0_i32 = arith.constant 0 : i32
    %c0_i32_0 = arith.constant 0 : i32
    %c0_i32_1 = arith.constant 0 : i32
    return %c0_i32, %c0_i32_0 : i32, i32
  }
  func.func @transform_4(%arg0: i32) -> (i32, i32) {
    %c0_i32 = arith.constant 0 : i32
    %c0_i32_0 = arith.constant 0 : i32
    %c0_i32_1 = arith.constant 0 : i32
    return %c0_i32, %c0_i32_0 : i32, i32
  }
  func.func @transform_5(%arg0: i32) -> (i32, i32) {
    %c0_i32 = arith.constant 0 : i32
    %c0_i32_0 = arith.constant 0 : i32
    %c0_i32_1 = arith.constant 0 : i32
    return %c0_i32, %c0_i32_0 : i32, i32
  }
  func.func @transform_6(%arg0: i32) -> (i32, i32, i32) {
    %c0_i32 = arith.constant 0 : i32
    %c0_i32_0 = arith.constant 0 : i32
    %c0_i32_1 = arith.constant 0 : i32
    return %c0_i32, %arg0, %c0_i32_0 : i32, i32, i32
  }
}

module attributes {stable_mosaic.version = 14 : i64} {
  func.func @body(%arg0: i32, %arg1: memref<2x2x2048x16xf32, #tpu.memory_space<vmem>>, %arg2: memref<2x2048x16xf32, #tpu.memory_space<vmem>>, %arg3: memref<2048x1xf32, #tpu.memory_space<vmem>>, %arg4: memref<1x32xf32, #tpu.memory_space<vmem>>, %arg5: memref<32x32xf32, #tpu.memory_space<vmem>>, %arg6: memref<2x2048x16xf32, #tpu.memory_space<vmem>>) attributes {dimension_semantics = [#tpu.dimension_semantics<arbitrary>], iteration_bounds = array<i64: 49>, scalar_prefetch = 0 : i64, scratch_operands = 0 : i64, tpu.core_type = #tpu.core_type<tc>, window_params = [{transform_indices = @transform_0, window_bounds = array<i64: 2, 2, 2048, 16>}, {transform_indices = @transform_1, window_bounds = array<i64: 2, 2048, 16>}, {transform_indices = @transform_2, window_bounds = array<i64: 2048, 1>}, {pipeline_mode = #tpu.pipeline_mode<synchronous>, transform_indices = @transform_3, window_bounds = array<i64: 1, 32>}, {pipeline_mode = #tpu.pipeline_mode<synchronous>, transform_indices = @transform_4, window_bounds = array<i64: 32, 32>}, {transform_indices = @transform_5, window_bounds = array<i64: 2, 2048, 16>}]} {
    %get3A = arith.constant 0 : index
    %get3A_0 = arith.constant 0 : index
    %get3A_1 = vector.load %arg3[%get3A, %get3A_0] : memref<2048x1xf32, #tpu.memory_space<vmem>>, vector<2048x1xf32>
    %get3A_2 = arith.constant 0 : index
    %get3A_3 = arith.constant 0 : index
    %get3A_4 = arith.constant 0 : index
    %get3A_5 = vector.load %arg2[%get3A_2, %get3A_3, %get3A_4] : memref<2x2048x16xf32, #tpu.memory_space<vmem>>, vector<1x2048x16xf32>
    %get3A_6 = vector.shape_cast %get3A_5 : vector<1x2048x16xf32> to vector<2048x16xf32>
    %get3A_7 = arith.constant 1 : index
    %get3A_8 = arith.constant 0 : index
    %get3A_9 = arith.constant 0 : index
    %get3A_10 = vector.load %arg2[%get3A_7, %get3A_8, %get3A_9] : memref<2x2048x16xf32, #tpu.memory_space<vmem>>, vector<1x2048x16xf32>
    %get3A_11 = vector.shape_cast %get3A_10 : vector<1x2048x16xf32> to vector<2048x16xf32>
    %concatenate3A = tpu.concatenate %get3A_6, %get3A_11 in 1 : vector<2048x16xf32>, vector<2048x16xf32> -> vector<2048x32xf32>
    %get3A_12 = arith.constant 0 : index
    %get3A_13 = arith.constant 0 : index
    %get3A_14 = arith.constant 0 : index
    %get3A_15 = arith.constant 0 : index
    %get3A_16 = vector.load %arg1[%get3A_12, %get3A_13, %get3A_14, %get3A_15] : memref<2x2x2048x16xf32, #tpu.memory_space<vmem>>, vector<1x1x2048x16xf32>
    %get3A_17 = vector.shape_cast %get3A_16 : vector<1x1x2048x16xf32> to vector<2048x16xf32>
    %get3A_18 = arith.constant 1 : index
    %get3A_19 = arith.constant 0 : index
    %get3A_20 = arith.constant 0 : index
    %get3A_21 = arith.constant 0 : index
    %get3A_22 = vector.load %arg1[%get3A_18, %get3A_19, %get3A_20, %get3A_21] : memref<2x2x2048x16xf32, #tpu.memory_space<vmem>>, vector<1x1x2048x16xf32>
    %get3A_23 = vector.shape_cast %get3A_22 : vector<1x1x2048x16xf32> to vector<2048x16xf32>
    %add3A = arith.addf %get3A_17, %get3A_23 : vector<2048x16xf32>
    %get3A_24 = arith.constant 0 : index
    %get3A_25 = arith.constant 1 : index
    %get3A_26 = arith.constant 0 : index
    %get3A_27 = arith.constant 0 : index
    %get3A_28 = vector.load %arg1[%get3A_24, %get3A_25, %get3A_26, %get3A_27] : memref<2x2x2048x16xf32, #tpu.memory_space<vmem>>, vector<1x1x2048x16xf32>
    %get3A_29 = vector.shape_cast %get3A_28 : vector<1x1x2048x16xf32> to vector<2048x16xf32>
    %get3A_30 = arith.constant 1 : index
    %get3A_31 = arith.constant 1 : index
    %get3A_32 = arith.constant 0 : index
    %get3A_33 = arith.constant 0 : index
    %get3A_34 = vector.load %arg1[%get3A_30, %get3A_31, %get3A_32, %get3A_33] : memref<2x2x2048x16xf32, #tpu.memory_space<vmem>>, vector<1x1x2048x16xf32>
    %get3A_35 = vector.shape_cast %get3A_34 : vector<1x1x2048x16xf32> to vector<2048x16xf32>
    %add3A_36 = arith.addf %get3A_29, %get3A_35 : vector<2048x16xf32>
    %concatenate3A_37 = tpu.concatenate %add3A, %add3A_36 in 1 : vector<2048x16xf32>, vector<2048x16xf32> -> vector<2048x32xf32>
    %add3A_38 = arith.addf %concatenate3A_37, %concatenate3A : vector<2048x32xf32>
    %mul3A = vector.broadcast %get3A_1 : vector<2048x1xf32> to vector<2048x32xf32>
    %mul3A_39 = arith.mulf %mul3A, %add3A_38 : vector<2048x32xf32>
    %get3A_40 = arith.constant 0 : index
    %get3A_41 = arith.constant 0 : index
    %get3A_42 = vector.load %arg4[%get3A_40, %get3A_41] : memref<1x32xf32, #tpu.memory_space<vmem>>, vector<1x32xf32>
    %add3A_43 = vector.broadcast %get3A_42 : vector<1x32xf32> to vector<2048x32xf32>
    %add3A_44 = arith.addf %mul3A_39, %add3A_43 : vector<2048x32xf32>
    %max3A = arith.constant 0.000000e+00 : f32
    %max3A_45 = vector.broadcast %max3A : f32 to vector<2048x32xf32>
    %max3A_46 = arith.maximumf %add3A_44, %max3A_45 : vector<2048x32xf32>
    %get3A_47 = arith.constant 0 : index
    %get3A_48 = arith.constant 0 : index
    %get3A_49 = vector.load %arg5[%get3A_47, %get3A_48] : memref<32x32xf32, #tpu.memory_space<vmem>>, vector<32x32xf32>
    %dot_general3A = arith.constant dense<0.000000e+00> : vector<2048x32xf32>
    %dot_general3A_50 = tpu.matmul %max3A_46, %get3A_49, %dot_general3A {dimension_numbers = #tpu.dot_dimension_numbers<[1], [0], [0], [1], [0, 0, 1, 1], [], []>, transpose_lhs_hint = false} : vector<2048x32xf32>, vector<32x32xf32>, vector<2048x32xf32> -> vector<2048x32xf32>
    %mul3A_51 = vector.broadcast %get3A_1 : vector<2048x1xf32> to vector<2048x32xf32>
    %mul3A_52 = arith.mulf %dot_general3A_50, %mul3A_51 : vector<2048x32xf32>
    %slice3A = vector.extract_strided_slice %mul3A_52 {offsets = [0, 0], sizes = [2048, 16], strides = [1, 1]} : vector<2048x32xf32> to vector<2048x16xf32>
    %swap3A = arith.constant 0 : index
    %swap3A_53 = arith.constant 0 : index
    %swap3A_54 = arith.constant 0 : index
    %swap3A_55 = vector.load %arg6[%swap3A, %swap3A_53, %swap3A_54] : memref<2x2048x16xf32, #tpu.memory_space<vmem>>, vector<1x2048x16xf32>
    %swap3A_56 = vector.shape_cast %swap3A_55 : vector<1x2048x16xf32> to vector<2048x16xf32>
    %swap3A_57 = vector.shape_cast %slice3A : vector<2048x16xf32> to vector<1x2048x16xf32>
    tpu.vector_store %arg6[%swap3A, %swap3A_53, %swap3A_54], %swap3A_57 {strides = array<i32>} : memref<2x2048x16xf32, #tpu.memory_space<vmem>>, vector<1x2048x16xf32>,
    %slice3A_58 = vector.extract_strided_slice %mul3A_52 {offsets = [0, 16], sizes = [2048, 16], strides = [1, 1]} : vector<2048x32xf32> to vector<2048x16xf32>
    %swap3A_59 = arith.constant 1 : index
    %swap3A_60 = arith.constant 0 : index
    %swap3A_61 = arith.constant 0 : index
    %swap3A_62 = vector.load %arg6[%swap3A_59, %swap3A_60, %swap3A_61] : memref<2x2048x16xf32, #tpu.memory_space<vmem>>, vector<1x2048x16xf32>
    %swap3A_63 = vector.shape_cast %swap3A_62 : vector<1x2048x16xf32> to vector<2048x16xf32>
    %swap3A_64 = vector.shape_cast %slice3A_58 : vector<2048x16xf32> to vector<1x2048x16xf32>
    tpu.vector_store %arg6[%swap3A_59, %swap3A_60, %swap3A_61], %swap3A_64 {strides = array<i32>} : memref<2x2048x16xf32, #tpu.memory_space<vmem>>, vector<1x2048x16xf32>,
    return
  }
  func.func @transform_0(%arg0: i32) -> (i32, i32, i32, i32) {
    %c0_i32 = arith.constant 0 : i32
    %c0_i32_0 = arith.constant 0 : i32
    %c0_i32_1 = arith.constant 0 : i32
    %c0_i32_2 = arith.constant 0 : i32
    return %c0_i32, %c0_i32_0, %arg0, %c0_i32_1 : i32, i32, i32, i32
  }
  func.func @transform_1(%arg0: i32) -> (i32, i32, i32) {
    %c0_i32 = arith.constant 0 : i32
    %c0_i32_0 = arith.constant 0 : i32
    %c0_i32_1 = arith.constant 0 : i32
    return %c0_i32, %arg0, %c0_i32_0 : i32, i32, i32
  }
  func.func @transform_2(%arg0: i32) -> (i32, i32) {
    %c0_i32 = arith.constant 0 : i32
    %c0_i32_0 = arith.constant 0 : i32
    return %arg0, %c0_i32 : i32, i32
  }
  func.func @transform_3(%arg0: i32) -> (i32, i32) {
    %c0_i32 = arith.constant 0 : i32
    %c0_i32_0 = arith.constant 0 : i32
    %c0_i32_1 = arith.constant 0 : i32
    return %c0_i32, %c0_i32_0 : i32, i32
  }
  func.func @transform_4(%arg0: i32) -> (i32, i32) {
    %c0_i32 = arith.constant 0 : i32
    %c0_i32_0 = arith.constant 0 : i32
    %c0_i32_1 = arith.constant 0 : i32
    return %c0_i32, %c0_i32_0 : i32, i32
  }
  func.func @transform_5(%arg0: i32) -> (i32, i32, i32) {
    %c0_i32 = arith.constant 0 : i32
    %c0_i32_0 = arith.constant 0 : i32
    %c0_i32_1 = arith.constant 0 : i32
    return %c0_i32, %arg0, %c0_i32_0 : i32, i32, i32
  }
}

module attributes {stable_mosaic.version = 14 : i64} {
  func.func @body(%arg0: i32, %arg1: memref<2x2x2048x16xf32, #tpu.memory_space<vmem>>, %arg2: memref<2x2048x16xf32, #tpu.memory_space<vmem>>, %arg3: memref<2048x1xf32, #tpu.memory_space<vmem>>, %arg4: memref<1x32xf32, #tpu.memory_space<vmem>>, %arg5: memref<32x32xf32, #tpu.memory_space<vmem>>, %arg6: memref<1x32xf32, #tpu.memory_space<vmem>>, %arg7: memref<32x1xf32, #tpu.memory_space<vmem>>, %arg8: memref<1x1xf32, #tpu.memory_space<vmem>>, %arg9: memref<2048x1xi32, #tpu.memory_space<vmem>>, %arg10: memref<32x32xf32, #tpu.memory_space<vmem>>, %arg11: memref<1x32xf32, #tpu.memory_space<vmem>>, %arg12: memref<32x2xf32, #tpu.memory_space<vmem>>, %arg13: memref<1x2xf32, #tpu.memory_space<vmem>>, %arg14: memref<2048x1xf32, #tpu.memory_space<vmem>>, %arg15: memref<64x2xf32, #tpu.memory_space<vmem>>, %arg16: memref<64x32xf32, #tpu.memory_space<vmem>>, %arg17: memref<64x1xf32, #tpu.memory_space<vmem>>) attributes {dimension_semantics = [#tpu.dimension_semantics<arbitrary>], iteration_bounds = array<i64: 49>, scalar_prefetch = 0 : i64, scratch_operands = 2 : i64, tpu.core_type = #tpu.core_type<tc>, window_params = [{transform_indices = @transform_0, window_bounds = array<i64: 2, 2, 2048, 16>}, {transform_indices = @transform_1, window_bounds = array<i64: 2, 2048, 16>}, {transform_indices = @transform_2, window_bounds = array<i64: 2048, 1>}, {pipeline_mode = #tpu.pipeline_mode<synchronous>, transform_indices = @transform_3, window_bounds = array<i64: 1, 32>}, {pipeline_mode = #tpu.pipeline_mode<synchronous>, transform_indices = @transform_4, window_bounds = array<i64: 32, 32>}, {pipeline_mode = #tpu.pipeline_mode<synchronous>, transform_indices = @transform_5, window_bounds = array<i64: 1, 32>}, {pipeline_mode = #tpu.pipeline_mode<synchronous>, transform_indices = @transform_6, window_bounds = array<i64: 32, 1>}, {pipeline_mode = #tpu.pipeline_mode<synchronous>, transform_indices = @transform_7, window_bounds = array<i64: 1, 1>}, {transform_indices = @transform_8, window_bounds = array<i64: 2048, 1>}, {pipeline_mode = #tpu.pipeline_mode<synchronous>, transform_indices = @transform_9, window_bounds = array<i64: 32, 32>}, {pipeline_mode = #tpu.pipeline_mode<synchronous>, transform_indices = @transform_10, window_bounds = array<i64: 1, 32>}, {pipeline_mode = #tpu.pipeline_mode<synchronous>, transform_indices = @transform_11, window_bounds = array<i64: 32, 2>}, {pipeline_mode = #tpu.pipeline_mode<synchronous>, transform_indices = @transform_12, window_bounds = array<i64: 1, 2>}, {transform_indices = @transform_13, window_bounds = array<i64: 2048, 1>}, {pipeline_mode = #tpu.pipeline_mode<synchronous>, transform_indices = @transform_14, window_bounds = array<i64: 64, 2>}]} {
    %get3A = arith.constant 0 : index
    %get3A_0 = arith.constant 0 : index
    %get3A_1 = vector.load %arg3[%get3A, %get3A_0] : memref<2048x1xf32, #tpu.memory_space<vmem>>, vector<2048x1xf32>
    %get3A_2 = arith.constant 0 : index
    %get3A_3 = arith.constant 0 : index
    %get3A_4 = arith.constant 0 : index
    %get3A_5 = vector.load %arg2[%get3A_2, %get3A_3, %get3A_4] : memref<2x2048x16xf32, #tpu.memory_space<vmem>>, vector<1x2048x16xf32>
    %get3A_6 = vector.shape_cast %get3A_5 : vector<1x2048x16xf32> to vector<2048x16xf32>
    %get3A_7 = arith.constant 1 : index
    %get3A_8 = arith.constant 0 : index
    %get3A_9 = arith.constant 0 : index
    %get3A_10 = vector.load %arg2[%get3A_7, %get3A_8, %get3A_9] : memref<2x2048x16xf32, #tpu.memory_space<vmem>>, vector<1x2048x16xf32>
    %get3A_11 = vector.shape_cast %get3A_10 : vector<1x2048x16xf32> to vector<2048x16xf32>
    %concatenate3A = tpu.concatenate %get3A_6, %get3A_11 in 1 : vector<2048x16xf32>, vector<2048x16xf32> -> vector<2048x32xf32>
    %get3A_12 = arith.constant 0 : index
    %get3A_13 = arith.constant 0 : index
    %get3A_14 = arith.constant 0 : index
    %get3A_15 = arith.constant 0 : index
    %get3A_16 = vector.load %arg1[%get3A_12, %get3A_13, %get3A_14, %get3A_15] : memref<2x2x2048x16xf32, #tpu.memory_space<vmem>>, vector<1x1x2048x16xf32>
    %get3A_17 = vector.shape_cast %get3A_16 : vector<1x1x2048x16xf32> to vector<2048x16xf32>
    %get3A_18 = arith.constant 1 : index
    %get3A_19 = arith.constant 0 : index
    %get3A_20 = arith.constant 0 : index
    %get3A_21 = arith.constant 0 : index
    %get3A_22 = vector.load %arg1[%get3A_18, %get3A_19, %get3A_20, %get3A_21] : memref<2x2x2048x16xf32, #tpu.memory_space<vmem>>, vector<1x1x2048x16xf32>
    %get3A_23 = vector.shape_cast %get3A_22 : vector<1x1x2048x16xf32> to vector<2048x16xf32>
    %add3A = arith.addf %get3A_17, %get3A_23 : vector<2048x16xf32>
    %get3A_24 = arith.constant 0 : index
    %get3A_25 = arith.constant 1 : index
    %get3A_26 = arith.constant 0 : index
    %get3A_27 = arith.constant 0 : index
    %get3A_28 = vector.load %arg1[%get3A_24, %get3A_25, %get3A_26, %get3A_27] : memref<2x2x2048x16xf32, #tpu.memory_space<vmem>>, vector<1x1x2048x16xf32>
    %get3A_29 = vector.shape_cast %get3A_28 : vector<1x1x2048x16xf32> to vector<2048x16xf32>
    %get3A_30 = arith.constant 1 : index
    %get3A_31 = arith.constant 1 : index
    %get3A_32 = arith.constant 0 : index
    %get3A_33 = arith.constant 0 : index
    %get3A_34 = vector.load %arg1[%get3A_30, %get3A_31, %get3A_32, %get3A_33] : memref<2x2x2048x16xf32, #tpu.memory_space<vmem>>, vector<1x1x2048x16xf32>
    %get3A_35 = vector.shape_cast %get3A_34 : vector<1x1x2048x16xf32> to vector<2048x16xf32>
    %add3A_36 = arith.addf %get3A_29, %get3A_35 : vector<2048x16xf32>
    %concatenate3A_37 = tpu.concatenate %add3A, %add3A_36 in 1 : vector<2048x16xf32>, vector<2048x16xf32> -> vector<2048x32xf32>
    %add3A_38 = arith.addf %concatenate3A_37, %concatenate3A : vector<2048x32xf32>
    %mul3A = vector.broadcast %get3A_1 : vector<2048x1xf32> to vector<2048x32xf32>
    %mul3A_39 = arith.mulf %mul3A, %add3A_38 : vector<2048x32xf32>
    %get3A_40 = arith.constant 0 : index
    %get3A_41 = arith.constant 0 : index
    %get3A_42 = vector.load %arg4[%get3A_40, %get3A_41] : memref<1x32xf32, #tpu.memory_space<vmem>>, vector<1x32xf32>
    %add3A_43 = vector.broadcast %get3A_42 : vector<1x32xf32> to vector<2048x32xf32>
    %add3A_44 = arith.addf %mul3A_39, %add3A_43 : vector<2048x32xf32>
    %max3A = arith.constant 0.000000e+00 : f32
    %max3A_45 = vector.broadcast %max3A : f32 to vector<2048x32xf32>
    %max3A_46 = arith.maximumf %add3A_44, %max3A_45 : vector<2048x32xf32>
    %get3A_47 = arith.constant 0 : index
    %get3A_48 = arith.constant 0 : index
    %get3A_49 = vector.load %arg5[%get3A_47, %get3A_48] : memref<32x32xf32, #tpu.memory_space<vmem>>, vector<32x32xf32>
    %dot_general3A = arith.constant dense<0.000000e+00> : vector<2048x32xf32>
    %dot_general3A_50 = tpu.matmul %max3A_46, %get3A_49, %dot_general3A {dimension_numbers = #tpu.dot_dimension_numbers<[1], [0], [0], [1], [0, 0, 1, 1], [], []>, transpose_lhs_hint = false} : vector<2048x32xf32>, vector<32x32xf32>, vector<2048x32xf32> -> vector<2048x32xf32>
    %get3A_51 = arith.constant 0 : index
    %get3A_52 = arith.constant 0 : index
    %get3A_53 = vector.load %arg6[%get3A_51, %get3A_52] : memref<1x32xf32, #tpu.memory_space<vmem>>, vector<1x32xf32>
    %add3A_54 = vector.broadcast %get3A_53 : vector<1x32xf32> to vector<2048x32xf32>
    %add3A_55 = arith.addf %dot_general3A_50, %add3A_54 : vector<2048x32xf32>
    %max3A_56 = arith.constant 0.000000e+00 : f32
    %max3A_57 = vector.broadcast %max3A_56 : f32 to vector<2048x32xf32>
    %max3A_58 = arith.maximumf %add3A_55, %max3A_57 : vector<2048x32xf32>
    %get3A_59 = arith.constant 0 : index
    %get3A_60 = arith.constant 0 : index
    %get3A_61 = vector.load %arg7[%get3A_59, %get3A_60] : memref<32x1xf32, #tpu.memory_space<vmem>>, vector<32x1xf32>
    %dot_general3A_62 = arith.constant dense<0.000000e+00> : vector<2048x1xf32>
    %dot_general3A_63 = tpu.matmul %max3A_58, %get3A_61, %dot_general3A_62 {dimension_numbers = #tpu.dot_dimension_numbers<[1], [0], [0], [1], [0, 0, 1, 1], [], []>, transpose_lhs_hint = false} : vector<2048x32xf32>, vector<32x1xf32>, vector<2048x1xf32> -> vector<2048x1xf32>
    %get3A_64 = arith.constant 0 : index
    %get3A_65 = arith.constant 0 : index
    %get3A_66 = vector.load %arg8[%get3A_64, %get3A_65] : memref<1x1xf32, #tpu.memory_space<vmem>>, vector<1x1xf32>
    %add3A_67 = vector.broadcast %get3A_66 : vector<1x1xf32> to vector<2048x1xf32>
    %add3A_68 = arith.addf %dot_general3A_63, %add3A_67 : vector<2048x1xf32>
    %logistic3A = arith.negf %add3A_68 : vector<2048x1xf32>
    %logistic3A_69 = math.exp %logistic3A : vector<2048x1xf32>
    %logistic3A_70 = arith.constant 1.000000e+00 : f32
    %logistic3A_71 = vector.broadcast %logistic3A_70 : f32 to vector<2048x1xf32>
    %logistic3A_72 = arith.addf %logistic3A_71, %logistic3A_69 : vector<2048x1xf32>
    %logistic3A_73 = arith.divf %logistic3A_71, %logistic3A_72 : vector<2048x1xf32>
    %mul3A_74 = arith.constant 3.14159274 : f32
    %mul3A_75 = vector.broadcast %mul3A_74 : f32 to vector<2048x1xf32>
    %mul3A_76 = arith.mulf %mul3A_75, %logistic3A_73 : vector<2048x1xf32>
    %swap3A = arith.constant 0 : index
    %swap3A_77 = arith.constant 0 : index
    %swap3A_78 = vector.load %arg14[%swap3A, %swap3A_77] : memref<2048x1xf32, #tpu.memory_space<vmem>>, vector<2048x1xf32>
    tpu.vector_store %arg14[%swap3A, %swap3A_77], %mul3A_76 {strides = array<i32>} : memref<2048x1xf32, #tpu.memory_space<vmem>>, vector<2048x1xf32>,
    %eq3A = arith.constant 0 : i32
    %eq3A_79 = arith.cmpi eq, %arg0, %eq3A : i32
    %convert_element_type3A = arith.extui %eq3A_79 : i1 to i32
    %cond3A = arith.constant 0 : i32
    %cond3A_80 = arith.cmpi ne, %convert_element_type3A, %cond3A : i32
    scf.if %cond3A_80 {
      %broadcast_in_dim3A_113 = arith.constant 0.000000e+00 : f32
      %broadcast_in_dim3A_114 = vector.broadcast %broadcast_in_dim3A_113 : f32 to vector<64x32xf32>
      %swap3A_115 = arith.constant 0 : index
      %swap3A_116 = arith.constant 0 : index
      %swap3A_117 = vector.load %arg16[%swap3A_115, %swap3A_116] : memref<64x32xf32, #tpu.memory_space<vmem>>, vector<64x32xf32>
      tpu.vector_store %arg16[%swap3A_115, %swap3A_116], %broadcast_in_dim3A_114 {strides = array<i32>} : memref<64x32xf32, #tpu.memory_space<vmem>>, vector<64x32xf32>,
      %broadcast_in_dim3A_118 = arith.constant 0.000000e+00 : f32
      %broadcast_in_dim3A_119 = vector.broadcast %broadcast_in_dim3A_118 : f32 to vector<64x1xf32>
      %swap3A_120 = arith.constant 0 : index
      %swap3A_121 = arith.constant 0 : index
      %swap3A_122 = vector.load %arg17[%swap3A_120, %swap3A_121] : memref<64x1xf32, #tpu.memory_space<vmem>>, vector<64x1xf32>
      tpu.vector_store %arg17[%swap3A_120, %swap3A_121], %broadcast_in_dim3A_119 {strides = array<i32>} : memref<64x1xf32, #tpu.memory_space<vmem>>, vector<64x1xf32>,
    } else {
    }
    %iota3A = tpu.iota {dimensions = array<i32: 1>} : vector<1x64xi32>
    %get3A_81 = arith.constant 0 : index
    %get3A_82 = arith.constant 0 : index
    %get3A_83 = vector.load %arg9[%get3A_81, %get3A_82] : memref<2048x1xi32, #tpu.memory_space<vmem>>, vector<2048x1xi32>
    %eq3A_84 = vector.broadcast %get3A_83 : vector<2048x1xi32> to vector<2048x64xi32>
    %eq3A_85 = vector.broadcast %iota3A : vector<1x64xi32> to vector<2048x64xi32>
    %eq3A_86 = arith.cmpi eq, %eq3A_84, %eq3A_85 : vector<2048x64xi32>
    %convert_element_type3A_87 = arith.extui %eq3A_86 : vector<2048x64xi1> to vector<2048x64xi32>
    %convert_element_type3A_88 = arith.sitofp %convert_element_type3A_87 : vector<2048x64xi32> to vector<2048x64xf32>
    %get3A_89 = arith.constant 0 : index
    %get3A_90 = arith.constant 0 : index
    %get3A_91 = vector.load %arg16[%get3A_89, %get3A_90] : memref<64x32xf32, #tpu.memory_space<vmem>>, vector<64x32xf32>
    %dot_general3A_92 = arith.constant dense<0.000000e+00> : vector<64x32xf32>
    %dot_general3A_93 = tpu.matmul %convert_element_type3A_88, %max3A_46, %dot_general3A_92 {dimension_numbers = #tpu.dot_dimension_numbers<[0], [0], [1], [1], [0, 1, 1, 1], [], []>, transpose_lhs_hint = false} : vector<2048x64xf32>, vector<2048x32xf32>, vector<64x32xf32> -> vector<64x32xf32>
    %add3A_94 = arith.addf %get3A_91, %dot_general3A_93 : vector<64x32xf32>
    %swap3A_95 = arith.constant 0 : index
    %swap3A_96 = arith.constant 0 : index
    %swap3A_97 = vector.load %arg16[%swap3A_95, %swap3A_96] : memref<64x32xf32, #tpu.memory_space<vmem>>, vector<64x32xf32>
    tpu.vector_store %arg16[%swap3A_95, %swap3A_96], %add3A_94 {strides = array<i32>} : memref<64x32xf32, #tpu.memory_space<vmem>>, vector<64x32xf32>,
    %get3A_98 = arith.constant 0 : index
    %get3A_99 = arith.constant 0 : index
    %get3A_100 = vector.load %arg17[%get3A_98, %get3A_99] : memref<64x1xf32, #tpu.memory_space<vmem>>, vector<64x1xf32>
    %broadcast_in_dim3A = arith.constant 1.000000e+00 : f32
    %broadcast_in_dim3A_101 = vector.broadcast %broadcast_in_dim3A : f32 to vector<2048x1xf32>
    %dot_general3A_102 = arith.constant dense<0.000000e+00> : vector<64x1xf32>
    %dot_general3A_103 = tpu.matmul %convert_element_type3A_88, %broadcast_in_dim3A_101, %dot_general3A_102 {dimension_numbers = #tpu.dot_dimension_numbers<[0], [0], [1], [1], [0, 1, 1, 1], [], []>, transpose_lhs_hint = false} : vector<2048x64xf32>, vector<2048x1xf32>, vector<64x1xf32> -> vector<64x1xf32>
    %add3A_104 = arith.addf %get3A_100, %dot_general3A_103 : vector<64x1xf32>
    %swap3A_105 = arith.constant 0 : index
    %swap3A_106 = arith.constant 0 : index
    %swap3A_107 = vector.load %arg17[%swap3A_105, %swap3A_106] : memref<64x1xf32, #tpu.memory_space<vmem>>, vector<64x1xf32>
    tpu.vector_store %arg17[%swap3A_105, %swap3A_106], %add3A_104 {strides = array<i32>} : memref<64x1xf32, #tpu.memory_space<vmem>>, vector<64x1xf32>,
    %eq3A_108 = arith.constant 48 : i32
    %eq3A_109 = arith.cmpi eq, %arg0, %eq3A_108 : i32
    %convert_element_type3A_110 = arith.extui %eq3A_109 : i1 to i32
    %cond3A_111 = arith.constant 0 : i32
    %cond3A_112 = arith.cmpi ne, %convert_element_type3A_110, %cond3A_111 : i32
    scf.if %cond3A_112 {
      %get3A_113 = arith.constant 0 : index
      %get3A_114 = arith.constant 0 : index
      %get3A_115 = vector.load %arg16[%get3A_113, %get3A_114] : memref<64x32xf32, #tpu.memory_space<vmem>>, vector<64x32xf32>
      %get3A_116 = arith.constant 0 : index
      %get3A_117 = arith.constant 0 : index
      %get3A_118 = vector.load %arg17[%get3A_116, %get3A_117] : memref<64x1xf32, #tpu.memory_space<vmem>>, vector<64x1xf32>
      %max3A_119 = arith.constant 1.000000e+00 : f32
      %max3A_120 = vector.broadcast %max3A_119 : f32 to vector<64x1xf32>
      %max3A_121 = arith.maximumf %get3A_118, %max3A_120 : vector<64x1xf32>
      %div3A = vector.broadcast %max3A_121 : vector<64x1xf32> to vector<64x32xf32>
      %div3A_122 = arith.divf %get3A_115, %div3A : vector<64x32xf32>
      %get3A_123 = arith.constant 0 : index
      %get3A_124 = arith.constant 0 : index
      %get3A_125 = vector.load %arg10[%get3A_123, %get3A_124] : memref<32x32xf32, #tpu.memory_space<vmem>>, vector<32x32xf32>
      %dot_general3A_126 = arith.constant dense<0.000000e+00> : vector<64x32xf32>
      %dot_general3A_127 = tpu.matmul %div3A_122, %get3A_125, %dot_general3A_126 {dimension_numbers = #tpu.dot_dimension_numbers<[1], [0], [0], [1], [0, 0, 1, 1], [], []>, transpose_lhs_hint = false} : vector<64x32xf32>, vector<32x32xf32>, vector<64x32xf32> -> vector<64x32xf32>
      %get3A_128 = arith.constant 0 : index
      %get3A_129 = arith.constant 0 : index
      %get3A_130 = vector.load %arg11[%get3A_128, %get3A_129] : memref<1x32xf32, #tpu.memory_space<vmem>>, vector<1x32xf32>
      %add3A_131 = vector.broadcast %get3A_130 : vector<1x32xf32> to vector<64x32xf32>
      %add3A_132 = arith.addf %dot_general3A_127, %add3A_131 : vector<64x32xf32>
      %max3A_133 = arith.constant 0.000000e+00 : f32
      %max3A_134 = vector.broadcast %max3A_133 : f32 to vector<64x32xf32>
      %max3A_135 = arith.maximumf %add3A_132, %max3A_134 : vector<64x32xf32>
      %get3A_136 = arith.constant 0 : index
      %get3A_137 = arith.constant 0 : index
      %get3A_138 = vector.load %arg12[%get3A_136, %get3A_137] : memref<32x2xf32, #tpu.memory_space<vmem>>, vector<32x2xf32>
      %dot_general3A_139 = arith.constant dense<0.000000e+00> : vector<64x2xf32>
      %dot_general3A_140 = tpu.matmul %max3A_135, %get3A_138, %dot_general3A_139 {dimension_numbers = #tpu.dot_dimension_numbers<[1], [0], [0], [1], [0, 0, 1, 1], [], []>, transpose_lhs_hint = false} : vector<64x32xf32>, vector<32x2xf32>, vector<64x2xf32> -> vector<64x2xf32>
      %get3A_141 = arith.constant 0 : index
      %get3A_142 = arith.constant 0 : index
      %get3A_143 = vector.load %arg13[%get3A_141, %get3A_142] : memref<1x2xf32, #tpu.memory_space<vmem>>, vector<1x2xf32>
      %add3A_144 = vector.broadcast %get3A_143 : vector<1x2xf32> to vector<64x2xf32>
      %add3A_145 = arith.addf %dot_general3A_140, %add3A_144 : vector<64x2xf32>
      %logistic3A_146 = arith.negf %add3A_145 : vector<64x2xf32>
      %logistic3A_147 = math.exp %logistic3A_146 : vector<64x2xf32>
      %logistic3A_148 = arith.constant 1.000000e+00 : f32
      %logistic3A_149 = vector.broadcast %logistic3A_148 : f32 to vector<64x2xf32>
      %logistic3A_150 = arith.addf %logistic3A_149, %logistic3A_147 : vector<64x2xf32>
      %logistic3A_151 = arith.divf %logistic3A_149, %logistic3A_150 : vector<64x2xf32>
      %mul3A_152 = arith.constant 6.28318548 : f32
      %mul3A_153 = vector.broadcast %mul3A_152 : f32 to vector<64x2xf32>
      %mul3A_154 = arith.mulf %mul3A_153, %logistic3A_151 : vector<64x2xf32>
      %swap3A_155 = arith.constant 0 : index
      %swap3A_156 = arith.constant 0 : index
      %swap3A_157 = vector.load %arg15[%swap3A_155, %swap3A_156] : memref<64x2xf32, #tpu.memory_space<vmem>>, vector<64x2xf32>
      tpu.vector_store %arg15[%swap3A_155, %swap3A_156], %mul3A_154 {strides = array<i32>} : memref<64x2xf32, #tpu.memory_space<vmem>>, vector<64x2xf32>,
    } else {
    }
    return
  }
  func.func @transform_0(%arg0: i32) -> (i32, i32, i32, i32) {
    %c0_i32 = arith.constant 0 : i32
    %c0_i32_0 = arith.constant 0 : i32
    %c0_i32_1 = arith.constant 0 : i32
    %c0_i32_2 = arith.constant 0 : i32
    return %c0_i32, %c0_i32_0, %arg0, %c0_i32_1 : i32, i32, i32, i32
  }
  func.func @transform_1(%arg0: i32) -> (i32, i32, i32) {
    %c0_i32 = arith.constant 0 : i32
    %c0_i32_0 = arith.constant 0 : i32
    %c0_i32_1 = arith.constant 0 : i32
    return %c0_i32, %arg0, %c0_i32_0 : i32, i32, i32
  }
  func.func @transform_2(%arg0: i32) -> (i32, i32) {
    %c0_i32 = arith.constant 0 : i32
    %c0_i32_0 = arith.constant 0 : i32
    return %arg0, %c0_i32 : i32, i32
  }
  func.func @transform_3(%arg0: i32) -> (i32, i32) {
    %c0_i32 = arith.constant 0 : i32
    %c0_i32_0 = arith.constant 0 : i32
    %c0_i32_1 = arith.constant 0 : i32
    return %c0_i32, %c0_i32_0 : i32, i32
  }
  func.func @transform_4(%arg0: i32) -> (i32, i32) {
    %c0_i32 = arith.constant 0 : i32
    %c0_i32_0 = arith.constant 0 : i32
    %c0_i32_1 = arith.constant 0 : i32
    return %c0_i32, %c0_i32_0 : i32, i32
  }
  func.func @transform_5(%arg0: i32) -> (i32, i32) {
    %c0_i32 = arith.constant 0 : i32
    %c0_i32_0 = arith.constant 0 : i32
    %c0_i32_1 = arith.constant 0 : i32
    return %c0_i32, %c0_i32_0 : i32, i32
  }
  func.func @transform_6(%arg0: i32) -> (i32, i32) {
    %c0_i32 = arith.constant 0 : i32
    %c0_i32_0 = arith.constant 0 : i32
    %c0_i32_1 = arith.constant 0 : i32
    return %c0_i32, %c0_i32_0 : i32, i32
  }
  func.func @transform_7(%arg0: i32) -> (i32, i32) {
    %c0_i32 = arith.constant 0 : i32
    %c0_i32_0 = arith.constant 0 : i32
    %c0_i32_1 = arith.constant 0 : i32
    return %c0_i32, %c0_i32_0 : i32, i32
  }
  func.func @transform_8(%arg0: i32) -> (i32, i32) {
    %c0_i32 = arith.constant 0 : i32
    %c0_i32_0 = arith.constant 0 : i32
    return %arg0, %c0_i32 : i32, i32
  }
  func.func @transform_9(%arg0: i32) -> (i32, i32) {
    %c0_i32 = arith.constant 0 : i32
    %c0_i32_0 = arith.constant 0 : i32
    %c0_i32_1 = arith.constant 0 : i32
    return %c0_i32, %c0_i32_0 : i32, i32
  }
  func.func @transform_10(%arg0: i32) -> (i32, i32) {
    %c0_i32 = arith.constant 0 : i32
    %c0_i32_0 = arith.constant 0 : i32
    %c0_i32_1 = arith.constant 0 : i32
    return %c0_i32, %c0_i32_0 : i32, i32
  }
  func.func @transform_11(%arg0: i32) -> (i32, i32) {
    %c0_i32 = arith.constant 0 : i32
    %c0_i32_0 = arith.constant 0 : i32
    %c0_i32_1 = arith.constant 0 : i32
    return %c0_i32, %c0_i32_0 : i32, i32
  }
  func.func @transform_12(%arg0: i32) -> (i32, i32) {
    %c0_i32 = arith.constant 0 : i32
    %c0_i32_0 = arith.constant 0 : i32
    %c0_i32_1 = arith.constant 0 : i32
    return %c0_i32, %c0_i32_0 : i32, i32
  }
  func.func @transform_13(%arg0: i32) -> (i32, i32) {
    %c0_i32 = arith.constant 0 : i32
    %c0_i32_0 = arith.constant 0 : i32
    return %arg0, %c0_i32 : i32, i32
  }
  func.func @transform_14(%arg0: i32) -> (i32, i32) {
    %c0_i32 = arith.constant 0 : i32
    %c0_i32_0 = arith.constant 0 : i32
    %c0_i32_1 = arith.constant 0 : i32
    return %c0_i32, %c0_i32_0 : i32, i32
  }
}

</mosaic_0001>

<sc_bundles>
// kernel: kernel.11.cloned.1.call-start
scs
__scs_entry_jumppad:
0x0: {  	(pc) =	sbr.rel $0x88, $3  }
0x1: {  	(tag) =	ssettag $0x0;
	lr =	simm.s32 $0x1  }
0x2: {  	[smem:$0x3F90] =	sst lr;
	_ =	strace $0xD0000000  }
0x3: {  	_ = 	snop  }
0x4: {  	_ = 	snop  }
0x5: {  	_ = 	snop  }
0x6: {  	_ = 	snop  }
0x7: {  	_ = 	snop  }
__scs_overlays_trampoline_lowered:
0x8: {  	[smem:$0x3F9F] =	sst s0  }
0x9: {  	[smem:$0x3FA0] =	sst s1  }
0xa: {  	[smem:$0x3FA1] =	sst s2  }
0xb: {  	[smem:$0x3FA2] =	sst s3  }
0xc: {  	[smem:$0x3FA3] =	sst s4  }
0xd: {  	[smem:$0x3FA4] =	sst s5  }
0xe: {  	[smem:$0x3FA5] =	sst s6  }
0xf: {  	[smem:$0x3FA6] =	sst s7  }
0x10: {  	[smem:$0x3FA7] =	sst s8  }
0x11: {  	[smem:$0x3FA8] =	sst s9;
	s0 =	simm.s32 @!p0 $0x0  }
0x12: {  	s1 =	sld [smem:$0x3F8E];
	s0 =	simm.s32 @p0 $0x1  }
0x13: {  	[smem:$0x3FA9] =	sst s0;
	s0 =	simm.s32 @!p1 $0x0  }
0x14: {  	s2 =	sld [smem:$0x3F8D];
	s0 =	simm.s32 @p1 $0x1  }
0x15: {  	[smem:$0x3FAA] =	sst s0;
	s0 =	simm.s32 @!p2 $0x0  }
0x16: {  	s3 =	sld [smem:$0x3FDB];
	s0 =	simm.s32 @p2 $0x1  }
0x17: {  	s4 =	simm.s32 $0x1BF5;
	[smem:$0x3FAC] =	sst s0  }
0x18: {  	s0 =	sld [smem:$0x3F8F];
	_ =	swait.ge [sflag:s4], $0x0  }
0x19: {  	s7 =	sld [smem:$0x3F90]  }
0x1a: {  	s8 =	sadd.s32 $0xFFFFE003, lr  }
0x1b: {  	s9 =	sadd.s32 $0xFFFFFEF7, lr;
	s5 =	simm.s32 $0xFFFFFFFF;
	p2 =	slt.u32 s8, $0xFFFFF086  }
0x1c: {  	p1 =	slt.u32 s9, $0xF7A;
	s5 =	simm.s32 @!p2 $0x0  }
0x1d: {  	s5 =	simm.s32 @p1 $0x1;
	p0 =	seq.s32 s7, s2  }
0x1e: {  	s7 =	smul.u32 @!p0 $0xF7A, s2;
	p2 =	seq.s32 @!p0 s5, $0x0  }
0x1f: {  	s9 =	smul.u32 $0xF7A, s1;
	s8 =	simm.s32 @!p0 $0x1BF5;
	p2 =	por !p2, p0  }
0x20: {  	[sflag:s8] =	ssyncset.s32 @!p0 $0xFFFFF086;
	s6 =	sadd.s32 @!p0 s3, s7;
	s7 =	simm.s32 @!p0 $0x108  }
0x21: {  	s3 =	sadd.s32 s3, s9;
	s6 =	sadd.s32 @!p0 $0x88, s6;
	s7 =	simm.s32 @p2 $0x1082  }
0x22: {  	[simem:s7], [sflag:s8] =	dma.local @!p0 [hbm:s6], $0xF7A  }
0x23: {  	s9 =	sor.u32 $0xD0000000, s2;
	s6 =	simm.s32 $0x108;
	_ =	swait.ge @!p0 [sflag:s8], $0x0  }
0x24: {  	s3 =	sadd.s32 $0x88, s3;
	s6 =	simm.s32 @!p1 $0x1082;
	[sflag:s4] =	ssyncset.s32 $0xFFFFF086  }
0x25: {  	[simem:s6], [sflag:s4] =	dma.local [hbm:s3], $0xF7A  }
0x26: {  	[smem:$0x3F90] =	sst s1;
	(tag) =	ssettag s2;
	_ =	strace s9  }
0x27: {  	s1 =	sld [smem:$0x3FA0]  }
0x28: {  	s2 =	sld [smem:$0x3FA1]  }
0x29: {  	s4 =	sld [smem:$0x3FA3]  }
0x2a: {  	p0 =	seq.s32 s5, $0x0;
	s5 =	sld [smem:$0x3FA4]  }
0x2b: {  	s6 =	sld [smem:$0x3FA5]  }
0x2c: {  	s7 =	sld [smem:$0x3FA6]  }
0x2d: {  	s3 =	simm.s32 $0x108;
	s8 =	sld [smem:$0x3FA7]  }
0x2e: {  	s3 =	simm.s32 @!p0 $0x1082;
	s9 =	sld [smem:$0x3FA8]  }
0x2f: {  	lr =	sadd.s32 s0, s3;
	s0 =	sld [smem:$0x3F9F]  }
0x30: {  	s3 =	sld [smem:$0x3FA2]  }
0x31: {  	[smem:$0x3FAB] =	sst s10  }
0x32: {  	s10 =	sld [smem:$0x3FA9];
	_ =	sdelay $0x3  }
0x33: {  	p0 =	seq.s32 s10, $0x1;
	s10 =	sld [smem:$0x3FAB];
	_ =	sdelay $0x3  }
0x34: {  	[smem:$0x3FAB] =	sst s10  }
0x35: {  	s10 =	sld [smem:$0x3FAA];
	_ =	sdelay $0x3  }
0x36: {  	p1 =	seq.s32 s10, $0x1;
	s10 =	sld [smem:$0x3FAB];
	_ =	sdelay $0x3  }
0x37: {  	[smem:$0x3FAB] =	sst s10  }
0x38: {  	s10 =	sld [smem:$0x3FAC]  }
0x39: {  	_ = 	snop;
	(pc) =	sbr.ind lr, $3  }
0x3a: {  	_ = 	snop  }
0x3b: {  	_ = 	snop  }
0x3c: {  	p2 =	seq.s32 s10, $0x1;
	s10 =	sld [smem:$0x3FAB]  }
0x3d: {  	_ =	shalt  }
0x3e: {  	_ =	shalt  }
0x3f: {  	_ =	shalt  }
0x40: {  	_ =	shalt  }
0x41: {  	_ =	shalt  }
0x42: {  	_ =	shalt  }
0x43: {  	_ =	shalt  }
0x44: {  	_ =	shalt  }
0x45: {  	_ =	shalt  }
0x46: {  	_ =	shalt  }
0x47: {  	_ =	shalt  }
0x48: {  	_ =	shalt  }
0x49: {  	_ =	shalt  }
0x4a: {  	_ =	shalt  }
0x4b: {  	_ =	shalt  }
0x4c: {  	_ =	shalt  }
0x4d: {  	_ =	shalt  }
0x4e: {  	_ =	shalt  }
0x4f: {  	_ =	shalt  }
0x50: {  	_ =	shalt  }
0x51: {  	_ =	shalt  }
0x52: {  	_ =	shalt  }
0x53: {  	_ =	shalt  }
0x54: {  	_ =	shalt  }
0x55: {  	_ =	shalt  }
0x56: {  	_ =	shalt  }
0x57: {  	_ =	shalt  }
0x58: {  	_ =	shalt  }
0x59: {  	_ =	shalt  }
0x5a: {  	_ =	shalt  }
0x5b: {  	_ =	shalt  }
0x5c: {  	_ =	shalt  }
0x5d: {  	_ =	shalt  }
0x5e: {  	_ =	shalt  }
0x5f: {  	_ =	shalt  }
0x60: {  	_ =	shalt  }
0x61: {  	_ =	shalt  }
0x62: {  	_ =	shalt  }
0x63: {  	_ =	shalt  }
0x64: {  	_ =	shalt  }
0x65: {  	_ =	shalt  }
0x66: {  	_ =	shalt  }
0x67: {  	_ =	shalt  }
0x68: {  	_ =	shalt  }
0x69: {  	_ =	shalt  }
0x6a: {  	_ =	shalt  }
0x6b: {  	_ =	shalt  }
0x6c: {  	_ =	shalt  }
0x6d: {  	_ =	shalt  }
0x6e: {  	_ =	shalt  }
0x6f: {  	_ =	shalt  }
0x70: {  	_ =	shalt  }
0x71: {  	_ =	shalt  }
0x72: {  	_ =	shalt  }
0x73: {  	_ =	shalt  }
0x74: {  	_ =	shalt  }
0x75: {  	_ =	shalt  }
0x76: {  	_ =	shalt  }
0x77: {  	_ =	shalt  }
0x78: {  	_ =	shalt  }
0x79: {  	_ =	shalt  }
0x7a: {  	_ =	shalt  }
0x7b: {  	_ =	shalt  }
0x7c: {  	_ =	shalt  }
0x7d: {  	_ =	shalt  }
0x7e: {  	_ =	shalt  }
0x7f: {  	_ =	shalt  }
0x80: {  	_ =	shalt  }
0x81: {  	_ =	shalt  }
0x82: {  	_ =	shalt  }
0x83: {  	_ =	shalt  }
0x84: {  	_ =	shalt  }
0x85: {  	_ =	shalt  }
0x86: {  	_ =	shalt  }
0x87: {  	_ =	shalt  }
.Lfunc_end0:
.L_simem_size_0:
called_computation.1_lowered:
.L_overlay_start_0:
0x88: {  	s2 =	sld [smem:$0x3FD9]  }
0x89: {  	s3 =	sld [smem:$0x3FFE];
	_ =	sdelay $0x1  }
0x8a: {  	s1 =	srdreg.scid  }
0x8b: {  	s0 =	sand.u32 $0x1, s1  }
0x8c: {  	s16 =	sshll.u32 s0, $0xA;
	s2 =	sadd.s32 s3, s2  }
0x8d: {  	s2 =	sadd.s32 s2, s16  }
0x8e: {  	[smem:$0x3FB7] =	sst s2  }
0x8f: {  	_ = 	snop  }
0x90: {  	(tm) =	ssettm $0x1  }
0x91: {  	s17 =	sld [smem:$0x3FFB];
	_ =	sdelay $0x3  }
0x92: {  	_ =	strace s17  }
0x93: {  	s2 =	sld [smem:$0x3FFC];
	_ =	sdelay $0x3  }
0x94: {  	_ =	strace s2  }
0x95: {  	s2 =	sld [smem:$0x3FFD];
	_ =	sdelay $0x3  }
0x96: {  	_ =	strace s2  }
0x97: {  	_ =	strace $0x8FFFFFFF  }
0x98: {  	s18 =	sld [smem:$0x3FDB];
	_ =	sdelay $0x1  }
0x99: {  	s19 =	simm.s32 $_scs_section_size  }
0x9a: {  	s4 =	simm.s32 $_size__tile_overlayer_lowered;
	s5 =	simm.s32 $_tile_overlayer_lowered  }
0x9b: {  	s22 =	simm.s32 $0x1BFF;
	s21 =	sshll.u32 s5, $0x1;
	s2 =	sadd.s32 s19, s18  }
0x9c: {  	s6 =	simm.s32 $0x0;
	s20 =	sshll.u32 s4, $0x1;
	s4 =	sadd.s32 s21, s2  }
0x9d: {  	[timem:s6], [sflag:s22] =	dma.local [hbm:s4], s20  }
0x9e: {  	_ =	swait.ge [sflag:s22], s20  }
0x9f: {  	s3 =	ssub.s32 $0x0, s20;
	[sflag:s22] =	ssyncset.done $0x0  }
0xa0: {  	[sflag:s22] =	ssyncadd.s32 s3;
	_ =	sdelay $0x1  }
0xa1: {  	s23 =	simm.s32 $0x1B8B  }
0xa2: {  	_ =	swait.ge [sflag:s23], $0x1  }
0xa3: {  	[sflag:s23] =	ssyncset.done $0x0  }
0xa4: {  	s25 =	simm.s32 $0x1B8E;
	s24 =	sld [smem:$0x3FFE];
	[sflag:s23] =	ssyncadd.s32 $0xFFFFFFFF  }
0xa5: {  	s26 =	simm.s32 $execute0_lowered;
	[smem:$0x3FD2] =	sst s25  }
0xa6: {  	s4 =	sshll.u32 s26, $0x1;
	_ =	strace $0x80000049;
	[dreg:$0x1] =	wrdreg $0xFFFFFFFF  }
0xa7: {  	s28 =	simm.s32 $_size_execute0_lowered;
	s2 =	sadd.s32 s2, s4;
	[dreg:$0x0] =	wrdreg $0x0  }
0xa8: {  	s4 =	sshll.u32 s28, $0x1;
	[dreg:$0x2] =	wrdreg s2  }
0xa9: {  	[dreg:$0x3] =	wrdreg s4  }
0xaa: {  	[dreg:$0x4] =	wrdreg $0xC0  }
0xab: {  	_ =	task [dreg:s6], $0x5FFFF  }
0xac: {  	[dreg:$0x1] =	wrdreg $0xFFFFFFFF  }
0xad: {  	[dreg:$0x0] =	wrdreg $0x60  }
0xae: {  	[dreg:$0x2] =	wrdreg s24  }
0xaf: {  	[dreg:$0x3] =	wrdreg $0x64000  }
0xb0: {  	[dreg:$0x4] =	wrdreg $0x9  }
0xb1: {  	_ =	task.clear_ibuf [dreg:s6], $0x5FFFF;
	_ =	strace $0x90000049  }
0xb2: {  	s29 =	simm.s32 $0x9;
	_ =	strace $0x8000004B  }
0xb3: {  	_ =	swait.ge [sflag:s29], $0x1  }
0xb4: {  	[sflag:s29] =	ssyncadd.s32 $0xFFFFFFFF  }
0xb5: {  	_ =	strace $0x9000004B  }
0xb6: {  	_ =	sfence  }
0xb7: {  	s30 =	sld [smem:$0x0];
	_ =	sdelay $0x2  }
0xb8: {  	s31 =	sshll.u32 s1, $0xD;
	s1 =	sshrl.u32 s1, $0x2  }
0xb9: {  	s3 =	sand.u32 $0x4000, s31;
	s1 =	sadd.s32 s1, s30  }
0xba: {  	s0 =	sor.u32 s3, s0;
	s1 =	sshll.u32 s1, $0x11  }
0xbb: {  	s0 =	sor.u32 s1, s0  }
0xbc: {  	s0 =	sadd.s32 $0x8F2B, s0  }
0xbd: {  	[sflag:s0] =	ssyncadd.remote.s32 $0x1  }
0xbe: {  	_ =	sfence.sel $0xFFFF  }
0xbf: {  	[dreg:$0x0] =	wrdreg $0xFFFFFFFF;
	(pc) =	sbr.abs _section_cstart, $3  }
0xc0: {  	[dreg:$0x1] =	wrdreg $0xFFFFFFFF  }
0xc1: {  	_ =	task.clear_ibuf [dreg:s6], $0x2FFFF;
	_ =	strace $0x9FFFFFFF  }
0xc2: {  	(tm) =	ssettm $0x7FFFFFFF  }
0xc3: {  	_ =	shalt  }
tec
execute0_lowered:
.L_overlay_start_1:
0x0: {  	(tag) =	ssettag $0x1  }
0x1: {  	s0 =	rddreg [dreg:$0x0]  }
0x2: {  	s1 =	srdreg.scid;
	s10 =	stileid.u32  }
0x3: {  	s2 =	rddreg [dreg:$0x1];
	s3 =	simm.s32 $0x0;
	s7 =	smul.u32 $0xC400, s10  }
0x4: {  	s28 =	simm.s32 $0x2;
	s29 =	simm.s32 $0x400;
	s9 =	smul.u32 $0x18800, s10  }
0x5: {  	s30 =	simm.s32 $0x800;
	s1 =	sand.u32 $0x1, s1;
	s10 =	smul.u32 $0x62000, s10  }
0x6: {  	s31 =	simm.s32 $0x1;
	[smem:$0x7FF] =	sst s3;
	s6 =	smul.u32 $0xC4000, s1  }
0x7: {  	s4 =	sadd.s32 $0x53A000, s0;
	s8 =	smul.u32 $0x310000, s1;
	s1 =	ssub.s32 $0x2, s1  }
0x8: {  	s5 =	sadd.s32 $0x509000, s0;
	_ =	strace $0x8000004A;
	s21 =	sshrl.u32 s1, $0x1  }
0x9: {  	s22 =	sadd.s32 s9, s2;
	s23 =	sshrl.u32 s10, $0x2;
	s6 =	sadd.s32 s7, s6  }
0xa: {  	s20 =	sadd.s32 s9, s8;
	s1 =	ssub.s32 s1, s21;
	[dreg:$0x4] =	wrdreg s22  }
0xb: {  	s10 =	sadd.s32 s23, s2;
	s6 =	sshrl.u32 s6, $0x3;
	s7 =	sshrl.u32 s20, $0x3  }
0xc: {  	s24 =	smax.u32 s1, $0x1;
	s11 =	sadd.s32 $0x1C00, s10;
	s12 =	sadd.s32 $0x3800, s10  }
0xd: {  	s25 =	sadd.s32 $0x5400, s10;
	s26 =	sadd.s32 $0x7000, s10;
	s15 =	sadd.s32 $0x8C00, s10  }
0xe: {  	s16 =	sadd.s32 $0xA800, s10;
	s17 =	sadd.s32 $0xC400, s10;
	s18 =	sadd.s32 $0xE000, s10  }
0xf: {  	s19 =	sadd.s32 $0xFC00, s10;
	s20 =	sadd.s32 $0x11800, s10;
	s21 =	sadd.s32 $0x13400, s10  }
0x10: {  	s22 =	sadd.s32 $0x15000, s10;
	s23 =	sadd.s32 $0x16C00, s10;
	[dreg:$0x6] =	wrdreg s24  }
0x11: {  	s6 =	sadd.s32 s6, s0;
	s0 =	sadd.s32 s7, s0;
	[dreg:$0x7] =	wrdreg s25  }
0x12: {  	[dreg:$0x8] =	wrdreg s26;
	s26 =	simm.s32 $0x4800;
	s7 =	sadd.s32 $0x56B000, s0  }
0x13: {  	s0 =	sadd.s32 $0x59C000, s0;
	s24 =	sadd.s32 $0x2A00, s6;
	[dreg:$0x3] =	wrdreg s7  }
0x14: {  	v0 =	vimm.f32 $0.0e+00;
	s25 =	sadd.s32 $0x33A00, s6;
	[dreg:$0x5] =	wrdreg s0;
	s0 =	simm.s32 $0x0  }
.LBB2_1:
0x15: {  	s1 =	simm.s32 $0x40;
	s6 =	simm.s32 $0x0  }
.LBB2_2:
0x16: {  	p0 =	sne.s32 s1, $0x6FC0;
	[tilespmem:s6+$0x4800] =	vst v0;
	s6 =	smov.u32 s1;
	s1 =	sadd.s32 $0x40, s1  }
.Ltmp0:
0x17: {  	(pc) =	sbr.rel @p0 .LBB2_2-.Ltmp0, $2  }
0x18: {  	_ =	sdelay $0x2  }
0x19: {  	s6 =	sshra.s32 s6, $0x2  }
0x1a: {  	[tilespmem:s6+$0x4800] =	vst v0  }
0x1b: {  	[spmem:s10] =	stream.linear.scatter [tilespmem:s26], [sflag:$0x2], $0x1C00, $0x38;
	[tilespmem:$0x1EC00] =	vst v63  }
0x1c: {  	_ =	swait.ge [sflag:s28], $0x1C00  }
0x1d: {  	[sflag:s28] =	ssyncset.done $0x0  }
0x1e: {  	[sflag:s28] =	ssyncadd.s32 $0xFFFFE400  }
0x1f: {  	[spmem:s11] =	stream.linear.scatter [tilespmem:s26], [sflag:$0x2], $0x1C00, $0x38;
	[tilespmem:$0x1EC00] =	vst v63  }
0x20: {  	_ =	swait.ge [sflag:s28], $0x1C00  }
0x21: {  	[sflag:s28] =	ssyncset.done $0x0  }
0x22: {  	[sflag:s28] =	ssyncadd.s32 $0xFFFFE400  }
0x23: {  	[spmem:s12] =	stream.linear.scatter [tilespmem:s26], [sflag:$0x2], $0x1C00, $0x38;
	[tilespmem:$0x1EC00] =	vst v63  }
0x24: {  	_ =	swait.ge [sflag:s28], $0x1C00  }
0x25: {  	[sflag:s28] =	ssyncset.done $0x0  }
0x26: {  	s1 =	rddreg [dreg:$0x7];
	[sflag:s28] =	ssyncadd.s32 $0xFFFFE400  }
0x27: {  	[spmem:s1] =	stream.linear.scatter [tilespmem:s26], [sflag:$0x2], $0x1C00, $0x38;
	[tilespmem:$0x1EC00] =	vst v63  }
0x28: {  	_ =	swait.ge [sflag:s28], $0x1C00  }
0x29: {  	[sflag:s28] =	ssyncset.done $0x0  }
0x2a: {  	s9 =	rddreg [dreg:$0x8];
	[sflag:s28] =	ssyncadd.s32 $0xFFFFE400  }
0x2b: {  	[spmem:s9] =	stream.linear.scatter [tilespmem:s26], [sflag:$0x2], $0x1C00, $0x38;
	[tilespmem:$0x1EC00] =	vst v63  }
0x2c: {  	_ =	swait.ge [sflag:s28], $0x1C00  }
0x2d: {  	[sflag:s28] =	ssyncset.done $0x0  }
0x2e: {  	[sflag:s28] =	ssyncadd.s32 $0xFFFFE400  }
0x2f: {  	[spmem:s15] =	stream.linear.scatter [tilespmem:s26], [sflag:$0x2], $0x1C00, $0x38;
	[tilespmem:$0x1EC00] =	vst v63  }
0x30: {  	_ =	swait.ge [sflag:s28], $0x1C00  }
0x31: {  	[sflag:s28] =	ssyncset.done $0x0  }
0x32: {  	[sflag:s28] =	ssyncadd.s32 $0xFFFFE400  }
0x33: {  	[spmem:s16] =	stream.linear.scatter [tilespmem:s26], [sflag:$0x2], $0x1C00, $0x38;
	[tilespmem:$0x1EC00] =	vst v63  }
0x34: {  	_ =	swait.ge [sflag:s28], $0x1C00  }
0x35: {  	[sflag:s28] =	ssyncset.done $0x0  }
0x36: {  	[sflag:s28] =	ssyncadd.s32 $0xFFFFE400  }
0x37: {  	[spmem:s17] =	stream.linear.scatter [tilespmem:s26], [sflag:$0x2], $0x1C00, $0x38;
	[tilespmem:$0x1EC00] =	vst v63  }
0x38: {  	_ =	swait.ge [sflag:s28], $0x1C00  }
0x39: {  	[sflag:s28] =	ssyncset.done $0x0  }
0x3a: {  	[sflag:s28] =	ssyncadd.s32 $0xFFFFE400  }
0x3b: {  	[spmem:s18] =	stream.linear.scatter [tilespmem:s26], [sflag:$0x2], $0x1C00, $0x38;
	[tilespmem:$0x1EC00] =	vst v63  }
0x3c: {  	_ =	swait.ge [sflag:s28], $0x1C00  }
0x3d: {  	[sflag:s28] =	ssyncset.done $0x0  }
0x3e: {  	[sflag:s28] =	ssyncadd.s32 $0xFFFFE400  }
0x3f: {  	[spmem:s19] =	stream.linear.scatter [tilespmem:s26], [sflag:$0x2], $0x1C00, $0x38;
	[tilespmem:$0x1EC00] =	vst v63  }
0x40: {  	_ =	swait.ge [sflag:s28], $0x1C00  }
0x41: {  	[sflag:s28] =	ssyncset.done $0x0  }
0x42: {  	[sflag:s28] =	ssyncadd.s32 $0xFFFFE400  }
0x43: {  	[spmem:s20] =	stream.linear.scatter [tilespmem:s26], [sflag:$0x2], $0x1C00, $0x38;
	[tilespmem:$0x1EC00] =	vst v63  }
0x44: {  	_ =	swait.ge [sflag:s28], $0x1C00  }
0x45: {  	[sflag:s28] =	ssyncset.done $0x0  }
0x46: {  	[sflag:s28] =	ssyncadd.s32 $0xFFFFE400  }
0x47: {  	[spmem:s21] =	stream.linear.scatter [tilespmem:s26], [sflag:$0x2], $0x1C00, $0x38;
	[tilespmem:$0x1EC00] =	vst v63  }
0x48: {  	_ =	swait.ge [sflag:s28], $0x1C00  }
0x49: {  	[sflag:s28] =	ssyncset.done $0x0  }
0x4a: {  	[sflag:s28] =	ssyncadd.s32 $0xFFFFE400  }
0x4b: {  	[spmem:s22] =	stream.linear.scatter [tilespmem:s26], [sflag:$0x2], $0x1C00, $0x38;
	[tilespmem:$0x1EC00] =	vst v63  }
0x4c: {  	_ =	swait.ge [sflag:s28], $0x1C00  }
0x4d: {  	[sflag:s28] =	ssyncset.done $0x0  }
0x4e: {  	[sflag:s28] =	ssyncadd.s32 $0xFFFFE400  }
0x4f: {  	[spmem:s23] =	stream.linear.scatter [tilespmem:s26], [sflag:$0x2], $0x1C00, $0x38;
	[tilespmem:$0x1EC00] =	vst v63  }
0x50: {  	_ =	swait.ge [sflag:s28], $0x1C00  }
0x51: {  	[sflag:s28] =	ssyncset.done $0x0  }
0x52: {  	[sflag:s28] =	ssyncadd.s32 $0xFFFFE400  }
0x53: {  	s13 =	sadd.s32 $0x0, s25;
	[bflag:$0x0] =	sbarrier.arrive $0xFFFF  }
0x54: {  	[tilespmem:s3], [sflag:$0x2] =	stream.linear.gather [hbm4b:s13+s3], $0x400, $0x38;
	[tilespmem:$0x1EC00] =	vst v63  }
0x55: {  	_ =	swait.ge [sflag:s28], $0x400  }
0x56: {  	[sflag:s28] =	ssyncset.done $0x0  }
0x57: {  	[sflag:s28] =	ssyncadd.s32 $0xFFFFFC00  }
0x58: {  	[tilespmem:s30], [sflag:$0x1] =	stream.indirect.gather [hbm4b:s4+s29], $0x10, s3, s29, $0xb8;
	[tilespmem:$0x1EC00] =	vst v63  }
0x59: {  	_ =	swait.ge [sflag:s31], $0x4000  }
0x5a: {  	[sflag:s31] =	ssyncset.done $0x0  }
0x5b: {  	s14 =	sadd.s32 $0x0, s24;
	[sflag:s31] =	ssyncadd.s32 $0xFFFFC000  }
0x5c: {  	[tilespmem:s29], [sflag:$0x2] =	stream.linear.gather [hbm4b:s14+s3], $0x400, $0x38;
	[tilespmem:$0x1EC00] =	vst v63  }
0x5d: {  	_ =	swait.ge [sflag:s28], $0x400  }
0x5e: {  	[sflag:s28] =	ssyncset.done $0x0  }
0x5f: {  	[sflag:s28] =	ssyncadd.s32 $0xFFFFFC00  }
0x60: {  	[spmem:s2] =	stream.indirect.scatter.add.f32 [tilespmem:s30], [sflag:$0x2], $0x10, s29, s29, $0xb8;
	[tilespmem:$0x1EC00] =	vst v63  }
0x61: {  	_ =	swait.ge [sflag:s28], $0x4000  }
0x62: {  	s6 =	simm.s32 $0x100;
	s1 =	simm.s32 $0x80;
	[sflag:s28] =	ssyncset.done $0x0  }
.LBB2_4:
0x63: {  	s7 =	sadd.s32 s1, s25  }
0x64: {  	[sflag:s28] =	ssyncadd.s32 $0xFFFFC000;
	s8 =	smov.u32 s6;
	s9 =	sadd.s32 $0x80, s6  }
0x65: {  	[tilespmem:s3], [sflag:$0x2] =	stream.linear.gather [hbm4b:s7+s3], $0x400, $0x38;
	[tilespmem:$0x1EC00] =	vst v63  }
0x66: {  	p0 =	sne.s32 s6, $0x1800;
	_ =	swait.ge [sflag:s28], $0x400  }
0x67: {  	[sflag:s28] =	ssyncset.done $0x0  }
0x68: {  	[sflag:s28] =	ssyncadd.s32 $0xFFFFFC00  }
0x69: {  	[tilespmem:s30], [sflag:$0x1] =	stream.indirect.gather [hbm4b:s4+s29], $0x10, s3, s29, $0xb8;
	[tilespmem:$0x1EC00] =	vst v63  }
0x6a: {  	_ =	swait.ge [sflag:s31], $0x4000  }
0x6b: {  	[sflag:s31] =	ssyncset.done $0x0  }
0x6c: {  	s6 =	sadd.s32 s1, s24;
	s1 =	smov.u32 s8;
	[sflag:s31] =	ssyncadd.s32 $0xFFFFC000  }
0x6d: {  	[tilespmem:s29], [sflag:$0x2] =	stream.linear.gather [hbm4b:s6+s3], $0x400, $0x38;
	[tilespmem:$0x1EC00] =	vst v63  }
0x6e: {  	_ =	swait.ge [sflag:s28], $0x400  }
.Ltmp1:
0x6f: {  	[sflag:s28] =	ssyncset.done $0x0;
	(pc) =	sbr.rel @p0 .LBB2_4-.Ltmp1, $4  }
0x70: {  	[sflag:s28] =	ssyncadd.s32 $0xFFFFFC00  }
0x71: {  	[spmem:s2] =	stream.indirect.scatter.add.f32 [tilespmem:s30], [sflag:$0x2], $0x10, s29, s29, $0xb8;
	[tilespmem:$0x1EC00] =	vst v63  }
0x72: {  	_ =	swait.ge [sflag:s28], $0x4000  }
0x73: {  	s6 =	smov.u32 s9;
	[sflag:s28] =	ssyncset.done $0x0  }
0x74: {  	s6 =	sadd.s32 s1, s25;
	[sflag:s28] =	ssyncadd.s32 $0xFFFFC000  }
0x75: {  	[tilespmem:s3], [sflag:$0x2] =	stream.linear.gather [hbm4b:s6+s3], $0x400, $0x38;
	[tilespmem:$0x1EC00] =	vst v63  }
0x76: {  	_ =	swait.ge [sflag:s28], $0x400  }
0x77: {  	[sflag:s28] =	ssyncset.done $0x0  }
0x78: {  	[sflag:s28] =	ssyncadd.s32 $0xFFFFFC00  }
0x79: {  	[tilespmem:s30], [sflag:$0x1] =	stream.indirect.gather [hbm4b:s4+s29], $0x10, s3, s29, $0xb8;
	[tilespmem:$0x1EC00] =	vst v63  }
0x7a: {  	_ =	swait.ge [sflag:s31], $0x4000  }
0x7b: {  	[sflag:s31] =	ssyncset.done $0x0  }
0x7c: {  	s14 =	sadd.s32 s1, s24;
	[sflag:s31] =	ssyncadd.s32 $0xFFFFC000  }
0x7d: {  	[tilespmem:s29], [sflag:$0x2] =	stream.linear.gather [hbm4b:s14+s3], $0x400, $0x38;
	[tilespmem:$0x1EC00] =	vst v63  }
0x7e: {  	_ =	swait.ge [sflag:s28], $0x400  }
0x7f: {  	[sflag:s28] =	ssyncset.done $0x0  }
0x80: {  	[sflag:s28] =	ssyncadd.s32 $0xFFFFFC00  }
0x81: {  	[spmem:s2] =	stream.indirect.scatter.add.f32 [tilespmem:s30], [sflag:$0x2], $0x10, s29, s29, $0xb8;
	[tilespmem:$0x1EC00] =	vst v63  }
0x82: {  	_ =	swait.ge [sflag:s28], $0x4000  }
0x83: {  	[sflag:s28] =	ssyncset.done $0x0  }
0x84: {  	[sflag:s28] =	ssyncadd.s32 $0xFFFFC000  }
0x85: {  	s6 =	stileid.u32;
	[bflag:$0x0] =	sbarrier.arrive $0xFFFF  }
0x86: {  	s1 =	sshll.u32 s6, $0x6;
	s7 =	rddreg [dreg:$0x4]  }
0x87: {  	s1 =	sor.u32 $0x1C02, s1;
	s6 =	sshrl.u32 s7, $0x3;
	s7 =	rddreg [dreg:$0x3]  }
0x88: {  	[hbm:s7], [sflag:s1] =	dma.local [spmem:s6], $0x3100  }
0x89: {  	_ =	swait.ge [sflag:s28], $0x3100  }
0x8a: {  	[sflag:s28] =	ssyncset.done $0x0  }
0x8b: {  	[sflag:s28] =	ssyncadd.s32 $0xFFFFCF00  }
0x8c: {  	[bflag:$0x0] =	sbarrier.arrive $0xFFFF  }
0x8d: {  	[spmem:s10] =	stream.linear.scatter [tilespmem:s26], [sflag:$0x2], $0x1C00, $0x38;
	[tilespmem:$0x1EC00] =	vst v63  }
0x8e: {  	_ =	swait.ge [sflag:s28], $0x1C00  }
0x8f: {  	[sflag:s28] =	ssyncset.done $0x0  }
0x90: {  	[sflag:s28] =	ssyncadd.s32 $0xFFFFE400  }
0x91: {  	[spmem:s11] =	stream.linear.scatter [tilespmem:s26], [sflag:$0x2], $0x1C00, $0x38;
	[tilespmem:$0x1EC00] =	vst v63  }
0x92: {  	_ =	swait.ge [sflag:s28], $0x1C00  }
0x93: {  	[sflag:s28] =	ssyncset.done $0x0  }
0x94: {  	[sflag:s28] =	ssyncadd.s32 $0xFFFFE400  }
0x95: {  	[spmem:s12] =	stream.linear.scatter [tilespmem:s26], [sflag:$0x2], $0x1C00, $0x38;
	[tilespmem:$0x1EC00] =	vst v63  }
0x96: {  	_ =	swait.ge [sflag:s28], $0x1C00  }
0x97: {  	[sflag:s28] =	ssyncset.done $0x0  }
0x98: {  	s8 =	rddreg [dreg:$0x7];
	[sflag:s28] =	ssyncadd.s32 $0xFFFFE400  }
0x99: {  	[spmem:s8] =	stream.linear.scatter [tilespmem:s26], [sflag:$0x2], $0x1C00, $0x38;
	[tilespmem:$0x1EC00] =	vst v63  }
0x9a: {  	_ =	swait.ge [sflag:s28], $0x1C00  }
0x9b: {  	[sflag:s28] =	ssyncset.done $0x0  }
0x9c: {  	s9 =	rddreg [dreg:$0x8];
	[sflag:s28] =	ssyncadd.s32 $0xFFFFE400  }
0x9d: {  	[spmem:s9] =	stream.linear.scatter [tilespmem:s26], [sflag:$0x2], $0x1C00, $0x38;
	[tilespmem:$0x1EC00] =	vst v63  }
0x9e: {  	_ =	swait.ge [sflag:s28], $0x1C00  }
0x9f: {  	[sflag:s28] =	ssyncset.done $0x0  }
0xa0: {  	[sflag:s28] =	ssyncadd.s32 $0xFFFFE400  }
0xa1: {  	[spmem:s15] =	stream.linear.scatter [tilespmem:s26], [sflag:$0x2], $0x1C00, $0x38;
	[tilespmem:$0x1EC00] =	vst v63  }
0xa2: {  	_ =	swait.ge [sflag:s28], $0x1C00  }
0xa3: {  	[sflag:s28] =	ssyncset.done $0x0  }
0xa4: {  	[sflag:s28] =	ssyncadd.s32 $0xFFFFE400  }
0xa5: {  	[spmem:s16] =	stream.linear.scatter [tilespmem:s26], [sflag:$0x2], $0x1C00, $0x38;
	[tilespmem:$0x1EC00] =	vst v63  }
0xa6: {  	_ =	swait.ge [sflag:s28], $0x1C00  }
0xa7: {  	[sflag:s28] =	ssyncset.done $0x0  }
0xa8: {  	[sflag:s28] =	ssyncadd.s32 $0xFFFFE400  }
0xa9: {  	[spmem:s17] =	stream.linear.scatter [tilespmem:s26], [sflag:$0x2], $0x1C00, $0x38;
	[tilespmem:$0x1EC00] =	vst v63  }
0xaa: {  	_ =	swait.ge [sflag:s28], $0x1C00  }
0xab: {  	[sflag:s28] =	ssyncset.done $0x0  }
0xac: {  	[sflag:s28] =	ssyncadd.s32 $0xFFFFE400  }
0xad: {  	[spmem:s18] =	stream.linear.scatter [tilespmem:s26], [sflag:$0x2], $0x1C00, $0x38;
	[tilespmem:$0x1EC00] =	vst v63  }
0xae: {  	_ =	swait.ge [sflag:s28], $0x1C00  }
0xaf: {  	[sflag:s28] =	ssyncset.done $0x0  }
0xb0: {  	[sflag:s28] =	ssyncadd.s32 $0xFFFFE400  }
0xb1: {  	[spmem:s19] =	stream.linear.scatter [tilespmem:s26], [sflag:$0x2], $0x1C00, $0x38;
	[tilespmem:$0x1EC00] =	vst v63  }
0xb2: {  	_ =	swait.ge [sflag:s28], $0x1C00  }
0xb3: {  	[sflag:s28] =	ssyncset.done $0x0  }
0xb4: {  	[sflag:s28] =	ssyncadd.s32 $0xFFFFE400  }
0xb5: {  	[spmem:s20] =	stream.linear.scatter [tilespmem:s26], [sflag:$0x2], $0x1C00, $0x38;
	[tilespmem:$0x1EC00] =	vst v63  }
0xb6: {  	_ =	swait.ge [sflag:s28], $0x1C00  }
0xb7: {  	[sflag:s28] =	ssyncset.done $0x0  }
0xb8: {  	[sflag:s28] =	ssyncadd.s32 $0xFFFFE400  }
0xb9: {  	[spmem:s21] =	stream.linear.scatter [tilespmem:s26], [sflag:$0x2], $0x1C00, $0x38;
	[tilespmem:$0x1EC00] =	vst v63  }
0xba: {  	_ =	swait.ge [sflag:s28], $0x1C00  }
0xbb: {  	[sflag:s28] =	ssyncset.done $0x0  }
0xbc: {  	[sflag:s28] =	ssyncadd.s32 $0xFFFFE400  }
0xbd: {  	[spmem:s22] =	stream.linear.scatter [tilespmem:s26], [sflag:$0x2], $0x1C00, $0x38;
	[tilespmem:$0x1EC00] =	vst v63  }
0xbe: {  	_ =	swait.ge [sflag:s28], $0x1C00  }
0xbf: {  	[sflag:s28] =	ssyncset.done $0x0  }
0xc0: {  	[sflag:s28] =	ssyncadd.s32 $0xFFFFE400  }
0xc1: {  	[spmem:s23] =	stream.linear.scatter [tilespmem:s26], [sflag:$0x2], $0x1C00, $0x38;
	[tilespmem:$0x1EC00] =	vst v63  }
0xc2: {  	_ =	swait.ge [sflag:s28], $0x1C00  }
0xc3: {  	[sflag:s28] =	ssyncset.done $0x0  }
0xc4: {  	[sflag:s28] =	ssyncadd.s32 $0xFFFFE400  }
0xc5: {  	s13 =	smov.u32 s11;
	s11 =	sadd.s32 $0x0, s25;
	[bflag:$0x0] =	sbarrier.arrive $0xFFFF  }
0xc6: {  	[tilespmem:s3], [sflag:$0x2] =	stream.linear.gather [hbm4b:s11+s3], $0x400, $0x38;
	[tilespmem:$0x1EC00] =	vst v63  }
0xc7: {  	_ =	swait.ge [sflag:s28], $0x400  }
0xc8: {  	[sflag:s28] =	ssyncset.done $0x0  }
0xc9: {  	[sflag:s28] =	ssyncadd.s32 $0xFFFFFC00  }
0xca: {  	[tilespmem:s30], [sflag:$0x1] =	stream.indirect.gather [hbm4b:s5+s29], $0x10, s3, s29, $0xb8;
	[tilespmem:$0x1EC00] =	vst v63  }
0xcb: {  	_ =	swait.ge [sflag:s31], $0x4000  }
0xcc: {  	[sflag:s31] =	ssyncset.done $0x0  }
0xcd: {  	s14 =	smov.u32 s12;
	s12 =	sadd.s32 $0x0, s24;
	[sflag:s31] =	ssyncadd.s32 $0xFFFFC000  }
0xce: {  	[tilespmem:s29], [sflag:$0x2] =	stream.linear.gather [hbm4b:s12+s3], $0x400, $0x38;
	[tilespmem:$0x1EC00] =	vst v63  }
0xcf: {  	_ =	swait.ge [sflag:s28], $0x400  }
0xd0: {  	[sflag:s28] =	ssyncset.done $0x0  }
0xd1: {  	[sflag:s28] =	ssyncadd.s32 $0xFFFFFC00  }
0xd2: {  	[spmem:s2] =	stream.indirect.scatter.add.f32 [tilespmem:s30], [sflag:$0x2], $0x10, s29, s29, $0xb8;
	[tilespmem:$0x1EC00] =	vst v63  }
0xd3: {  	_ =	swait.ge [sflag:s28], $0x4000  }
0xd4: {  	s7 =	simm.s32 $0x80;
	s8 =	simm.s32 $0x100;
	[sflag:s28] =	ssyncset.done $0x0  }
.LBB2_6:
0xd5: {  	s9 =	sadd.s32 s7, s25  }
0xd6: {  	[sflag:s28] =	ssyncadd.s32 $0xFFFFC000;
	s11 =	smov.u32 s8;
	s12 =	sadd.s32 $0x80, s8  }
0xd7: {  	[tilespmem:s3], [sflag:$0x2] =	stream.linear.gather [hbm4b:s9+s3], $0x400, $0x38;
	[tilespmem:$0x1EC00] =	vst v63  }
0xd8: {  	p0 =	sne.s32 s8, $0x1800;
	_ =	swait.ge [sflag:s28], $0x400  }
0xd9: {  	[sflag:s28] =	ssyncset.done $0x0  }
0xda: {  	[sflag:s28] =	ssyncadd.s32 $0xFFFFFC00  }
0xdb: {  	[tilespmem:s30], [sflag:$0x1] =	stream.indirect.gather [hbm4b:s5+s29], $0x10, s3, s29, $0xb8;
	[tilespmem:$0x1EC00] =	vst v63  }
0xdc: {  	_ =	swait.ge [sflag:s31], $0x4000  }
0xdd: {  	[sflag:s31] =	ssyncset.done $0x0  }
0xde: {  	s8 =	sadd.s32 s7, s24;
	s7 =	smov.u32 s11;
	[sflag:s31] =	ssyncadd.s32 $0xFFFFC000  }
0xdf: {  	[tilespmem:s29], [sflag:$0x2] =	stream.linear.gather [hbm4b:s8+s3], $0x400, $0x38;
	[tilespmem:$0x1EC00] =	vst v63  }
0xe0: {  	_ =	swait.ge [sflag:s28], $0x400  }
.Ltmp2:
0xe1: {  	[sflag:s28] =	ssyncset.done $0x0;
	(pc) =	sbr.rel @p0 .LBB2_6-.Ltmp2, $4  }
0xe2: {  	[sflag:s28] =	ssyncadd.s32 $0xFFFFFC00  }
0xe3: {  	[spmem:s2] =	stream.indirect.scatter.add.f32 [tilespmem:s30], [sflag:$0x2], $0x10, s29, s29, $0xb8;
	[tilespmem:$0x1EC00] =	vst v63  }
0xe4: {  	_ =	swait.ge [sflag:s28], $0x4000  }
0xe5: {  	s8 =	smov.u32 s12;
	[sflag:s28] =	ssyncset.done $0x0  }
0xe6: {  	s8 =	sadd.s32 s7, s25;
	[sflag:s28] =	ssyncadd.s32 $0xFFFFC000  }
0xe7: {  	[tilespmem:s3], [sflag:$0x2] =	stream.linear.gather [hbm4b:s8+s3], $0x400, $0x38;
	[tilespmem:$0x1EC00] =	vst v63  }
0xe8: {  	_ =	swait.ge [sflag:s28], $0x400  }
0xe9: {  	[sflag:s28] =	ssyncset.done $0x0  }
0xea: {  	[sflag:s28] =	ssyncadd.s32 $0xFFFFFC00  }
0xeb: {  	[tilespmem:s30], [sflag:$0x1] =	stream.indirect.gather [hbm4b:s5+s29], $0x10, s3, s29, $0xb8;
	[tilespmem:$0x1EC00] =	vst v63  }
0xec: {  	_ =	swait.ge [sflag:s31], $0x4000  }
0xed: {  	[sflag:s31] =	ssyncset.done $0x0  }
0xee: {  	s9 =	sadd.s32 s7, s24;
	[sflag:s31] =	ssyncadd.s32 $0xFFFFC000  }
0xef: {  	[tilespmem:s29], [sflag:$0x2] =	stream.linear.gather [hbm4b:s9+s3], $0x400, $0x38;
	[tilespmem:$0x1EC00] =	vst v63  }
0xf0: {  	_ =	swait.ge [sflag:s28], $0x400  }
0xf1: {  	[sflag:s28] =	ssyncset.done $0x0  }
0xf2: {  	[sflag:s28] =	ssyncadd.s32 $0xFFFFFC00  }
0xf3: {  	[spmem:s2] =	stream.indirect.scatter.add.f32 [tilespmem:s30], [sflag:$0x2], $0x10, s29, s29, $0xb8;
	[tilespmem:$0x1EC00] =	vst v63  }
0xf4: {  	_ =	swait.ge [sflag:s28], $0x4000  }
0xf5: {  	[sflag:s28] =	ssyncset.done $0x0  }
0xf6: {  	[sflag:s28] =	ssyncadd.s32 $0xFFFFC000  }
0xf7: {  	[bflag:$0x0] =	sbarrier.arrive $0xFFFF  }
0xf8: {  	s11 =	rddreg [dreg:$0x5]  }
0xf9: {  	[hbm:s11], [sflag:s1] =	dma.local [spmem:s6], $0x3100  }
0xfa: {  	_ =	swait.ge [sflag:s28], $0x3100  }
0xfb: {  	s0 =	sadd.s32 $0x1, s0;
	s12 =	rddreg [dreg:$0x6]  }
0xfc: {  	p0 =	sne.s32 s0, s12  }
.Ltmp3:
0xfd: {  	_ = 	snop;
	(pc) =	sbr.rel @p0 .LBB2_1-.Ltmp3, $4  }
0xfe: {  	[sflag:s28] =	ssyncset.done $0x0  }
0xff: {  	[sflag:s28] =	ssyncadd.s32 $0xFFFFCF00  }
0x100: {  	[bflag:$0x0] =	sbarrier.arrive $0xFFFF  }
0x101: {  	s11 =	smov.u32 s13;
	s12 =	smov.u32 s14  }
0x102: {  	_ =	sfence.sel $0x180000  }
0x103: {  	[bflag:$0x0] =	sbarrier.arrive $0xFFFF  }
0x104: {  	_ =	strace $0x9000004A  }
0x105: {  	s0 =	stileid.u32;
	[bflag:$0x2] =	sbarrier.arrive $0xFFFF  }
0x106: {  	p0 =	sne.s32 s0, $0x0;
	s0 =	rddreg [dreg:$0x2]  }
0x107: {  	s0 =	sadd.s32 @!p0 $0x100000, s0  }
0x108: {  	[sflag:s0] =	ssyncadd.tile.s32 @!p0 $0x1;
	_ =	shalt  }
.Lfunc_end2:
_tile_overlayer_lowered:
.L_overlay_start_2:
0x109: {  	(tag) =	ssettag $0x2  }
0x10a: {  	s0 =	rddreg [dreg:$0x0];
	s2 =	stileid.u32  }
0x10b: {  	s1 =	rddreg [dreg:$0x1];
	p0 =	sne.s32 s2, $0x0  }
0x10c: {  	s3 =	rddreg [dreg:$0x2];
	[bflag:$0x3] =	sbarrier.arrive $0xFFFF;
	s2 =	simm.s32 @!p0 $0x1C02  }
0x10d: {  	[timem:s3], [sflag:s2] =	dma.local @!p0 [hbm:s0], s1  }
0x10e: {  	s0 =	simm.s32 @!p0 $0x2  }
0x10f: {  	_ =	swait.ge @!p0 [sflag:s0], s1  }
0x110: {  	s1 =	ssub.s32 @!p0 $0x0, s1;
	[sflag:s0] =	ssyncset.done @!p0 $0x0  }
0x111: {  	[sflag:s0] =	ssyncadd.s32 @!p0 s1  }
0x112: {  	[bflag:$0x3] =	sbarrier.arrive $0xFFFF  }
0x113: {  	_ =	shalt  }

// kernel: kernel.14.cloned.1.call-start
scs
__scs_entry_jumppad:
0x0: {  	(pc) =	sbr.rel $0x88, $3  }
0x1: {  	(tag) =	ssettag $0x0;
	lr =	simm.s32 $0x1  }
0x2: {  	[smem:$0x3F90] =	sst lr;
	_ =	strace $0xD0000000  }
0x3: {  	_ = 	snop  }
0x4: {  	_ = 	snop  }
0x5: {  	_ = 	snop  }
0x6: {  	_ = 	snop  }
0x7: {  	_ = 	snop  }
__scs_overlays_trampoline_lowered:
0x8: {  	[smem:$0x3F9F] =	sst s0  }
0x9: {  	[smem:$0x3FA0] =	sst s1  }
0xa: {  	[smem:$0x3FA1] =	sst s2  }
0xb: {  	[smem:$0x3FA2] =	sst s3  }
0xc: {  	[smem:$0x3FA3] =	sst s4  }
0xd: {  	[smem:$0x3FA4] =	sst s5  }
0xe: {  	[smem:$0x3FA5] =	sst s6  }
0xf: {  	[smem:$0x3FA6] =	sst s7  }
0x10: {  	[smem:$0x3FA7] =	sst s8  }
0x11: {  	[smem:$0x3FA8] =	sst s9;
	s0 =	simm.s32 @!p0 $0x0  }
0x12: {  	s1 =	sld [smem:$0x3F8E];
	s0 =	simm.s32 @p0 $0x1  }
0x13: {  	[smem:$0x3FA9] =	sst s0;
	s0 =	simm.s32 @!p1 $0x0  }
0x14: {  	s2 =	sld [smem:$0x3F8D];
	s0 =	simm.s32 @p1 $0x1  }
0x15: {  	[smem:$0x3FAA] =	sst s0;
	s0 =	simm.s32 @!p2 $0x0  }
0x16: {  	s3 =	sld [smem:$0x3FDB];
	s0 =	simm.s32 @p2 $0x1  }
0x17: {  	s4 =	simm.s32 $0x1BF5;
	[smem:$0x3FAC] =	sst s0  }
0x18: {  	s0 =	sld [smem:$0x3F8F];
	_ =	swait.ge [sflag:s4], $0x0  }
0x19: {  	s7 =	sld [smem:$0x3F90]  }
0x1a: {  	s8 =	sadd.s32 $0xFFFFE003, lr  }
0x1b: {  	s9 =	sadd.s32 $0xFFFFFEF7, lr;
	s5 =	simm.s32 $0xFFFFFFFF;
	p2 =	slt.u32 s8, $0xFFFFF086  }
0x1c: {  	p1 =	slt.u32 s9, $0xF7A;
	s5 =	simm.s32 @!p2 $0x0  }
0x1d: {  	s5 =	simm.s32 @p1 $0x1;
	p0 =	seq.s32 s7, s2  }
0x1e: {  	s7 =	smul.u32 @!p0 $0xF7A, s2;
	p2 =	seq.s32 @!p0 s5, $0x0  }
0x1f: {  	s9 =	smul.u32 $0xF7A, s1;
	s8 =	simm.s32 @!p0 $0x1BF5;
	p2 =	por !p2, p0  }
0x20: {  	[sflag:s8] =	ssyncset.s32 @!p0 $0xFFFFF086;
	s6 =	sadd.s32 @!p0 s3, s7;
	s7 =	simm.s32 @!p0 $0x108  }
0x21: {  	s3 =	sadd.s32 s3, s9;
	s6 =	sadd.s32 @!p0 $0x88, s6;
	s7 =	simm.s32 @p2 $0x1082  }
0x22: {  	[simem:s7], [sflag:s8] =	dma.local @!p0 [hbm:s6], $0xF7A  }
0x23: {  	s9 =	sor.u32 $0xD0000000, s2;
	s6 =	simm.s32 $0x108;
	_ =	swait.ge @!p0 [sflag:s8], $0x0  }
0x24: {  	s3 =	sadd.s32 $0x88, s3;
	s6 =	simm.s32 @!p1 $0x1082;
	[sflag:s4] =	ssyncset.s32 $0xFFFFF086  }
0x25: {  	[simem:s6], [sflag:s4] =	dma.local [hbm:s3], $0xF7A  }
0x26: {  	[smem:$0x3F90] =	sst s1;
	(tag) =	ssettag s2;
	_ =	strace s9  }
0x27: {  	s1 =	sld [smem:$0x3FA0]  }
0x28: {  	s2 =	sld [smem:$0x3FA1]  }
0x29: {  	s4 =	sld [smem:$0x3FA3]  }
0x2a: {  	p0 =	seq.s32 s5, $0x0;
	s5 =	sld [smem:$0x3FA4]  }
0x2b: {  	s6 =	sld [smem:$0x3FA5]  }
0x2c: {  	s7 =	sld [smem:$0x3FA6]  }
0x2d: {  	s3 =	simm.s32 $0x108;
	s8 =	sld [smem:$0x3FA7]  }
0x2e: {  	s3 =	simm.s32 @!p0 $0x1082;
	s9 =	sld [smem:$0x3FA8]  }
0x2f: {  	lr =	sadd.s32 s0, s3;
	s0 =	sld [smem:$0x3F9F]  }
0x30: {  	s3 =	sld [smem:$0x3FA2]  }
0x31: {  	[smem:$0x3FAB] =	sst s10  }
0x32: {  	s10 =	sld [smem:$0x3FA9];
	_ =	sdelay $0x3  }
0x33: {  	p0 =	seq.s32 s10, $0x1;
	s10 =	sld [smem:$0x3FAB];
	_ =	sdelay $0x3  }
0x34: {  	[smem:$0x3FAB] =	sst s10  }
0x35: {  	s10 =	sld [smem:$0x3FAA];
	_ =	sdelay $0x3  }
0x36: {  	p1 =	seq.s32 s10, $0x1;
	s10 =	sld [smem:$0x3FAB];
	_ =	sdelay $0x3  }
0x37: {  	[smem:$0x3FAB] =	sst s10  }
0x38: {  	s10 =	sld [smem:$0x3FAC]  }
0x39: {  	_ = 	snop;
	(pc) =	sbr.ind lr, $3  }
0x3a: {  	_ = 	snop  }
0x3b: {  	_ = 	snop  }
0x3c: {  	p2 =	seq.s32 s10, $0x1;
	s10 =	sld [smem:$0x3FAB]  }
0x3d: {  	_ =	shalt  }
0x3e: {  	_ =	shalt  }
0x3f: {  	_ =	shalt  }
0x40: {  	_ =	shalt  }
0x41: {  	_ =	shalt  }
0x42: {  	_ =	shalt  }
0x43: {  	_ =	shalt  }
0x44: {  	_ =	shalt  }
0x45: {  	_ =	shalt  }
0x46: {  	_ =	shalt  }
0x47: {  	_ =	shalt  }
0x48: {  	_ =	shalt  }
0x49: {  	_ =	shalt  }
0x4a: {  	_ =	shalt  }
0x4b: {  	_ =	shalt  }
0x4c: {  	_ =	shalt  }
0x4d: {  	_ =	shalt  }
0x4e: {  	_ =	shalt  }
0x4f: {  	_ =	shalt  }
0x50: {  	_ =	shalt  }
0x51: {  	_ =	shalt  }
0x52: {  	_ =	shalt  }
0x53: {  	_ =	shalt  }
0x54: {  	_ =	shalt  }
0x55: {  	_ =	shalt  }
0x56: {  	_ =	shalt  }
0x57: {  	_ =	shalt  }
0x58: {  	_ =	shalt  }
0x59: {  	_ =	shalt  }
0x5a: {  	_ =	shalt  }
0x5b: {  	_ =	shalt  }
0x5c: {  	_ =	shalt  }
0x5d: {  	_ =	shalt  }
0x5e: {  	_ =	shalt  }
0x5f: {  	_ =	shalt  }
0x60: {  	_ =	shalt  }
0x61: {  	_ =	shalt  }
0x62: {  	_ =	shalt  }
0x63: {  	_ =	shalt  }
0x64: {  	_ =	shalt  }
0x65: {  	_ =	shalt  }
0x66: {  	_ =	shalt  }
0x67: {  	_ =	shalt  }
0x68: {  	_ =	shalt  }
0x69: {  	_ =	shalt  }
0x6a: {  	_ =	shalt  }
0x6b: {  	_ =	shalt  }
0x6c: {  	_ =	shalt  }
0x6d: {  	_ =	shalt  }
0x6e: {  	_ =	shalt  }
0x6f: {  	_ =	shalt  }
0x70: {  	_ =	shalt  }
0x71: {  	_ =	shalt  }
0x72: {  	_ =	shalt  }
0x73: {  	_ =	shalt  }
0x74: {  	_ =	shalt  }
0x75: {  	_ =	shalt  }
0x76: {  	_ =	shalt  }
0x77: {  	_ =	shalt  }
0x78: {  	_ =	shalt  }
0x79: {  	_ =	shalt  }
0x7a: {  	_ =	shalt  }
0x7b: {  	_ =	shalt  }
0x7c: {  	_ =	shalt  }
0x7d: {  	_ =	shalt  }
0x7e: {  	_ =	shalt  }
0x7f: {  	_ =	shalt  }
0x80: {  	_ =	shalt  }
0x81: {  	_ =	shalt  }
0x82: {  	_ =	shalt  }
0x83: {  	_ =	shalt  }
0x84: {  	_ =	shalt  }
0x85: {  	_ =	shalt  }
0x86: {  	_ =	shalt  }
0x87: {  	_ =	shalt  }
.Lfunc_end0:
.L_simem_size_0:
called_computation.2_lowered:
.L_overlay_start_0:
0x88: {  	s2 =	sld [smem:$0x3FD9]  }
0x89: {  	s3 =	sld [smem:$0x3FFE];
	_ =	sdelay $0x1  }
0x8a: {  	s1 =	srdreg.scid  }
0x8b: {  	s0 =	sand.u32 $0x1, s1  }
0x8c: {  	s16 =	sshll.u32 s0, $0xA;
	s2 =	sadd.s32 s3, s2  }
0x8d: {  	s2 =	sadd.s32 s2, s16  }
0x8e: {  	[smem:$0x3FB7] =	sst s2  }
0x8f: {  	_ = 	snop  }
0x90: {  	(tm) =	ssettm $0x1  }
0x91: {  	s17 =	sld [smem:$0x3FFB];
	_ =	sdelay $0x3  }
0x92: {  	_ =	strace s17  }
0x93: {  	s2 =	sld [smem:$0x3FFC];
	_ =	sdelay $0x3  }
0x94: {  	_ =	strace s2  }
0x95: {  	s2 =	sld [smem:$0x3FFD];
	_ =	sdelay $0x3  }
0x96: {  	_ =	strace s2  }
0x97: {  	_ =	strace $0x8FFFFFFF  }
0x98: {  	s18 =	sld [smem:$0x3FDB];
	_ =	sdelay $0x1  }
0x99: {  	s19 =	simm.s32 $_scs_section_size  }
0x9a: {  	s4 =	simm.s32 $_size__tile_overlayer_lowered;
	s5 =	simm.s32 $_tile_overlayer_lowered  }
0x9b: {  	s22 =	simm.s32 $0x1BFF;
	s21 =	sshll.u32 s5, $0x1;
	s2 =	sadd.s32 s19, s18  }
0x9c: {  	s6 =	simm.s32 $0x0;
	s20 =	sshll.u32 s4, $0x1;
	s4 =	sadd.s32 s21, s2  }
0x9d: {  	[timem:s6], [sflag:s22] =	dma.local [hbm:s4], s20  }
0x9e: {  	_ =	swait.ge [sflag:s22], s20  }
0x9f: {  	s3 =	ssub.s32 $0x0, s20;
	[sflag:s22] =	ssyncset.done $0x0  }
0xa0: {  	[sflag:s22] =	ssyncadd.s32 s3;
	_ =	sdelay $0x1  }
0xa1: {  	s23 =	simm.s32 $0x1B8B  }
0xa2: {  	_ =	swait.ge [sflag:s23], $0x1  }
0xa3: {  	[sflag:s23] =	ssyncset.done $0x0  }
0xa4: {  	s25 =	simm.s32 $0x1B8E;
	s24 =	sld [smem:$0x3FFE];
	[sflag:s23] =	ssyncadd.s32 $0xFFFFFFFF  }
0xa5: {  	s26 =	simm.s32 $execute0_lowered;
	[smem:$0x3FD2] =	sst s25  }
0xa6: {  	s4 =	sshll.u32 s26, $0x1;
	_ =	strace $0x8000004C;
	[dreg:$0x1] =	wrdreg $0xFFFFFFFF  }
0xa7: {  	s28 =	simm.s32 $_size_execute0_lowered;
	s2 =	sadd.s32 s2, s4;
	[dreg:$0x0] =	wrdreg $0x0  }
0xa8: {  	s4 =	sshll.u32 s28, $0x1;
	[dreg:$0x2] =	wrdreg s2  }
0xa9: {  	[dreg:$0x3] =	wrdreg s4  }
0xaa: {  	[dreg:$0x4] =	wrdreg $0xC0  }
0xab: {  	_ =	task [dreg:s6], $0x5FFFF  }
0xac: {  	[dreg:$0x1] =	wrdreg $0xFFFFFFFF  }
0xad: {  	[dreg:$0x0] =	wrdreg $0x60  }
0xae: {  	[dreg:$0x2] =	wrdreg s24  }
0xaf: {  	[dreg:$0x3] =	wrdreg $0x64000  }
0xb0: {  	[dreg:$0x4] =	wrdreg $0x9  }
0xb1: {  	_ =	task.clear_ibuf [dreg:s6], $0x5FFFF;
	_ =	strace $0x9000004C  }
0xb2: {  	s29 =	simm.s32 $0x9;
	_ =	strace $0x8000004E  }
0xb3: {  	_ =	swait.ge [sflag:s29], $0x1  }
0xb4: {  	[sflag:s29] =	ssyncadd.s32 $0xFFFFFFFF  }
0xb5: {  	_ =	strace $0x9000004E  }
0xb6: {  	_ =	sfence  }
0xb7: {  	s30 =	sld [smem:$0x0];
	_ =	sdelay $0x2  }
0xb8: {  	s31 =	sshll.u32 s1, $0xD;
	s1 =	sshrl.u32 s1, $0x2  }
0xb9: {  	s3 =	sand.u32 $0x4000, s31;
	s1 =	sadd.s32 s1, s30  }
0xba: {  	s0 =	sor.u32 s3, s0;
	s1 =	sshll.u32 s1, $0x11  }
0xbb: {  	s0 =	sor.u32 s1, s0  }
0xbc: {  	s0 =	sadd.s32 $0x8F2B, s0  }
0xbd: {  	[sflag:s0] =	ssyncadd.remote.s32 $0x1  }
0xbe: {  	_ =	sfence.sel $0xFFFF  }
0xbf: {  	[dreg:$0x0] =	wrdreg $0xFFFFFFFF;
	(pc) =	sbr.abs _section_cstart, $3  }
0xc0: {  	[dreg:$0x1] =	wrdreg $0xFFFFFFFF  }
0xc1: {  	_ =	task.clear_ibuf [dreg:s6], $0x2FFFF;
	_ =	strace $0x9FFFFFFF  }
0xc2: {  	(tm) =	ssettm $0x7FFFFFFF  }
0xc3: {  	_ =	shalt  }
tec
execute0_lowered:
.L_overlay_start_1:
0x0: {  	(tag) =	ssettag $0x1  }
0x1: {  	s0 =	rddreg [dreg:$0x0]  }
0x2: {  	s1 =	srdreg.scid;
	s10 =	stileid.u32  }
0x3: {  	s2 =	rddreg [dreg:$0x1];
	s3 =	simm.s32 $0x0;
	s7 =	smul.u32 $0xC400, s10  }
0x4: {  	s28 =	simm.s32 $0x2;
	s29 =	simm.s32 $0x400;
	s9 =	smul.u32 $0x18800, s10  }
0x5: {  	s30 =	simm.s32 $0x800;
	s1 =	sand.u32 $0x1, s1;
	s10 =	smul.u32 $0x62000, s10  }
0x6: {  	s31 =	simm.s32 $0x1;
	[smem:$0x7FF] =	sst s3;
	s6 =	smul.u32 $0xC4000, s1  }
0x7: {  	s4 =	sadd.s32 $0x509000, s0;
	s8 =	smul.u32 $0x310000, s1;
	s1 =	ssub.s32 $0x2, s1  }
0x8: {  	s5 =	sadd.s32 $0x819000, s0;
	_ =	strace $0x8000004D;
	s21 =	sshrl.u32 s1, $0x1  }
0x9: {  	s22 =	sadd.s32 s9, s2;
	s23 =	sshrl.u32 s10, $0x2;
	s6 =	sadd.s32 s7, s6  }
0xa: {  	s20 =	sadd.s32 s9, s8;
	s1 =	ssub.s32 s1, s21;
	[dreg:$0x4] =	wrdreg s22  }
0xb: {  	s10 =	sadd.s32 s23, s2;
	s6 =	sshrl.u32 s6, $0x3;
	s7 =	sshrl.u32 s20, $0x3  }
0xc: {  	s24 =	smax.u32 s1, $0x1;
	s11 =	sadd.s32 $0x1C00, s10;
	s12 =	sadd.s32 $0x3800, s10  }
0xd: {  	s25 =	sadd.s32 $0x5400, s10;
	s26 =	sadd.s32 $0x7000, s10;
	s15 =	sadd.s32 $0x8C00, s10  }
0xe: {  	s16 =	sadd.s32 $0xA800, s10;
	s17 =	sadd.s32 $0xC400, s10;
	s18 =	sadd.s32 $0xE000, s10  }
0xf: {  	s19 =	sadd.s32 $0xFC00, s10;
	s20 =	sadd.s32 $0x11800, s10;
	s21 =	sadd.s32 $0x13400, s10  }
0x10: {  	s22 =	sadd.s32 $0x15000, s10;
	s23 =	sadd.s32 $0x16C00, s10;
	[dreg:$0x6] =	wrdreg s24  }
0x11: {  	s6 =	sadd.s32 s6, s0;
	s0 =	sadd.s32 s7, s0;
	[dreg:$0x7] =	wrdreg s25  }
0x12: {  	[dreg:$0x8] =	wrdreg s26;
	s26 =	simm.s32 $0x4800;
	s7 =	sadd.s32 $0x53A000, s0  }
0x13: {  	s0 =	sadd.s32 $0x56B000, s0;
	s24 =	sadd.s32 $0x2A00, s6;
	[dreg:$0x3] =	wrdreg s7  }
0x14: {  	v0 =	vimm.f32 $0.0e+00;
	s25 =	sadd.s32 $0x33A00, s6;
	[dreg:$0x5] =	wrdreg s0;
	s0 =	simm.s32 $0x0  }
.LBB2_1:
0x15: {  	s1 =	simm.s32 $0x40;
	s6 =	simm.s32 $0x0  }
.LBB2_2:
0x16: {  	p0 =	sne.s32 s1, $0x6FC0;
	[tilespmem:s6+$0x4800] =	vst v0;
	s6 =	smov.u32 s1;
	s1 =	sadd.s32 $0x40, s1  }
.Ltmp0:
0x17: {  	(pc) =	sbr.rel @p0 .LBB2_2-.Ltmp0, $2  }
0x18: {  	_ =	sdelay $0x2  }
0x19: {  	s6 =	sshra.s32 s6, $0x2  }
0x1a: {  	[tilespmem:s6+$0x4800] =	vst v0  }
0x1b: {  	[spmem:s10] =	stream.linear.scatter [tilespmem:s26], [sflag:$0x2], $0x1C00, $0x38;
	[tilespmem:$0x1EC00] =	vst v63  }
0x1c: {  	_ =	swait.ge [sflag:s28], $0x1C00  }
0x1d: {  	[sflag:s28] =	ssyncset.done $0x0  }
0x1e: {  	[sflag:s28] =	ssyncadd.s32 $0xFFFFE400  }
0x1f: {  	[spmem:s11] =	stream.linear.scatter [tilespmem:s26], [sflag:$0x2], $0x1C00, $0x38;
	[tilespmem:$0x1EC00] =	vst v63  }
0x20: {  	_ =	swait.ge [sflag:s28], $0x1C00  }
0x21: {  	[sflag:s28] =	ssyncset.done $0x0  }
0x22: {  	[sflag:s28] =	ssyncadd.s32 $0xFFFFE400  }
0x23: {  	[spmem:s12] =	stream.linear.scatter [tilespmem:s26], [sflag:$0x2], $0x1C00, $0x38;
	[tilespmem:$0x1EC00] =	vst v63  }
0x24: {  	_ =	swait.ge [sflag:s28], $0x1C00  }
0x25: {  	[sflag:s28] =	ssyncset.done $0x0  }
0x26: {  	s1 =	rddreg [dreg:$0x7];
	[sflag:s28] =	ssyncadd.s32 $0xFFFFE400  }
0x27: {  	[spmem:s1] =	stream.linear.scatter [tilespmem:s26], [sflag:$0x2], $0x1C00, $0x38;
	[tilespmem:$0x1EC00] =	vst v63  }
0x28: {  	_ =	swait.ge [sflag:s28], $0x1C00  }
0x29: {  	[sflag:s28] =	ssyncset.done $0x0  }
0x2a: {  	s9 =	rddreg [dreg:$0x8];
	[sflag:s28] =	ssyncadd.s32 $0xFFFFE400  }
0x2b: {  	[spmem:s9] =	stream.linear.scatter [tilespmem:s26], [sflag:$0x2], $0x1C00, $0x38;
	[tilespmem:$0x1EC00] =	vst v63  }
0x2c: {  	_ =	swait.ge [sflag:s28], $0x1C00  }
0x2d: {  	[sflag:s28] =	ssyncset.done $0x0  }
0x2e: {  	[sflag:s28] =	ssyncadd.s32 $0xFFFFE400  }
0x2f: {  	[spmem:s15] =	stream.linear.scatter [tilespmem:s26], [sflag:$0x2], $0x1C00, $0x38;
	[tilespmem:$0x1EC00] =	vst v63  }
0x30: {  	_ =	swait.ge [sflag:s28], $0x1C00  }
0x31: {  	[sflag:s28] =	ssyncset.done $0x0  }
0x32: {  	[sflag:s28] =	ssyncadd.s32 $0xFFFFE400  }
0x33: {  	[spmem:s16] =	stream.linear.scatter [tilespmem:s26], [sflag:$0x2], $0x1C00, $0x38;
	[tilespmem:$0x1EC00] =	vst v63  }
0x34: {  	_ =	swait.ge [sflag:s28], $0x1C00  }
0x35: {  	[sflag:s28] =	ssyncset.done $0x0  }
0x36: {  	[sflag:s28] =	ssyncadd.s32 $0xFFFFE400  }
0x37: {  	[spmem:s17] =	stream.linear.scatter [tilespmem:s26], [sflag:$0x2], $0x1C00, $0x38;
	[tilespmem:$0x1EC00] =	vst v63  }
0x38: {  	_ =	swait.ge [sflag:s28], $0x1C00  }
0x39: {  	[sflag:s28] =	ssyncset.done $0x0  }
0x3a: {  	[sflag:s28] =	ssyncadd.s32 $0xFFFFE400  }
0x3b: {  	[spmem:s18] =	stream.linear.scatter [tilespmem:s26], [sflag:$0x2], $0x1C00, $0x38;
	[tilespmem:$0x1EC00] =	vst v63  }
0x3c: {  	_ =	swait.ge [sflag:s28], $0x1C00  }
0x3d: {  	[sflag:s28] =	ssyncset.done $0x0  }
0x3e: {  	[sflag:s28] =	ssyncadd.s32 $0xFFFFE400  }
0x3f: {  	[spmem:s19] =	stream.linear.scatter [tilespmem:s26], [sflag:$0x2], $0x1C00, $0x38;
	[tilespmem:$0x1EC00] =	vst v63  }
0x40: {  	_ =	swait.ge [sflag:s28], $0x1C00  }
0x41: {  	[sflag:s28] =	ssyncset.done $0x0  }
0x42: {  	[sflag:s28] =	ssyncadd.s32 $0xFFFFE400  }
0x43: {  	[spmem:s20] =	stream.linear.scatter [tilespmem:s26], [sflag:$0x2], $0x1C00, $0x38;
	[tilespmem:$0x1EC00] =	vst v63  }
0x44: {  	_ =	swait.ge [sflag:s28], $0x1C00  }
0x45: {  	[sflag:s28] =	ssyncset.done $0x0  }
0x46: {  	[sflag:s28] =	ssyncadd.s32 $0xFFFFE400  }
0x47: {  	[spmem:s21] =	stream.linear.scatter [tilespmem:s26], [sflag:$0x2], $0x1C00, $0x38;
	[tilespmem:$0x1EC00] =	vst v63  }
0x48: {  	_ =	swait.ge [sflag:s28], $0x1C00  }
0x49: {  	[sflag:s28] =	ssyncset.done $0x0  }
0x4a: {  	[sflag:s28] =	ssyncadd.s32 $0xFFFFE400  }
0x4b: {  	[spmem:s22] =	stream.linear.scatter [tilespmem:s26], [sflag:$0x2], $0x1C00, $0x38;
	[tilespmem:$0x1EC00] =	vst v63  }
0x4c: {  	_ =	swait.ge [sflag:s28], $0x1C00  }
0x4d: {  	[sflag:s28] =	ssyncset.done $0x0  }
0x4e: {  	[sflag:s28] =	ssyncadd.s32 $0xFFFFE400  }
0x4f: {  	[spmem:s23] =	stream.linear.scatter [tilespmem:s26], [sflag:$0x2], $0x1C00, $0x38;
	[tilespmem:$0x1EC00] =	vst v63  }
0x50: {  	_ =	swait.ge [sflag:s28], $0x1C00  }
0x51: {  	[sflag:s28] =	ssyncset.done $0x0  }
0x52: {  	[sflag:s28] =	ssyncadd.s32 $0xFFFFE400  }
0x53: {  	s13 =	sadd.s32 $0x0, s25;
	[bflag:$0x0] =	sbarrier.arrive $0xFFFF  }
0x54: {  	[tilespmem:s3], [sflag:$0x2] =	stream.linear.gather [hbm4b:s13+s3], $0x400, $0x38;
	[tilespmem:$0x1EC00] =	vst v63  }
0x55: {  	_ =	swait.ge [sflag:s28], $0x400  }
0x56: {  	[sflag:s28] =	ssyncset.done $0x0  }
0x57: {  	[sflag:s28] =	ssyncadd.s32 $0xFFFFFC00  }
0x58: {  	[tilespmem:s30], [sflag:$0x1] =	stream.indirect.gather [hbm4b:s4+s29], $0x10, s3, s29, $0xb8;
	[tilespmem:$0x1EC00] =	vst v63  }
0x59: {  	_ =	swait.ge [sflag:s31], $0x4000  }
0x5a: {  	[sflag:s31] =	ssyncset.done $0x0  }
0x5b: {  	s14 =	sadd.s32 $0x0, s24;
	[sflag:s31] =	ssyncadd.s32 $0xFFFFC000  }
0x5c: {  	[tilespmem:s29], [sflag:$0x2] =	stream.linear.gather [hbm4b:s14+s3], $0x400, $0x38;
	[tilespmem:$0x1EC00] =	vst v63  }
0x5d: {  	_ =	swait.ge [sflag:s28], $0x400  }
0x5e: {  	[sflag:s28] =	ssyncset.done $0x0  }
0x5f: {  	[sflag:s28] =	ssyncadd.s32 $0xFFFFFC00  }
0x60: {  	[spmem:s2] =	stream.indirect.scatter.add.f32 [tilespmem:s30], [sflag:$0x2], $0x10, s29, s29, $0xb8;
	[tilespmem:$0x1EC00] =	vst v63  }
0x61: {  	_ =	swait.ge [sflag:s28], $0x4000  }
0x62: {  	s6 =	simm.s32 $0x100;
	s1 =	simm.s32 $0x80;
	[sflag:s28] =	ssyncset.done $0x0  }
.LBB2_4:
0x63: {  	s7 =	sadd.s32 s1, s25  }
0x64: {  	[sflag:s28] =	ssyncadd.s32 $0xFFFFC000;
	s8 =	smov.u32 s6;
	s9 =	sadd.s32 $0x80, s6  }
0x65: {  	[tilespmem:s3], [sflag:$0x2] =	stream.linear.gather [hbm4b:s7+s3], $0x400, $0x38;
	[tilespmem:$0x1EC00] =	vst v63  }
0x66: {  	p0 =	sne.s32 s6, $0x1800;
	_ =	swait.ge [sflag:s28], $0x400  }
0x67: {  	[sflag:s28] =	ssyncset.done $0x0  }
0x68: {  	[sflag:s28] =	ssyncadd.s32 $0xFFFFFC00  }
0x69: {  	[tilespmem:s30], [sflag:$0x1] =	stream.indirect.gather [hbm4b:s4+s29], $0x10, s3, s29, $0xb8;
	[tilespmem:$0x1EC00] =	vst v63  }
0x6a: {  	_ =	swait.ge [sflag:s31], $0x4000  }
0x6b: {  	[sflag:s31] =	ssyncset.done $0x0  }
0x6c: {  	s6 =	sadd.s32 s1, s24;
	s1 =	smov.u32 s8;
	[sflag:s31] =	ssyncadd.s32 $0xFFFFC000  }
0x6d: {  	[tilespmem:s29], [sflag:$0x2] =	stream.linear.gather [hbm4b:s6+s3], $0x400, $0x38;
	[tilespmem:$0x1EC00] =	vst v63  }
0x6e: {  	_ =	swait.ge [sflag:s28], $0x400  }
.Ltmp1:
0x6f: {  	[sflag:s28] =	ssyncset.done $0x0;
	(pc) =	sbr.rel @p0 .LBB2_4-.Ltmp1, $4  }
0x70: {  	[sflag:s28] =	ssyncadd.s32 $0xFFFFFC00  }
0x71: {  	[spmem:s2] =	stream.indirect.scatter.add.f32 [tilespmem:s30], [sflag:$0x2], $0x10, s29, s29, $0xb8;
	[tilespmem:$0x1EC00] =	vst v63  }
0x72: {  	_ =	swait.ge [sflag:s28], $0x4000  }
0x73: {  	s6 =	smov.u32 s9;
	[sflag:s28] =	ssyncset.done $0x0  }
0x74: {  	s6 =	sadd.s32 s1, s25;
	[sflag:s28] =	ssyncadd.s32 $0xFFFFC000  }
0x75: {  	[tilespmem:s3], [sflag:$0x2] =	stream.linear.gather [hbm4b:s6+s3], $0x400, $0x38;
	[tilespmem:$0x1EC00] =	vst v63  }
0x76: {  	_ =	swait.ge [sflag:s28], $0x400  }
0x77: {  	[sflag:s28] =	ssyncset.done $0x0  }
0x78: {  	[sflag:s28] =	ssyncadd.s32 $0xFFFFFC00  }
0x79: {  	[tilespmem:s30], [sflag:$0x1] =	stream.indirect.gather [hbm4b:s4+s29], $0x10, s3, s29, $0xb8;
	[tilespmem:$0x1EC00] =	vst v63  }
0x7a: {  	_ =	swait.ge [sflag:s31], $0x4000  }
0x7b: {  	[sflag:s31] =	ssyncset.done $0x0  }
0x7c: {  	s14 =	sadd.s32 s1, s24;
	[sflag:s31] =	ssyncadd.s32 $0xFFFFC000  }
0x7d: {  	[tilespmem:s29], [sflag:$0x2] =	stream.linear.gather [hbm4b:s14+s3], $0x400, $0x38;
	[tilespmem:$0x1EC00] =	vst v63  }
0x7e: {  	_ =	swait.ge [sflag:s28], $0x400  }
0x7f: {  	[sflag:s28] =	ssyncset.done $0x0  }
0x80: {  	[sflag:s28] =	ssyncadd.s32 $0xFFFFFC00  }
0x81: {  	[spmem:s2] =	stream.indirect.scatter.add.f32 [tilespmem:s30], [sflag:$0x2], $0x10, s29, s29, $0xb8;
	[tilespmem:$0x1EC00] =	vst v63  }
0x82: {  	_ =	swait.ge [sflag:s28], $0x4000  }
0x83: {  	[sflag:s28] =	ssyncset.done $0x0  }
0x84: {  	[sflag:s28] =	ssyncadd.s32 $0xFFFFC000  }
0x85: {  	s6 =	stileid.u32;
	[bflag:$0x0] =	sbarrier.arrive $0xFFFF  }
0x86: {  	s1 =	sshll.u32 s6, $0x6;
	s7 =	rddreg [dreg:$0x4]  }
0x87: {  	s1 =	sor.u32 $0x1C02, s1;
	s6 =	sshrl.u32 s7, $0x3;
	s7 =	rddreg [dreg:$0x3]  }
0x88: {  	[hbm:s7], [sflag:s1] =	dma.local [spmem:s6], $0x3100  }
0x89: {  	_ =	swait.ge [sflag:s28], $0x3100  }
0x8a: {  	[sflag:s28] =	ssyncset.done $0x0  }
0x8b: {  	[sflag:s28] =	ssyncadd.s32 $0xFFFFCF00  }
0x8c: {  	[bflag:$0x0] =	sbarrier.arrive $0xFFFF  }
0x8d: {  	[spmem:s10] =	stream.linear.scatter [tilespmem:s26], [sflag:$0x2], $0x1C00, $0x38;
	[tilespmem:$0x1EC00] =	vst v63  }
0x8e: {  	_ =	swait.ge [sflag:s28], $0x1C00  }
0x8f: {  	[sflag:s28] =	ssyncset.done $0x0  }
0x90: {  	[sflag:s28] =	ssyncadd.s32 $0xFFFFE400  }
0x91: {  	[spmem:s11] =	stream.linear.scatter [tilespmem:s26], [sflag:$0x2], $0x1C00, $0x38;
	[tilespmem:$0x1EC00] =	vst v63  }
0x92: {  	_ =	swait.ge [sflag:s28], $0x1C00  }
0x93: {  	[sflag:s28] =	ssyncset.done $0x0  }
0x94: {  	[sflag:s28] =	ssyncadd.s32 $0xFFFFE400  }
0x95: {  	[spmem:s12] =	stream.linear.scatter [tilespmem:s26], [sflag:$0x2], $0x1C00, $0x38;
	[tilespmem:$0x1EC00] =	vst v63  }
0x96: {  	_ =	swait.ge [sflag:s28], $0x1C00  }
0x97: {  	[sflag:s28] =	ssyncset.done $0x0  }
0x98: {  	s8 =	rddreg [dreg:$0x7];
	[sflag:s28] =	ssyncadd.s32 $0xFFFFE400  }
0x99: {  	[spmem:s8] =	stream.linear.scatter [tilespmem:s26], [sflag:$0x2], $0x1C00, $0x38;
	[tilespmem:$0x1EC00] =	vst v63  }
0x9a: {  	_ =	swait.ge [sflag:s28], $0x1C00  }
0x9b: {  	[sflag:s28] =	ssyncset.done $0x0  }
0x9c: {  	s9 =	rddreg [dreg:$0x8];
	[sflag:s28] =	ssyncadd.s32 $0xFFFFE400  }
0x9d: {  	[spmem:s9] =	stream.linear.scatter [tilespmem:s26], [sflag:$0x2], $0x1C00, $0x38;
	[tilespmem:$0x1EC00] =	vst v63  }
0x9e: {  	_ =	swait.ge [sflag:s28], $0x1C00  }
0x9f: {  	[sflag:s28] =	ssyncset.done $0x0  }
0xa0: {  	[sflag:s28] =	ssyncadd.s32 $0xFFFFE400  }
0xa1: {  	[spmem:s15] =	stream.linear.scatter [tilespmem:s26], [sflag:$0x2], $0x1C00, $0x38;
	[tilespmem:$0x1EC00] =	vst v63  }
0xa2: {  	_ =	swait.ge [sflag:s28], $0x1C00  }
0xa3: {  	[sflag:s28] =	ssyncset.done $0x0  }
0xa4: {  	[sflag:s28] =	ssyncadd.s32 $0xFFFFE400  }
0xa5: {  	[spmem:s16] =	stream.linear.scatter [tilespmem:s26], [sflag:$0x2], $0x1C00, $0x38;
	[tilespmem:$0x1EC00] =	vst v63  }
0xa6: {  	_ =	swait.ge [sflag:s28], $0x1C00  }
0xa7: {  	[sflag:s28] =	ssyncset.done $0x0  }
0xa8: {  	[sflag:s28] =	ssyncadd.s32 $0xFFFFE400  }
0xa9: {  	[spmem:s17] =	stream.linear.scatter [tilespmem:s26], [sflag:$0x2], $0x1C00, $0x38;
	[tilespmem:$0x1EC00] =	vst v63  }
0xaa: {  	_ =	swait.ge [sflag:s28], $0x1C00  }
0xab: {  	[sflag:s28] =	ssyncset.done $0x0  }
0xac: {  	[sflag:s28] =	ssyncadd.s32 $0xFFFFE400  }
0xad: {  	[spmem:s18] =	stream.linear.scatter [tilespmem:s26], [sflag:$0x2], $0x1C00, $0x38;
	[tilespmem:$0x1EC00] =	vst v63  }
0xae: {  	_ =	swait.ge [sflag:s28], $0x1C00  }
0xaf: {  	[sflag:s28] =	ssyncset.done $0x0  }
0xb0: {  	[sflag:s28] =	ssyncadd.s32 $0xFFFFE400  }
0xb1: {  	[spmem:s19] =	stream.linear.scatter [tilespmem:s26], [sflag:$0x2], $0x1C00, $0x38;
	[tilespmem:$0x1EC00] =	vst v63  }
0xb2: {  	_ =	swait.ge [sflag:s28], $0x1C00  }
0xb3: {  	[sflag:s28] =	ssyncset.done $0x0  }
0xb4: {  	[sflag:s28] =	ssyncadd.s32 $0xFFFFE400  }
0xb5: {  	[spmem:s20] =	stream.linear.scatter [tilespmem:s26], [sflag:$0x2], $0x1C00, $0x38;
	[tilespmem:$0x1EC00] =	vst v63  }
0xb6: {  	_ =	swait.ge [sflag:s28], $0x1C00  }
0xb7: {  	[sflag:s28] =	ssyncset.done $0x0  }
0xb8: {  	[sflag:s28] =	ssyncadd.s32 $0xFFFFE400  }
0xb9: {  	[spmem:s21] =	stream.linear.scatter [tilespmem:s26], [sflag:$0x2], $0x1C00, $0x38;
	[tilespmem:$0x1EC00] =	vst v63  }
0xba: {  	_ =	swait.ge [sflag:s28], $0x1C00  }
0xbb: {  	[sflag:s28] =	ssyncset.done $0x0  }
0xbc: {  	[sflag:s28] =	ssyncadd.s32 $0xFFFFE400  }
0xbd: {  	[spmem:s22] =	stream.linear.scatter [tilespmem:s26], [sflag:$0x2], $0x1C00, $0x38;
	[tilespmem:$0x1EC00] =	vst v63  }
0xbe: {  	_ =	swait.ge [sflag:s28], $0x1C00  }
0xbf: {  	[sflag:s28] =	ssyncset.done $0x0  }
0xc0: {  	[sflag:s28] =	ssyncadd.s32 $0xFFFFE400  }
0xc1: {  	[spmem:s23] =	stream.linear.scatter [tilespmem:s26], [sflag:$0x2], $0x1C00, $0x38;
	[tilespmem:$0x1EC00] =	vst v63  }
0xc2: {  	_ =	swait.ge [sflag:s28], $0x1C00  }
0xc3: {  	[sflag:s28] =	ssyncset.done $0x0  }
0xc4: {  	[sflag:s28] =	ssyncadd.s32 $0xFFFFE400  }
0xc5: {  	s13 =	smov.u32 s11;
	s11 =	sadd.s32 $0x0, s25;
	[bflag:$0x0] =	sbarrier.arrive $0xFFFF  }
0xc6: {  	[tilespmem:s3], [sflag:$0x2] =	stream.linear.gather [hbm4b:s11+s3], $0x400, $0x38;
	[tilespmem:$0x1EC00] =	vst v63  }
0xc7: {  	_ =	swait.ge [sflag:s28], $0x400  }
0xc8: {  	[sflag:s28] =	ssyncset.done $0x0  }
0xc9: {  	[sflag:s28] =	ssyncadd.s32 $0xFFFFFC00  }
0xca: {  	[tilespmem:s30], [sflag:$0x1] =	stream.indirect.gather [hbm4b:s5+s29], $0x10, s3, s29, $0xb8;
	[tilespmem:$0x1EC00] =	vst v63  }
0xcb: {  	_ =	swait.ge [sflag:s31], $0x4000  }
0xcc: {  	[sflag:s31] =	ssyncset.done $0x0  }
0xcd: {  	s14 =	smov.u32 s12;
	s12 =	sadd.s32 $0x0, s24;
	[sflag:s31] =	ssyncadd.s32 $0xFFFFC000  }
0xce: {  	[tilespmem:s29], [sflag:$0x2] =	stream.linear.gather [hbm4b:s12+s3], $0x400, $0x38;
	[tilespmem:$0x1EC00] =	vst v63  }
0xcf: {  	_ =	swait.ge [sflag:s28], $0x400  }
0xd0: {  	[sflag:s28] =	ssyncset.done $0x0  }
0xd1: {  	[sflag:s28] =	ssyncadd.s32 $0xFFFFFC00  }
0xd2: {  	[spmem:s2] =	stream.indirect.scatter.add.f32 [tilespmem:s30], [sflag:$0x2], $0x10, s29, s29, $0xb8;
	[tilespmem:$0x1EC00] =	vst v63  }
0xd3: {  	_ =	swait.ge [sflag:s28], $0x4000  }
0xd4: {  	s7 =	simm.s32 $0x80;
	s8 =	simm.s32 $0x100;
	[sflag:s28] =	ssyncset.done $0x0  }
.LBB2_6:
0xd5: {  	s9 =	sadd.s32 s7, s25  }
0xd6: {  	[sflag:s28] =	ssyncadd.s32 $0xFFFFC000;
	s11 =	smov.u32 s8;
	s12 =	sadd.s32 $0x80, s8  }
0xd7: {  	[tilespmem:s3], [sflag:$0x2] =	stream.linear.gather [hbm4b:s9+s3], $0x400, $0x38;
	[tilespmem:$0x1EC00] =	vst v63  }
0xd8: {  	p0 =	sne.s32 s8, $0x1800;
	_ =	swait.ge [sflag:s28], $0x400  }
0xd9: {  	[sflag:s28] =	ssyncset.done $0x0  }
0xda: {  	[sflag:s28] =	ssyncadd.s32 $0xFFFFFC00  }
0xdb: {  	[tilespmem:s30], [sflag:$0x1] =	stream.indirect.gather [hbm4b:s5+s29], $0x10, s3, s29, $0xb8;
	[tilespmem:$0x1EC00] =	vst v63  }
0xdc: {  	_ =	swait.ge [sflag:s31], $0x4000  }
0xdd: {  	[sflag:s31] =	ssyncset.done $0x0  }
0xde: {  	s8 =	sadd.s32 s7, s24;
	s7 =	smov.u32 s11;
	[sflag:s31] =	ssyncadd.s32 $0xFFFFC000  }
0xdf: {  	[tilespmem:s29], [sflag:$0x2] =	stream.linear.gather [hbm4b:s8+s3], $0x400, $0x38;
	[tilespmem:$0x1EC00] =	vst v63  }
0xe0: {  	_ =	swait.ge [sflag:s28], $0x400  }
.Ltmp2:
0xe1: {  	[sflag:s28] =	ssyncset.done $0x0;
	(pc) =	sbr.rel @p0 .LBB2_6-.Ltmp2, $4  }
0xe2: {  	[sflag:s28] =	ssyncadd.s32 $0xFFFFFC00  }
0xe3: {  	[spmem:s2] =	stream.indirect.scatter.add.f32 [tilespmem:s30], [sflag:$0x2], $0x10, s29, s29, $0xb8;
	[tilespmem:$0x1EC00] =	vst v63  }
0xe4: {  	_ =	swait.ge [sflag:s28], $0x4000  }
0xe5: {  	s8 =	smov.u32 s12;
	[sflag:s28] =	ssyncset.done $0x0  }
0xe6: {  	s8 =	sadd.s32 s7, s25;
	[sflag:s28] =	ssyncadd.s32 $0xFFFFC000  }
0xe7: {  	[tilespmem:s3], [sflag:$0x2] =	stream.linear.gather [hbm4b:s8+s3], $0x400, $0x38;
	[tilespmem:$0x1EC00] =	vst v63  }
0xe8: {  	_ =	swait.ge [sflag:s28], $0x400  }
0xe9: {  	[sflag:s28] =	ssyncset.done $0x0  }
0xea: {  	[sflag:s28] =	ssyncadd.s32 $0xFFFFFC00  }
0xeb: {  	[tilespmem:s30], [sflag:$0x1] =	stream.indirect.gather [hbm4b:s5+s29], $0x10, s3, s29, $0xb8;
	[tilespmem:$0x1EC00] =	vst v63  }
0xec: {  	_ =	swait.ge [sflag:s31], $0x4000  }
0xed: {  	[sflag:s31] =	ssyncset.done $0x0  }
0xee: {  	s9 =	sadd.s32 s7, s24;
	[sflag:s31] =	ssyncadd.s32 $0xFFFFC000  }
0xef: {  	[tilespmem:s29], [sflag:$0x2] =	stream.linear.gather [hbm4b:s9+s3], $0x400, $0x38;
	[tilespmem:$0x1EC00] =	vst v63  }
0xf0: {  	_ =	swait.ge [sflag:s28], $0x400  }
0xf1: {  	[sflag:s28] =	ssyncset.done $0x0  }
0xf2: {  	[sflag:s28] =	ssyncadd.s32 $0xFFFFFC00  }
0xf3: {  	[spmem:s2] =	stream.indirect.scatter.add.f32 [tilespmem:s30], [sflag:$0x2], $0x10, s29, s29, $0xb8;
	[tilespmem:$0x1EC00] =	vst v63  }
0xf4: {  	_ =	swait.ge [sflag:s28], $0x4000  }
0xf5: {  	[sflag:s28] =	ssyncset.done $0x0  }
0xf6: {  	[sflag:s28] =	ssyncadd.s32 $0xFFFFC000  }
0xf7: {  	[bflag:$0x0] =	sbarrier.arrive $0xFFFF  }
0xf8: {  	s11 =	rddreg [dreg:$0x5]  }
0xf9: {  	[hbm:s11], [sflag:s1] =	dma.local [spmem:s6], $0x3100  }
0xfa: {  	_ =	swait.ge [sflag:s28], $0x3100  }
0xfb: {  	s0 =	sadd.s32 $0x1, s0;
	s12 =	rddreg [dreg:$0x6]  }
0xfc: {  	p0 =	sne.s32 s0, s12  }
.Ltmp3:
0xfd: {  	_ = 	snop;
	(pc) =	sbr.rel @p0 .LBB2_1-.Ltmp3, $4  }
0xfe: {  	[sflag:s28] =	ssyncset.done $0x0  }
0xff: {  	[sflag:s28] =	ssyncadd.s32 $0xFFFFCF00  }
0x100: {  	[bflag:$0x0] =	sbarrier.arrive $0xFFFF  }
0x101: {  	s11 =	smov.u32 s13;
	s12 =	smov.u32 s14  }
0x102: {  	_ =	sfence.sel $0x180000  }
0x103: {  	[bflag:$0x0] =	sbarrier.arrive $0xFFFF  }
0x104: {  	_ =	strace $0x9000004D  }
0x105: {  	s0 =	stileid.u32;
	[bflag:$0x2] =	sbarrier.arrive $0xFFFF  }
0x106: {  	p0 =	sne.s32 s0, $0x0;
	s0 =	rddreg [dreg:$0x2]  }
0x107: {  	s0 =	sadd.s32 @!p0 $0x100000, s0  }
0x108: {  	[sflag:s0] =	ssyncadd.tile.s32 @!p0 $0x1;
	_ =	shalt  }
.Lfunc_end2:
_tile_overlayer_lowered:
.L_overlay_start_2:
0x109: {  	(tag) =	ssettag $0x2  }
0x10a: {  	s0 =	rddreg [dreg:$0x0];
	s2 =	stileid.u32  }
0x10b: {  	s1 =	rddreg [dreg:$0x1];
	p0 =	sne.s32 s2, $0x0  }
0x10c: {  	s3 =	rddreg [dreg:$0x2];
	[bflag:$0x3] =	sbarrier.arrive $0xFFFF;
	s2 =	simm.s32 @!p0 $0x1C02  }
0x10d: {  	[timem:s3], [sflag:s2] =	dma.local @!p0 [hbm:s0], s1  }
0x10e: {  	s0 =	simm.s32 @!p0 $0x2  }
0x10f: {  	_ =	swait.ge @!p0 [sflag:s0], s1  }
0x110: {  	s1 =	ssub.s32 @!p0 $0x0, s1;
	[sflag:s0] =	ssyncset.done @!p0 $0x0  }
0x111: {  	[sflag:s0] =	ssyncadd.s32 @!p0 s1  }
0x112: {  	[bflag:$0x3] =	sbarrier.arrive $0xFFFF  }
0x113: {  	_ =	shalt  }

// kernel: kernel.8.cloned.1.call-start
scs
__scs_entry_jumppad:
0x0: {  	(pc) =	sbr.rel $0x88, $3  }
0x1: {  	(tag) =	ssettag $0x0;
	lr =	simm.s32 $0x1  }
0x2: {  	[smem:$0x3F90] =	sst lr;
	_ =	strace $0xD0000000  }
0x3: {  	_ = 	snop  }
0x4: {  	_ = 	snop  }
0x5: {  	_ = 	snop  }
0x6: {  	_ = 	snop  }
0x7: {  	_ = 	snop  }
__scs_overlays_trampoline_lowered:
0x8: {  	[smem:$0x3F9F] =	sst s0  }
0x9: {  	[smem:$0x3FA0] =	sst s1  }
0xa: {  	[smem:$0x3FA1] =	sst s2  }
0xb: {  	[smem:$0x3FA2] =	sst s3  }
0xc: {  	[smem:$0x3FA3] =	sst s4  }
0xd: {  	[smem:$0x3FA4] =	sst s5  }
0xe: {  	[smem:$0x3FA5] =	sst s6  }
0xf: {  	[smem:$0x3FA6] =	sst s7  }
0x10: {  	[smem:$0x3FA7] =	sst s8  }
0x11: {  	[smem:$0x3FA8] =	sst s9;
	s0 =	simm.s32 @!p0 $0x0  }
0x12: {  	s1 =	sld [smem:$0x3F8E];
	s0 =	simm.s32 @p0 $0x1  }
0x13: {  	[smem:$0x3FA9] =	sst s0;
	s0 =	simm.s32 @!p1 $0x0  }
0x14: {  	s2 =	sld [smem:$0x3F8D];
	s0 =	simm.s32 @p1 $0x1  }
0x15: {  	[smem:$0x3FAA] =	sst s0;
	s0 =	simm.s32 @!p2 $0x0  }
0x16: {  	s3 =	sld [smem:$0x3FDB];
	s0 =	simm.s32 @p2 $0x1  }
0x17: {  	s4 =	simm.s32 $0x1BF5;
	[smem:$0x3FAC] =	sst s0  }
0x18: {  	s0 =	sld [smem:$0x3F8F];
	_ =	swait.ge [sflag:s4], $0x0  }
0x19: {  	s7 =	sld [smem:$0x3F90]  }
0x1a: {  	s8 =	sadd.s32 $0xFFFFE003, lr  }
0x1b: {  	s9 =	sadd.s32 $0xFFFFFEF7, lr;
	s5 =	simm.s32 $0xFFFFFFFF;
	p2 =	slt.u32 s8, $0xFFFFF086  }
0x1c: {  	p1 =	slt.u32 s9, $0xF7A;
	s5 =	simm.s32 @!p2 $0x0  }
0x1d: {  	s5 =	simm.s32 @p1 $0x1;
	p0 =	seq.s32 s7, s2  }
0x1e: {  	s7 =	smul.u32 @!p0 $0xF7A, s2;
	p2 =	seq.s32 @!p0 s5, $0x0  }
0x1f: {  	s9 =	smul.u32 $0xF7A, s1;
	s8 =	simm.s32 @!p0 $0x1BF5;
	p2 =	por !p2, p0  }
0x20: {  	[sflag:s8] =	ssyncset.s32 @!p0 $0xFFFFF086;
	s6 =	sadd.s32 @!p0 s3, s7;
	s7 =	simm.s32 @!p0 $0x108  }
0x21: {  	s3 =	sadd.s32 s3, s9;
	s6 =	sadd.s32 @!p0 $0x88, s6;
	s7 =	simm.s32 @p2 $0x1082  }
0x22: {  	[simem:s7], [sflag:s8] =	dma.local @!p0 [hbm:s6], $0xF7A  }
0x23: {  	s9 =	sor.u32 $0xD0000000, s2;
	s6 =	simm.s32 $0x108;
	_ =	swait.ge @!p0 [sflag:s8], $0x0  }
0x24: {  	s3 =	sadd.s32 $0x88, s3;
	s6 =	simm.s32 @!p1 $0x1082;
	[sflag:s4] =	ssyncset.s32 $0xFFFFF086  }
0x25: {  	[simem:s6], [sflag:s4] =	dma.local [hbm:s3], $0xF7A  }
0x26: {  	[smem:$0x3F90] =	sst s1;
	(tag) =	ssettag s2;
	_ =	strace s9  }
0x27: {  	s1 =	sld [smem:$0x3FA0]  }
0x28: {  	s2 =	sld [smem:$0x3FA1]  }
0x29: {  	s4 =	sld [smem:$0x3FA3]  }
0x2a: {  	p0 =	seq.s32 s5, $0x0;
	s5 =	sld [smem:$0x3FA4]  }
0x2b: {  	s6 =	sld [smem:$0x3FA5]  }
0x2c: {  	s7 =	sld [smem:$0x3FA6]  }
0x2d: {  	s3 =	simm.s32 $0x108;
	s8 =	sld [smem:$0x3FA7]  }
0x2e: {  	s3 =	simm.s32 @!p0 $0x1082;
	s9 =	sld [smem:$0x3FA8]  }
0x2f: {  	lr =	sadd.s32 s0, s3;
	s0 =	sld [smem:$0x3F9F]  }
0x30: {  	s3 =	sld [smem:$0x3FA2]  }
0x31: {  	[smem:$0x3FAB] =	sst s10  }
0x32: {  	s10 =	sld [smem:$0x3FA9];
	_ =	sdelay $0x3  }
0x33: {  	p0 =	seq.s32 s10, $0x1;
	s10 =	sld [smem:$0x3FAB];
	_ =	sdelay $0x3  }
0x34: {  	[smem:$0x3FAB] =	sst s10  }
0x35: {  	s10 =	sld [smem:$0x3FAA];
	_ =	sdelay $0x3  }
0x36: {  	p1 =	seq.s32 s10, $0x1;
	s10 =	sld [smem:$0x3FAB];
	_ =	sdelay $0x3  }
0x37: {  	[smem:$0x3FAB] =	sst s10  }
0x38: {  	s10 =	sld [smem:$0x3FAC]  }
0x39: {  	_ = 	snop;
	(pc) =	sbr.ind lr, $3  }
0x3a: {  	_ = 	snop  }
0x3b: {  	_ = 	snop  }
0x3c: {  	p2 =	seq.s32 s10, $0x1;
	s10 =	sld [smem:$0x3FAB]  }
0x3d: {  	_ =	shalt  }
0x3e: {  	_ =	shalt  }
0x3f: {  	_ =	shalt  }
0x40: {  	_ =	shalt  }
0x41: {  	_ =	shalt  }
0x42: {  	_ =	shalt  }
0x43: {  	_ =	shalt  }
0x44: {  	_ =	shalt  }
0x45: {  	_ =	shalt  }
0x46: {  	_ =	shalt  }
0x47: {  	_ =	shalt  }
0x48: {  	_ =	shalt  }
0x49: {  	_ =	shalt  }
0x4a: {  	_ =	shalt  }
0x4b: {  	_ =	shalt  }
0x4c: {  	_ =	shalt  }
0x4d: {  	_ =	shalt  }
0x4e: {  	_ =	shalt  }
0x4f: {  	_ =	shalt  }
0x50: {  	_ =	shalt  }
0x51: {  	_ =	shalt  }
0x52: {  	_ =	shalt  }
0x53: {  	_ =	shalt  }
0x54: {  	_ =	shalt  }
0x55: {  	_ =	shalt  }
0x56: {  	_ =	shalt  }
0x57: {  	_ =	shalt  }
0x58: {  	_ =	shalt  }
0x59: {  	_ =	shalt  }
0x5a: {  	_ =	shalt  }
0x5b: {  	_ =	shalt  }
0x5c: {  	_ =	shalt  }
0x5d: {  	_ =	shalt  }
0x5e: {  	_ =	shalt  }
0x5f: {  	_ =	shalt  }
0x60: {  	_ =	shalt  }
0x61: {  	_ =	shalt  }
0x62: {  	_ =	shalt  }
0x63: {  	_ =	shalt  }
0x64: {  	_ =	shalt  }
0x65: {  	_ =	shalt  }
0x66: {  	_ =	shalt  }
0x67: {  	_ =	shalt  }
0x68: {  	_ =	shalt  }
0x69: {  	_ =	shalt  }
0x6a: {  	_ =	shalt  }
0x6b: {  	_ =	shalt  }
0x6c: {  	_ =	shalt  }
0x6d: {  	_ =	shalt  }
0x6e: {  	_ =	shalt  }
0x6f: {  	_ =	shalt  }
0x70: {  	_ =	shalt  }
0x71: {  	_ =	shalt  }
0x72: {  	_ =	shalt  }
0x73: {  	_ =	shalt  }
0x74: {  	_ =	shalt  }
0x75: {  	_ =	shalt  }
0x76: {  	_ =	shalt  }
0x77: {  	_ =	shalt  }
0x78: {  	_ =	shalt  }
0x79: {  	_ =	shalt  }
0x7a: {  	_ =	shalt  }
0x7b: {  	_ =	shalt  }
0x7c: {  	_ =	shalt  }
0x7d: {  	_ =	shalt  }
0x7e: {  	_ =	shalt  }
0x7f: {  	_ =	shalt  }
0x80: {  	_ =	shalt  }
0x81: {  	_ =	shalt  }
0x82: {  	_ =	shalt  }
0x83: {  	_ =	shalt  }
0x84: {  	_ =	shalt  }
0x85: {  	_ =	shalt  }
0x86: {  	_ =	shalt  }
0x87: {  	_ =	shalt  }
.Lfunc_end0:
.L_simem_size_0:
called_computation_lowered:
.L_overlay_start_0:
0x88: {  	s2 =	sld [smem:$0x3FD9]  }
0x89: {  	s3 =	sld [smem:$0x3FFE];
	_ =	sdelay $0x1  }
0x8a: {  	s1 =	srdreg.scid  }
0x8b: {  	s0 =	sand.u32 $0x1, s1  }
0x8c: {  	s14 =	sshll.u32 s0, $0xA;
	s2 =	sadd.s32 s3, s2  }
0x8d: {  	s2 =	sadd.s32 s2, s14  }
0x8e: {  	[smem:$0x3FB7] =	sst s2  }
0x8f: {  	_ = 	snop  }
0x90: {  	s2 =	sld [smem:$0x3FD0];
	_ =	sdelay $0x2  }
0x91: {  	s15 =	simm.s32 $0xA;
	s4 =	simm.s32 $0x10  }
0x92: {  	[smem:s4], [sflag:s15] =	dma.local [hbm:s2], $0x1  }
0x93: {  	_ =	swait.eq [sflag:s15], $0x1  }
0x94: {  	[sflag:s15] =	ssyncset.done $0x0  }
0x95: {  	[sflag:s15] =	ssyncadd.s32 $0xFFFFFFFF  }
0x96: {  	s16 =	sld [smem:$0x10];
	(tm) =	ssettm $0x1  }
0x97: {  	s17 =	sld [smem:$0x3FFB];
	_ =	sdelay $0x3  }
0x98: {  	_ =	strace s17  }
0x99: {  	s3 =	sld [smem:$0x3FFC];
	_ =	sdelay $0x3  }
0x9a: {  	_ =	strace s3  }
0x9b: {  	s3 =	sld [smem:$0x3FFD];
	_ =	sdelay $0x3  }
0x9c: {  	_ =	strace s3  }
0x9d: {  	_ =	strace $0x8FFFFFFF  }
0x9e: {  	s18 =	sld [smem:$0x3FDB];
	_ =	sdelay $0x1  }
0x9f: {  	s19 =	simm.s32 $_scs_section_size  }
0xa0: {  	s5 =	simm.s32 $_size__tile_overlayer_lowered;
	s6 =	simm.s32 $_tile_overlayer_lowered  }
0xa1: {  	s22 =	simm.s32 $0x1BFF;
	s21 =	sshll.u32 s6, $0x1;
	s3 =	sadd.s32 s19, s18  }
0xa2: {  	s7 =	simm.s32 $0x0;
	s20 =	sshll.u32 s5, $0x1;
	s5 =	sadd.s32 s21, s3  }
0xa3: {  	[timem:s7], [sflag:s22] =	dma.local [hbm:s5], s20  }
0xa4: {  	_ =	swait.ge [sflag:s22], s20  }
0xa5: {  	s4 =	ssub.s32 $0x0, s20;
	[sflag:s22] =	ssyncset.done $0x0  }
0xa6: {  	[sflag:s22] =	ssyncadd.s32 s4;
	_ =	sdelay $0x1  }
0xa7: {  	s23 =	simm.s32 $0x1B8B  }
0xa8: {  	_ =	swait.ge [sflag:s23], $0x1  }
0xa9: {  	[sflag:s23] =	ssyncset.done $0x0  }
0xaa: {  	s25 =	simm.s32 $0x1B8E;
	s24 =	sld [smem:$0x3FFE];
	[sflag:s23] =	ssyncadd.s32 $0xFFFFFFFF  }
0xab: {  	s26 =	simm.s32 $execute0_lowered;
	[smem:$0x3FD2] =	sst s25  }
0xac: {  	s5 =	sshll.u32 s26, $0x1;
	_ =	strace $0x80000046;
	[dreg:$0x1] =	wrdreg $0xFFFFFFFF  }
0xad: {  	s28 =	simm.s32 $_size_execute0_lowered;
	s3 =	sadd.s32 s3, s5;
	[dreg:$0x0] =	wrdreg $0x0  }
0xae: {  	s5 =	sshll.u32 s28, $0x1;
	[dreg:$0x2] =	wrdreg s3  }
0xaf: {  	[dreg:$0x3] =	wrdreg s5  }
0xb0: {  	[dreg:$0x4] =	wrdreg $0xC0  }
0xb1: {  	_ =	task [dreg:s7], $0x5FFFF  }
0xb2: {  	[dreg:$0x1] =	wrdreg $0xFFFFFFFF  }
0xb3: {  	[dreg:$0x0] =	wrdreg $0x60  }
0xb4: {  	[dreg:$0x2] =	wrdreg s16  }
0xb5: {  	[dreg:$0x3] =	wrdreg s24  }
0xb6: {  	[dreg:$0x4] =	wrdreg $0x3EC00  }
0xb7: {  	[dreg:$0x5] =	wrdreg $0x6FC00  }
0xb8: {  	[dreg:$0x6] =	wrdreg $0x57400  }
0xb9: {  	[dreg:$0x7] =	wrdreg $0x9  }
0xba: {  	_ =	task.clear_ibuf [dreg:s7], $0x8FFFF;
	_ =	strace $0x90000046  }
0xbb: {  	s29 =	simm.s32 $0x9;
	_ =	strace $0x80000048  }
0xbc: {  	_ =	swait.ge [sflag:s29], $0x1  }
0xbd: {  	[sflag:s29] =	ssyncadd.s32 $0xFFFFFFFF  }
0xbe: {  	_ =	strace $0x90000048  }
0xbf: {  	_ =	sfence  }
0xc0: {  	s30 =	sld [smem:$0x0];
	_ =	sdelay $0x2  }
0xc1: {  	s31 =	sshll.u32 s1, $0xD;
	s1 =	sshrl.u32 s1, $0x2  }
0xc2: {  	s3 =	sand.u32 $0x4000, s31;
	s1 =	sadd.s32 s1, s30  }
0xc3: {  	s0 =	sor.u32 s3, s0;
	s1 =	sshll.u32 s1, $0x11  }
0xc4: {  	s0 =	sor.u32 s1, s0  }
0xc5: {  	s0 =	sadd.s32 $0x8F2B, s0  }
0xc6: {  	[sflag:s0] =	ssyncadd.remote.s32 $0x1  }
0xc7: {  	_ =	sfence.sel $0xFFFF  }
0xc8: {  	[dreg:$0x0] =	wrdreg $0xFFFFFFFF;
	(pc) =	sbr.abs _section_cstart, $3  }
0xc9: {  	[dreg:$0x1] =	wrdreg $0xFFFFFFFF  }
0xca: {  	_ =	task.clear_ibuf [dreg:s7], $0x2FFFF;
	_ =	strace $0x9FFFFFFF  }
0xcb: {  	(tm) =	ssettm $0x7FFFFFFF  }
tec
execute0_lowered:
.L_overlay_start_1:
0x0: {  	(tag) =	ssettag $0x1  }
0x1: {  	s7 =	rddreg [dreg:$0x0]  }
0x2: {  	s6 =	rddreg [dreg:$0x1]  }
0x3: {  	s1 =	rddreg [dreg:$0x2]  }
0x4: {  	s3 =	rddreg [dreg:$0x3]  }
0x5: {  	s0 =	srdreg.scid;
	s4 =	rddreg [dreg:$0x4]  }
0x6: {  	s2 =	rddreg [dreg:$0x5];
	s24 =	sand.u32 $0x1, s0  }
0x7: {  	s5 =	simm.s32 $0x0;
	s0 =	stileid.u32;
	s8 =	smul.u32 $0xC4000, s24  }
0x8: {  	s19 =	simm.s32 $0x1;
	s20 =	simm.s32 $0x400;
	s9 =	smul.u32 $0xC400, s0  }
0x9: {  	s21 =	simm.s32 $0x800;
	s22 =	simm.s32 $0xDC0;
	s12 =	smul.u32 $0x1880, s0  }
0xa: {  	s23 =	simm.s32 $0x2640;
	[smem:$0x7FF] =	sst s5;
	s28 =	smul.u32 $0x18800, s24  }
0xb: {  	s18 =	sadd.s32 $0x2A00, s6;
	_ =	strace $0x80000047;
	s15 =	smul.u32 $0x6200, s0  }
0xc: {  	s10 =	ssub.s32 $0x2, s24;
	s31 =	smul.u32 $0x3100, s0;
	p0 =	sne.s32 s24, $0x0  }
0xd: {  	s13 =	sshrl.u32 s10, $0x1;
	s8 =	sadd.s32 s9, s8;
	s29 =	sshrl.u32 s12, $0x3  }
0xe: {  	s13 =	ssub.s32 s10, s13;
	s25 =	sadd.s32 s12, s3;
	s30 =	sshrl.u32 s15, $0x2  }
0xf: {  	s15 =	sadd.s32 s31, s18;
	s16 =	sshrl.u32 s8, $0x3;
	s8 =	sadd.s32 s12, s28  }
0x10: {  	s11 =	sadd.s32 s29, s6;
	s7 =	sadd.s32 s7, s29;
	s24 =	sshrl.u32 s25, $0x3  }
0x11: {  	s25 =	simm.s32 $0x0;
	s17 =	sadd.s32 s16, s6;
	s8 =	sshrl.u32 s8, $0x3  }
0x12: {  	s9 =	sadd.s32 $0x64A00, s11;
	s10 =	sadd.s32 $0x6DE00, s11;
	s16 =	sadd.s32 s16, s18  }
0x13: {  	s18 =	simm.s32 $0xC00;
	s14 =	sadd.s32 s8, s6;
	s6 =	sadd.s32 s12, s1  }
0x14: {  	s8 =	sadd.s32 s12, s4;
	s12 =	smax.u32 s13, $0x1;
	s13 =	sadd.s32 s30, s1  }
0x15: {  	v0 =	vimm.f32 $0.0e+00;
	v1 =	vimm.f32 $1.000000000e+00;
	s17 =	sadd.s32 $0x33A00, s17;
	s11 =	sadd.s32 $0x67C00, s14;
	s14 =	sadd.s32 s30, s3  }
.LBB2_1:
0x16: {  	[tilespmem:$0xC00] =	vst v0  }
0x17: {  	[tilespmem:$0xC10] =	vst v0  }
0x18: {  	[tilespmem:$0xC20] =	vst v0  }
0x19: {  	[tilespmem:$0xC30] =	vst v0  }
0x1a: {  	[tilespmem:$0xC40] =	vst v0  }
0x1b: {  	[tilespmem:$0xC50] =	vst v0  }
0x1c: {  	[tilespmem:$0xC60] =	vst v0  }
0x1d: {  	[tilespmem:$0xC70] =	vst v0  }
0x1e: {  	[tilespmem:$0xC80] =	vst v0  }
0x1f: {  	[tilespmem:$0xC90] =	vst v0  }
0x20: {  	[tilespmem:$0xCA0] =	vst v0  }
0x21: {  	[tilespmem:$0xCB0] =	vst v0  }
0x22: {  	[tilespmem:$0xCC0] =	vst v0  }
0x23: {  	[tilespmem:$0xCD0] =	vst v0  }
0x24: {  	[tilespmem:$0xCE0] =	vst v0  }
0x25: {  	[tilespmem:$0xCF0] =	vst v0  }
0x26: {  	[tilespmem:$0xD00] =	vst v0  }
0x27: {  	[tilespmem:$0xD10] =	vst v0  }
0x28: {  	[tilespmem:$0xD20] =	vst v0  }
0x29: {  	[tilespmem:$0xD30] =	vst v0  }
0x2a: {  	[tilespmem:$0xD40] =	vst v0  }
0x2b: {  	[tilespmem:$0xD50] =	vst v0  }
0x2c: {  	[tilespmem:$0xD60] =	vst v0  }
0x2d: {  	[tilespmem:$0xD70] =	vst v0  }
0x2e: {  	[tilespmem:$0xD80] =	vst v0  }
0x2f: {  	[tilespmem:$0xD90] =	vst v0  }
0x30: {  	[tilespmem:$0xDA0] =	vst v0  }
0x31: {  	[tilespmem:$0xDB0] =	vst v0;
	s26 =	sadd.s32 $0x0, s13  }
0x32: {  	[spmem:s26] =	stream.linear.scatter [tilespmem:s18], [sflag:$0x1], $0x1C0, $0x38;
	[tilespmem:$0x8840] =	vst v63  }
0x33: {  	_ =	swait.ge [sflag:s19], $0x1C0  }
0x34: {  	[sflag:s19] =	ssyncset.done $0x0  }
0x35: {  	s31 =	sadd.s32 $0x0, s14;
	[sflag:s19] =	ssyncadd.s32 $0xFFFFFE40  }
0x36: {  	[spmem:s31] =	stream.linear.scatter [tilespmem:s18], [sflag:$0x1], $0x1C0, $0x38;
	[tilespmem:$0x8840] =	vst v63  }
0x37: {  	_ =	swait.ge [sflag:s19], $0x1C0  }
0x38: {  	s28 =	simm.s32 $0xE00;
	s26 =	simm.s32 $0x1C0;
	[sflag:s19] =	ssyncset.done $0x0  }
.LBB2_2:
0x39: {  	s29 =	sadd.s32 s26, s13  }
0x3a: {  	[sflag:s19] =	ssyncadd.s32 $0xFFFFFE40;
	s30 =	smov.u32 s28;
	s31 =	sadd.s32 $0x700, s28  }
0x3b: {  	[spmem:s29] =	stream.linear.scatter [tilespmem:s18], [sflag:$0x1], $0x1C0, $0x38;
	[tilespmem:$0x8840] =	vst v63  }
0x3c: {  	p1 =	sne.s32 s28, $0x5B00;
	_ =	swait.ge [sflag:s19], $0x1C0  }
.Ltmp0:
0x3d: {  	[sflag:s19] =	ssyncset.done $0x0;
	(pc) =	sbr.rel @p1 .LBB2_2-.Ltmp0, $4  }
0x3e: {  	s26 =	sadd.s32 s26, s14;
	[sflag:s19] =	ssyncadd.s32 $0xFFFFFE40  }
0x3f: {  	[spmem:s26] =	stream.linear.scatter [tilespmem:s18], [sflag:$0x1], $0x1C0, $0x38;
	[tilespmem:$0x8840] =	vst v63  }
0x40: {  	_ =	swait.ge [sflag:s19], $0x1C0  }
0x41: {  	s28 =	smov.u32 s31;
	s26 =	sshra.s32 s30, $0x2;
	[sflag:s19] =	ssyncset.done $0x0  }
0x42: {  	s28 =	sadd.s32 s26, s13;
	[sflag:s19] =	ssyncadd.s32 $0xFFFFFE40  }
0x43: {  	[spmem:s28] =	stream.linear.scatter [tilespmem:s18], [sflag:$0x1], $0x1C0, $0x38;
	[tilespmem:$0x8840] =	vst v63  }
0x44: {  	_ =	swait.ge [sflag:s19], $0x1C0  }
0x45: {  	[sflag:s19] =	ssyncset.done $0x0  }
0x46: {  	s31 =	sadd.s32 s26, s14;
	[sflag:s19] =	ssyncadd.s32 $0xFFFFFE40  }
0x47: {  	[spmem:s31] =	stream.linear.scatter [tilespmem:s18], [sflag:$0x1], $0x1C0, $0x38;
	[tilespmem:$0x8840] =	vst v63  }
0x48: {  	_ =	swait.ge [sflag:s19], $0x1C0  }
0x49: {  	[sflag:s19] =	ssyncset.done $0x0  }
0x4a: {  	s26 =	simm.s32 $0x40;
	s28 =	simm.s32 $0x0;
	[sflag:s19] =	ssyncadd.s32 $0xFFFFFE40  }
.LBB2_4:
0x4b: {  	p1 =	sne.s32 s26, $0xFC0;
	[tilespmem:s28+$0x800] =	vst v1;
	s28 =	smov.u32 s26;
	s26 =	sadd.s32 $0x40, s26  }
.Ltmp1:
0x4c: {  	(pc) =	sbr.rel @p1 .LBB2_4-.Ltmp1, $2  }
0x4d: {  	_ =	sdelay $0x2  }
0x4e: {  	s28 =	sshra.s32 s28, $0x2  }
0x4f: {  	[tilespmem:s28+$0x800] =	vst v1  }
0x50: {  	s26 =	sadd.s32 $0x0, s15;
	[bflag:$0x0] =	sbarrier.arrive $0xFFFF  }
0x51: {  	[tilespmem:s20], [sflag:$0x1] =	stream.linear.gather [hbm4b:s26+s5], $0x400, $0x38;
	[tilespmem:$0x8840] =	vst v63  }
0x52: {  	_ =	swait.ge [sflag:s19], $0x400  }
0x53: {  	[sflag:s19] =	ssyncset.done $0x0  }
0x54: {  	[sflag:s19] =	ssyncadd.s32 $0xFFFFFC00  }
0x55: {  	[spmem:s1] =	stream.indirect.scatter.add.f32 [tilespmem:s21], [sflag:$0x1], $0x1, s20, s20, $0xb8;
	[tilespmem:$0x8840] =	vst v63  }
0x56: {  	_ =	swait.ge [sflag:s19], $0x400  }
0x57: {  	s28 =	simm.s32 $0x100;
	s26 =	simm.s32 $0x80;
	[sflag:s19] =	ssyncset.done $0x0  }
.LBB2_6:
0x58: {  	s29 =	sadd.s32 s26, s15  }
0x59: {  	[sflag:s19] =	ssyncadd.s32 $0xFFFFFC00;
	s26 =	smov.u32 s28;
	s30 =	sadd.s32 $0x80, s28  }
0x5a: {  	[tilespmem:s20], [sflag:$0x1] =	stream.linear.gather [hbm4b:s29+s5], $0x400, $0x38;
	[tilespmem:$0x8840] =	vst v63  }
0x5b: {  	p1 =	sne.s32 s28, $0x3080;
	_ =	swait.ge [sflag:s19], $0x400  }
.Ltmp2:
0x5c: {  	[sflag:s19] =	ssyncset.done $0x0;
	(pc) =	sbr.rel @p1 .LBB2_6-.Ltmp2, $4  }
0x5d: {  	[sflag:s19] =	ssyncadd.s32 $0xFFFFFC00  }
0x5e: {  	[spmem:s1] =	stream.indirect.scatter.add.f32 [tilespmem:s21], [sflag:$0x1], $0x1, s20, s20, $0xb8;
	[tilespmem:$0x8840] =	vst v63  }
0x5f: {  	_ =	swait.ge [sflag:s19], $0x400  }
0x60: {  	s28 =	smov.u32 s30;
	[sflag:s19] =	ssyncset.done $0x0  }
0x61: {  	s26 =	sadd.s32 s26, s15;
	[sflag:s19] =	ssyncadd.s32 $0xFFFFFC00  }
0x62: {  	[tilespmem:s20], [sflag:$0x1] =	stream.linear.gather [hbm4b:s26+s5], $0x400, $0x38;
	[tilespmem:$0x8840] =	vst v63  }
0x63: {  	_ =	swait.ge [sflag:s19], $0x400  }
0x64: {  	[sflag:s19] =	ssyncset.done $0x0  }
0x65: {  	[sflag:s19] =	ssyncadd.s32 $0xFFFFFC00  }
0x66: {  	[spmem:s1] =	stream.indirect.scatter.add.f32 [tilespmem:s21], [sflag:$0x1], $0x1, s20, s20, $0xb8;
	[tilespmem:$0x8840] =	vst v63  }
0x67: {  	_ =	swait.ge [sflag:s19], $0x400  }
0x68: {  	[sflag:s19] =	ssyncset.done $0x0  }
0x69: {  	[sflag:s19] =	ssyncadd.s32 $0xFFFFFC00  }
0x6a: {  	[bflag:$0x0] =	sbarrier.arrive $0xFFFF  }
0x6b: {  	[tilespmem:s22], [sflag:$0x1] =	stream.linear.gather [spmem:s6], $0x1880, $0x38;
	[tilespmem:$0x8840] =	vst v63  }
0x6c: {  	_ =	swait.ge [sflag:s19], $0x1880  }
0x6d: {  	[sflag:s19] =	ssyncset.done $0x0  }
0x6e: {  	s31 =	simm.s32 $0x0;
	[sflag:s19] =	ssyncadd.s32 $0xFFFFE780  }
0x6f: {  	[tilespmem:s23], [sflag:$0x1] =	stream.linear.gather [hbm4b:s7+s31], $0x1880, $0x38;
	[tilespmem:$0x8840] =	vst v63  }
0x70: {  	_ =	swait.ge [sflag:s19], $0x1880  }
0x71: {  	[sflag:s19] =	ssyncset.done $0x0  }
0x72: {  	s26 =	simm.s32 $0x0;
	[sflag:s19] =	ssyncadd.s32 $0xFFFFE780  }
0x73: {  	v2 =	vld [tilespmem:s26+$0xDC0];
	_ =	sdelay $0x4  }
0x74: {  	v2 =	vadd.f32 $1.000000000e+00, v2;
	_ =	sdelay $0x1  }
0x75: {  	v3 =	vmul.f32 $2.500000000e-01, v2;
	_ =	sdelay $0x1  }
0x76: {  	v3 =	vadd.f32 $1.000000000e+00, v3;
	_ =	sdelay $0x1  }
0x77: {  	(erf) = vrcp.f32 v3;
	_ =	sdelay $0x8  }
0x78: {  	v4 =	vpop (erf)  }
0x79: {  	v4 =	vmul.f32 v4, v2;
	_ =	sdelay $0x1  }
0x7a: {  	v3 =	vadd.f32 v4, v3;
	_ =	sdelay $0x1  }
0x7b: {  	v3 =	vmul.f32 $5.000000000e-01, v3;
	_ =	sdelay $0x1  }
0x7c: {  	(erf) = vrcp.f32 v3;
	_ =	sdelay $0x8  }
0x7d: {  	v53 =	vpop (erf)  }
0x7e: {  	v4 =	vmul.f32 v53, v2;
	_ =	sdelay $0x1  }
0x7f: {  	v3 =	vadd.f32 v4, v3;
	_ =	sdelay $0x1  }
0x80: {  	v3 =	vmul.f32 $5.000000000e-01, v3;
	_ =	sdelay $0x1  }
0x81: {  	(erf) = vrcp.f32 v3;
	_ =	sdelay $0x8  }
0x82: {  	v54 =	vpop (erf)  }
0x83: {  	v4 =	vmul.f32 v54, v2;
	_ =	sdelay $0x1  }
0x84: {  	v3 =	vadd.f32 v4, v3;
	_ =	sdelay $0x1  }
0x85: {  	v3 =	vmul.f32 $5.000000000e-01, v3;
	_ =	sdelay $0x1  }
0x86: {  	(erf) = vrcp.f32 v3;
	_ =	sdelay $0x8  }
0x87: {  	v55 =	vpop (erf)  }
0x88: {  	v4 =	vmul.f32 v55, v2;
	_ =	sdelay $0x1  }
0x89: {  	v3 =	vadd.f32 v4, v3;
	_ =	sdelay $0x1  }
0x8a: {  	v3 =	vmul.f32 $5.000000000e-01, v3;
	_ =	sdelay $0x1  }
0x8b: {  	(erf) = vrcp.f32 v3;
	_ =	sdelay $0x8  }
0x8c: {  	v56 =	vpop (erf)  }
0x8d: {  	v4 =	vmul.f32 v56, v2;
	_ =	sdelay $0x1  }
0x8e: {  	v3 =	vadd.f32 v4, v3;
	_ =	sdelay $0x1  }
0x8f: {  	v3 =	vmul.f32 $5.000000000e-01, v3;
	_ =	sdelay $0x1  }
0x90: {  	(erf) = vrcp.f32 v3;
	_ =	sdelay $0x8  }
0x91: {  	v57 =	vpop (erf)  }
0x92: {  	v4 =	vmul.f32 v57, v2;
	_ =	sdelay $0x1  }
0x93: {  	v3 =	vadd.f32 v4, v3;
	_ =	sdelay $0x1  }
0x94: {  	v3 =	vmul.f32 $5.000000000e-01, v3;
	_ =	sdelay $0x1  }
0x95: {  	(erf) = vrcp.f32 v3;
	_ =	sdelay $0x8  }
0x96: {  	v58 =	vpop (erf)  }
0x97: {  	v4 =	vmul.f32 v58, v2;
	_ =	sdelay $0x1  }
0x98: {  	v3 =	vadd.f32 v4, v3;
	_ =	sdelay $0x1  }
0x99: {  	v3 =	vmul.f32 $5.000000000e-01, v3;
	_ =	sdelay $0x1  }
0x9a: {  	(erf) = vrcp.f32 v3;
	_ =	sdelay $0x8  }
0x9b: {  	v59 =	vpop (erf)  }
0x9c: {  	v4 =	vmul.f32 v59, v2;
	_ =	sdelay $0x1  }
0x9d: {  	v3 =	vadd.f32 v4, v3;
	_ =	sdelay $0x1  }
0x9e: {  	v3 =	vmul.f32 $5.000000000e-01, v3;
	_ =	sdelay $0x1  }
0x9f: {  	(erf) = vrcp.f32 v3;
	_ =	sdelay $0x8  }
0xa0: {  	v60 =	vpop (erf)  }
0xa1: {  	v4 =	vmul.f32 v60, v2;
	_ =	sdelay $0x1  }
0xa2: {  	v3 =	vadd.f32 v4, v3;
	_ =	sdelay $0x1  }
0xa3: {  	v3 =	vmul.f32 $5.000000000e-01, v3;
	_ =	sdelay $0x1  }
0xa4: {  	(erf) = vrcp.f32 v3;
	_ =	sdelay $0x8  }
0xa5: {  	v61 =	vpop (erf)  }
0xa6: {  	v4 =	vmul.f32 v61, v2;
	_ =	sdelay $0x1  }
0xa7: {  	v3 =	vadd.f32 v4, v3;
	_ =	sdelay $0x1  }
0xa8: {  	v3 =	vmul.f32 $5.000000000e-01, v3;
	_ =	sdelay $0x1  }
0xa9: {  	(erf) = vrcp.f32 v3;
	_ =	sdelay $0x8  }
0xaa: {  	v62 =	vpop (erf)  }
0xab: {  	v4 =	vmul.f32 v62, v2;
	_ =	sdelay $0x1  }
0xac: {  	v3 =	vadd.f32 v4, v3;
	_ =	sdelay $0x1  }
0xad: {  	v3 =	vmul.f32 $5.000000000e-01, v3;
	_ =	sdelay $0x1  }
0xae: {  	(erf) = vrcp.f32 v3;
	_ =	sdelay $0x8  }
0xaf: {  	v63 =	vpop (erf)  }
0xb0: {  	v2 =	vmul.f32 v63, v2;
	_ =	sdelay $0x1  }
0xb1: {  	v2 =	vadd.f32 v2, v3;
	_ =	sdelay $0x1  }
0xb2: {  	v2 =	vmul.f32 $5.000000000e-01, v2;
	_ =	sdelay $0x1  }
0xb3: {  	(erf) = vrcp.f32 v2;
	_ =	sdelay $0x4  }
0xb4: {  	v2 =	vld [tilespmem:s26+$0x2640];
	_ =	sdelay $0x2  }
0xb5: {  	s28 =	simm.s32 $0x40;
	s29 =	simm.s32 $0x80  }
.LBB2_8:
0xb6: {  	p1 =	sne.s32 s29, $0x61C0;
	v3 =	vpop (erf)  }
0xb7: {  	s30 =	sshra.s32 s28, $0x2;
	s28 =	smov.u32 s29;
	[tilespmem:s26+$0xDC0] =	vst v3;
	v2 =	vmul.f32 v3, v2  }
0xb8: {  	v3 =	vld [tilespmem:s30+$0xDC0]  }
0xb9: {  	[tilespmem:s26+$0x2640] =	vst v2;
	s26 =	smov.u32 s30;
	_ =	sdelay $0x3  }
0xba: {  	v2 =	vadd.f32 $1.000000000e+00, v3;
	_ =	sdelay $0x1  }
0xbb: {  	v3 =	vmul.f32 $2.500000000e-01, v2;
	_ =	sdelay $0x1  }
0xbc: {  	v3 =	vadd.f32 $1.000000000e+00, v3;
	_ =	sdelay $0x1  }
0xbd: {  	(erf) = vrcp.f32 v3;
	_ =	sdelay $0x8  }
0xbe: {  	v4 =	vpop (erf)  }
0xbf: {  	v4 =	vmul.f32 v4, v2;
	_ =	sdelay $0x1  }
0xc0: {  	v3 =	vadd.f32 v4, v3;
	_ =	sdelay $0x1  }
0xc1: {  	v3 =	vmul.f32 $5.000000000e-01, v3;
	_ =	sdelay $0x1  }
0xc2: {  	(erf) = vrcp.f32 v3;
	_ =	sdelay $0x8  }
0xc3: {  	v4 =	vpop (erf)  }
0xc4: {  	v4 =	vmul.f32 v4, v2;
	_ =	sdelay $0x1  }
0xc5: {  	v3 =	vadd.f32 v4, v3;
	_ =	sdelay $0x1  }
0xc6: {  	v3 =	vmul.f32 $5.000000000e-01, v3;
	_ =	sdelay $0x1  }
0xc7: {  	(erf) = vrcp.f32 v3;
	_ =	sdelay $0x8  }
0xc8: {  	v4 =	vpop (erf)  }
0xc9: {  	v4 =	vmul.f32 v4, v2;
	_ =	sdelay $0x1  }
0xca: {  	v3 =	vadd.f32 v4, v3;
	_ =	sdelay $0x1  }
0xcb: {  	v3 =	vmul.f32 $5.000000000e-01, v3;
	_ =	sdelay $0x1  }
0xcc: {  	(erf) = vrcp.f32 v3;
	_ =	sdelay $0x8  }
0xcd: {  	v4 =	vpop (erf)  }
0xce: {  	v4 =	vmul.f32 v4, v2;
	_ =	sdelay $0x1  }
0xcf: {  	v3 =	vadd.f32 v4, v3;
	_ =	sdelay $0x1  }
0xd0: {  	v3 =	vmul.f32 $5.000000000e-01, v3;
	_ =	sdelay $0x1  }
0xd1: {  	(erf) = vrcp.f32 v3;
	_ =	sdelay $0x8  }
0xd2: {  	v4 =	vpop (erf)  }
0xd3: {  	v4 =	vmul.f32 v4, v2;
	_ =	sdelay $0x1  }
0xd4: {  	v3 =	vadd.f32 v4, v3;
	_ =	sdelay $0x1  }
0xd5: {  	v3 =	vmul.f32 $5.000000000e-01, v3;
	_ =	sdelay $0x1  }
0xd6: {  	(erf) = vrcp.f32 v3;
	_ =	sdelay $0x8  }
0xd7: {  	v4 =	vpop (erf)  }
0xd8: {  	v4 =	vmul.f32 v4, v2;
	_ =	sdelay $0x1  }
0xd9: {  	v3 =	vadd.f32 v4, v3;
	_ =	sdelay $0x1  }
0xda: {  	v3 =	vmul.f32 $5.000000000e-01, v3;
	_ =	sdelay $0x1  }
0xdb: {  	(erf) = vrcp.f32 v3;
	_ =	sdelay $0x8  }
0xdc: {  	v4 =	vpop (erf)  }
0xdd: {  	v4 =	vmul.f32 v4, v2;
	_ =	sdelay $0x1  }
0xde: {  	v3 =	vadd.f32 v4, v3;
	_ =	sdelay $0x1  }
0xdf: {  	v3 =	vmul.f32 $5.000000000e-01, v3;
	_ =	sdelay $0x1  }
0xe0: {  	(erf) = vrcp.f32 v3;
	_ =	sdelay $0x8  }
0xe1: {  	v4 =	vpop (erf)  }
0xe2: {  	v4 =	vmul.f32 v4, v2;
	_ =	sdelay $0x1  }
0xe3: {  	v3 =	vadd.f32 v4, v3;
	_ =	sdelay $0x1  }
0xe4: {  	v3 =	vmul.f32 $5.000000000e-01, v3;
	_ =	sdelay $0x1  }
0xe5: {  	(erf) = vrcp.f32 v3;
	_ =	sdelay $0x8  }
0xe6: {  	v4 =	vpop (erf)  }
0xe7: {  	v4 =	vmul.f32 v4, v2;
	_ =	sdelay $0x1  }
0xe8: {  	v3 =	vadd.f32 v4, v3;
	_ =	sdelay $0x1  }
0xe9: {  	v3 =	vmul.f32 $5.000000000e-01, v3;
	_ =	sdelay $0x1  }
0xea: {  	(erf) = vrcp.f32 v3;
	_ =	sdelay $0x8  }
0xeb: {  	v4 =	vpop (erf)  }
0xec: {  	v4 =	vmul.f32 v4, v2;
	_ =	sdelay $0x1  }
0xed: {  	v3 =	vadd.f32 v4, v3;
	_ =	sdelay $0x1  }
0xee: {  	v3 =	vmul.f32 $5.000000000e-01, v3;
	_ =	sdelay $0x1  }
0xef: {  	(erf) = vrcp.f32 v3;
	_ =	sdelay $0x8  }
0xf0: {  	v4 =	vpop (erf)  }
0xf1: {  	v4 =	vmul.f32 v4, v2;
	_ =	sdelay $0x1  }
0xf2: {  	v3 =	vadd.f32 v4, v3;
	_ =	sdelay $0x1  }
0xf3: {  	v3 =	vmul.f32 $5.000000000e-01, v3;
	_ =	sdelay $0x1  }
0xf4: {  	(erf) = vrcp.f32 v3;
	_ =	sdelay $0x8  }
0xf5: {  	v4 =	vpop (erf)  }
0xf6: {  	v2 =	vmul.f32 v4, v2;
	_ =	sdelay $0x1  }
0xf7: {  	v2 =	vadd.f32 v2, v3;
	_ =	sdelay $0x1  }
0xf8: {  	v2 =	vmul.f32 $5.000000000e-01, v2;
	_ =	sdelay $0x1  }
0xf9: {  	(erf) = vrcp.f32 v2;
	_ =	sdelay $0x3  }
.Ltmp3:
0xfa: {  	(pc) =	sbr.rel @p1 .LBB2_8-.Ltmp3, $2  }
0xfb: {  	v2 =	vld [tilespmem:s26+$0x2640];
	_ =	sdelay $0x2  }
0xfc: {  	s29 =	sadd.s32 $0x40, s29  }
0xfd: {  	v3 =	vpop (erf)  }
0xfe: {  	s28 =	sshra.s32 s28, $0x2;
	[tilespmem:s26+$0xDC0] =	vst v3  }
0xff: {  	v4 =	vld [tilespmem:s28+$0xDC0];
	_ =	sdelay $0x4  }
0x100: {  	v4 =	vadd.f32 $1.000000000e+00, v4;
	_ =	sdelay $0x1  }
0x101: {  	v5 =	vmul.f32 $2.500000000e-01, v4;
	_ =	sdelay $0x1  }
0x102: {  	v5 =	vadd.f32 $1.000000000e+00, v5;
	_ =	sdelay $0x1  }
0x103: {  	(erf) = vrcp.f32 v5;
	_ =	sdelay $0x8  }
0x104: {  	v6 =	vpop (erf)  }
0x105: {  	v6 =	vmul.f32 v6, v4;
	_ =	sdelay $0x1  }
0x106: {  	v5 =	vadd.f32 v6, v5;
	_ =	sdelay $0x1  }
0x107: {  	v5 =	vmul.f32 $5.000000000e-01, v5;
	_ =	sdelay $0x1  }
0x108: {  	(erf) = vrcp.f32 v5;
	_ =	sdelay $0x8  }
0x109: {  	v53 =	vpop (erf)  }
0x10a: {  	v6 =	vmul.f32 v53, v4;
	_ =	sdelay $0x1  }
0x10b: {  	v5 =	vadd.f32 v6, v5;
	_ =	sdelay $0x1  }
0x10c: {  	v5 =	vmul.f32 $5.000000000e-01, v5;
	_ =	sdelay $0x1  }
0x10d: {  	(erf) = vrcp.f32 v5;
	_ =	sdelay $0x8  }
0x10e: {  	v54 =	vpop (erf)  }
0x10f: {  	v6 =	vmul.f32 v54, v4;
	_ =	sdelay $0x1  }
0x110: {  	v5 =	vadd.f32 v6, v5;
	_ =	sdelay $0x1  }
0x111: {  	v5 =	vmul.f32 $5.000000000e-01, v5;
	_ =	sdelay $0x1  }
0x112: {  	(erf) = vrcp.f32 v5;
	_ =	sdelay $0x8  }
0x113: {  	v55 =	vpop (erf)  }
0x114: {  	v6 =	vmul.f32 v55, v4;
	_ =	sdelay $0x1  }
0x115: {  	v5 =	vadd.f32 v6, v5;
	_ =	sdelay $0x1  }
0x116: {  	v5 =	vmul.f32 $5.000000000e-01, v5;
	_ =	sdelay $0x1  }
0x117: {  	(erf) = vrcp.f32 v5;
	_ =	sdelay $0x8  }
0x118: {  	v56 =	vpop (erf)  }
0x119: {  	v6 =	vmul.f32 v56, v4;
	_ =	sdelay $0x1  }
0x11a: {  	v5 =	vadd.f32 v6, v5;
	_ =	sdelay $0x1  }
0x11b: {  	v5 =	vmul.f32 $5.000000000e-01, v5;
	_ =	sdelay $0x1  }
0x11c: {  	(erf) = vrcp.f32 v5;
	_ =	sdelay $0x8  }
0x11d: {  	v57 =	vpop (erf)  }
0x11e: {  	v6 =	vmul.f32 v57, v4;
	_ =	sdelay $0x1  }
0x11f: {  	v5 =	vadd.f32 v6, v5;
	_ =	sdelay $0x1  }
0x120: {  	v5 =	vmul.f32 $5.000000000e-01, v5;
	_ =	sdelay $0x1  }
0x121: {  	(erf) = vrcp.f32 v5;
	_ =	sdelay $0x8  }
0x122: {  	v58 =	vpop (erf)  }
0x123: {  	v6 =	vmul.f32 v58, v4;
	_ =	sdelay $0x1  }
0x124: {  	v5 =	vadd.f32 v6, v5;
	_ =	sdelay $0x1  }
0x125: {  	v5 =	vmul.f32 $5.000000000e-01, v5;
	_ =	sdelay $0x1  }
0x126: {  	(erf) = vrcp.f32 v5;
	_ =	sdelay $0x8  }
0x127: {  	v59 =	vpop (erf)  }
0x128: {  	v6 =	vmul.f32 v59, v4;
	_ =	sdelay $0x1  }
0x129: {  	v5 =	vadd.f32 v6, v5;
	_ =	sdelay $0x1  }
0x12a: {  	v5 =	vmul.f32 $5.000000000e-01, v5;
	_ =	sdelay $0x1  }
0x12b: {  	(erf) = vrcp.f32 v5;
	_ =	sdelay $0x8  }
0x12c: {  	v60 =	vpop (erf)  }
0x12d: {  	v6 =	vmul.f32 v60, v4;
	_ =	sdelay $0x1  }
0x12e: {  	v5 =	vadd.f32 v6, v5;
	_ =	sdelay $0x1  }
0x12f: {  	v5 =	vmul.f32 $5.000000000e-01, v5;
	_ =	sdelay $0x1  }
0x130: {  	(erf) = vrcp.f32 v5;
	_ =	sdelay $0x8  }
0x131: {  	v61 =	vpop (erf)  }
0x132: {  	v6 =	vmul.f32 v61, v4;
	_ =	sdelay $0x1  }
0x133: {  	v5 =	vadd.f32 v6, v5;
	_ =	sdelay $0x1  }
0x134: {  	v5 =	vmul.f32 $5.000000000e-01, v5;
	_ =	sdelay $0x1  }
0x135: {  	(erf) = vrcp.f32 v5;
	_ =	sdelay $0x8  }
0x136: {  	v62 =	vpop (erf)  }
0x137: {  	v6 =	vmul.f32 v62, v4;
	_ =	sdelay $0x1  }
0x138: {  	v5 =	vadd.f32 v6, v5;
	_ =	sdelay $0x1  }
0x139: {  	v5 =	vmul.f32 $5.000000000e-01, v5;
	_ =	sdelay $0x1  }
0x13a: {  	(erf) = vrcp.f32 v5;
	_ =	sdelay $0x8  }
0x13b: {  	v63 =	vpop (erf)  }
0x13c: {  	v4 =	vmul.f32 v63, v4;
	_ =	sdelay $0x1  }
0x13d: {  	v4 =	vadd.f32 v4, v5;
	_ =	sdelay $0x1  }
0x13e: {  	v4 =	vmul.f32 $5.000000000e-01, v4;
	_ =	sdelay $0x1  }
0x13f: {  	(erf) = vrcp.f32 v4;
	_ =	sdelay $0x1  }
0x140: {  	v2 =	vmul.f32 v3, v2;
	_ =	sdelay $0x1  }
0x141: {  	[tilespmem:s26+$0x2640] =	vst v2  }
0x142: {  	v2 =	vld [tilespmem:s28+$0x2640];
	_ =	sdelay $0x3  }
0x143: {  	v3 =	vpop (erf)  }
0x144: {  	v2 =	vmul.f32 v3, v2  }
0x145: {  	[tilespmem:s28+$0xDC0] =	vst v3  }
0x146: {  	[tilespmem:s28+$0x2640] =	vst v2  }
0x147: {  	[spmem:s8] =	stream.linear.scatter [tilespmem:s23], [sflag:$0x1], $0x1880, $0x38;
	[tilespmem:$0x8840] =	vst v63  }
0x148: {  	_ =	swait.ge [sflag:s19], $0x1880  }
0x149: {  	[sflag:s19] =	ssyncset.done $0x0  }
0x14a: {  	s26 =	simm.s32 @!p0 $0x0;
	s28 =	simm.s32 @!p0 $0xDC0;
	[sflag:s19] =	ssyncadd.s32 $0xFFFFE780  }
0x14b: {  	[hbm4b:s9+s26] =	stream.linear.scatter @!p0 [tilespmem:s28], [sflag:$0x1], $0x1880, $0x38;
	[tilespmem:$0x8840] =	vst v63  }
0x14c: {  	s28 =	simm.s32 @!p0 $0x1  }
0x14d: {  	_ =	swait.ge @!p0 [sflag:s28], $0x1880  }
0x14e: {  	[sflag:s28] =	ssyncset.done @!p0 $0x0  }
0x14f: {  	s29 =	simm.s32 @!p0 $0x2640;
	[sflag:s28] =	ssyncadd.s32 @!p0 $0xFFFFE780  }
0x150: {  	[hbm4b:s10+s26] =	stream.linear.scatter @!p0 [tilespmem:s29], [sflag:$0x1], $0x1880, $0x38;
	[tilespmem:$0x8840] =	vst v63  }
0x151: {  	_ =	swait.ge @!p0 [sflag:s28], $0x1880  }
0x152: {  	[sflag:s28] =	ssyncset.done @!p0 $0x0  }
0x153: {  	[sflag:s28] =	ssyncadd.s32 @!p0 $0xFFFFE780  }
0x154: {  	s30 =	sadd.s32 $0x0, s17;
	[bflag:$0x0] =	sbarrier.arrive $0xFFFF  }
0x155: {  	[tilespmem:s5], [sflag:$0x1] =	stream.linear.gather [hbm4b:s30+s5], $0x400, $0x38;
	[tilespmem:$0x8840] =	vst v63  }
0x156: {  	_ =	swait.ge [sflag:s19], $0x400  }
0x157: {  	[sflag:s19] =	ssyncset.done $0x0  }
0x158: {  	[sflag:s19] =	ssyncadd.s32 $0xFFFFFC00  }
0x159: {  	[tilespmem:s21], [sflag:$0x1] =	stream.indirect.gather [spmem:s4], $0x1, s5, s20, $0xb8;
	[tilespmem:$0x8840] =	vst v63  }
0x15a: {  	_ =	swait.ge [sflag:s19], $0x400  }
0x15b: {  	[sflag:s19] =	ssyncset.done $0x0  }
0x15c: {  	s31 =	sadd.s32 $0x0, s16;
	[sflag:s19] =	ssyncadd.s32 $0xFFFFFC00  }
0x15d: {  	[tilespmem:s20], [sflag:$0x1] =	stream.linear.gather [hbm4b:s31+s5], $0x400, $0x38;
	[tilespmem:$0x8840] =	vst v63  }
0x15e: {  	_ =	swait.ge [sflag:s19], $0x400  }
0x15f: {  	[sflag:s19] =	ssyncset.done $0x0  }
0x160: {  	[sflag:s19] =	ssyncadd.s32 $0xFFFFFC00  }
0x161: {  	[spmem:s3] =	stream.indirect.scatter.add.f32 [tilespmem:s21], [sflag:$0x1], $0x1, s20, s20, $0xb8;
	[tilespmem:$0x8840] =	vst v63  }
0x162: {  	_ =	swait.ge [sflag:s19], $0x400  }
0x163: {  	s26 =	simm.s32 $0x80;
	s28 =	simm.s32 $0x100;
	[sflag:s19] =	ssyncset.done $0x0  }
.LBB2_10:
0x164: {  	s29 =	sadd.s32 s26, s17  }
0x165: {  	[sflag:s19] =	ssyncadd.s32 $0xFFFFFC00;
	s30 =	smov.u32 s28;
	s31 =	sadd.s32 $0x80, s28  }
0x166: {  	[tilespmem:s5], [sflag:$0x1] =	stream.linear.gather [hbm4b:s29+s5], $0x400, $0x38;
	[tilespmem:$0x8840] =	vst v63  }
0x167: {  	p1 =	sne.s32 s28, $0x1800;
	_ =	swait.ge [sflag:s19], $0x400  }
0x168: {  	[sflag:s19] =	ssyncset.done $0x0  }
0x169: {  	[sflag:s19] =	ssyncadd.s32 $0xFFFFFC00  }
0x16a: {  	[tilespmem:s21], [sflag:$0x1] =	stream.indirect.gather [spmem:s4], $0x1, s5, s20, $0xb8;
	[tilespmem:$0x8840] =	vst v63  }
0x16b: {  	_ =	swait.ge [sflag:s19], $0x400  }
0x16c: {  	[sflag:s19] =	ssyncset.done $0x0  }
0x16d: {  	s28 =	sadd.s32 s26, s16;
	s26 =	smov.u32 s30;
	[sflag:s19] =	ssyncadd.s32 $0xFFFFFC00  }
0x16e: {  	[tilespmem:s20], [sflag:$0x1] =	stream.linear.gather [hbm4b:s28+s5], $0x400, $0x38;
	[tilespmem:$0x8840] =	vst v63  }
0x16f: {  	_ =	swait.ge [sflag:s19], $0x400  }
.Ltmp4:
0x170: {  	[sflag:s19] =	ssyncset.done $0x0;
	(pc) =	sbr.rel @p1 .LBB2_10-.Ltmp4, $4  }
0x171: {  	[sflag:s19] =	ssyncadd.s32 $0xFFFFFC00  }
0x172: {  	[spmem:s3] =	stream.indirect.scatter.add.f32 [tilespmem:s21], [sflag:$0x1], $0x1, s20, s20, $0xb8;
	[tilespmem:$0x8840] =	vst v63  }
0x173: {  	_ =	swait.ge [sflag:s19], $0x400  }
0x174: {  	s28 =	smov.u32 s31;
	[sflag:s19] =	ssyncset.done $0x0  }
0x175: {  	s28 =	sadd.s32 s26, s17;
	[sflag:s19] =	ssyncadd.s32 $0xFFFFFC00  }
0x176: {  	[tilespmem:s5], [sflag:$0x1] =	stream.linear.gather [hbm4b:s28+s5], $0x400, $0x38;
	[tilespmem:$0x8840] =	vst v63  }
0x177: {  	_ =	swait.ge [sflag:s19], $0x400  }
0x178: {  	[sflag:s19] =	ssyncset.done $0x0  }
0x179: {  	[sflag:s19] =	ssyncadd.s32 $0xFFFFFC00  }
0x17a: {  	[tilespmem:s21], [sflag:$0x1] =	stream.indirect.gather [spmem:s4], $0x1, s5, s20, $0xb8;
	[tilespmem:$0x8840] =	vst v63  }
0x17b: {  	_ =	swait.ge [sflag:s19], $0x400  }
0x17c: {  	[sflag:s19] =	ssyncset.done $0x0  }
0x17d: {  	s30 =	sadd.s32 s26, s16;
	[sflag:s19] =	ssyncadd.s32 $0xFFFFFC00  }
0x17e: {  	[tilespmem:s20], [sflag:$0x1] =	stream.linear.gather [hbm4b:s30+s5], $0x400, $0x38;
	[tilespmem:$0x8840] =	vst v63  }
0x17f: {  	_ =	swait.ge [sflag:s19], $0x400  }
0x180: {  	[sflag:s19] =	ssyncset.done $0x0  }
0x181: {  	[sflag:s19] =	ssyncadd.s32 $0xFFFFFC00  }
0x182: {  	[spmem:s3] =	stream.indirect.scatter.add.f32 [tilespmem:s21], [sflag:$0x1], $0x1, s20, s20, $0xb8;
	[tilespmem:$0x8840] =	vst v63  }
0x183: {  	_ =	swait.ge [sflag:s19], $0x400  }
0x184: {  	s25 =	sadd.s32 $0x1, s25;
	[sflag:s19] =	ssyncset.done $0x0  }
0x185: {  	s31 =	sshll.u32 s0, $0x6;
	p1 =	sne.s32 s25, s12;
	[sflag:s19] =	ssyncadd.s32 $0xFFFFFC00  }
.Ltmp5:
0x186: {  	s26 =	sor.u32 $0x1C01, s31;
	[bflag:$0x0] =	sbarrier.arrive $0xFFFF;
	(pc) =	sbr.rel @p1 .LBB2_1-.Ltmp5, $4  }
0x187: {  	[hbm:s11], [sflag:s26] =	dma.local [spmem:s24], $0x310  }
0x188: {  	_ =	swait.ge [sflag:s19], $0x310  }
0x189: {  	[sflag:s19] =	ssyncset.done $0x0  }
0x18a: {  	[sflag:s19] =	ssyncadd.s32 $0xFFFFFCF0  }
0x18b: {  	_ =	sfence.sel $0x180000  }
0x18c: {  	[bflag:$0x0] =	sbarrier.arrive $0xFFFF  }
0x18d: {  	p0 =	sne.s32 s0, $0x0;
	_ =	strace $0x90000047  }
0x18e: {  	s0 =	sadd.s32 @!p0 $0x100000, s2;
	[bflag:$0x2] =	sbarrier.arrive $0xFFFF  }
0x18f: {  	[sflag:s0] =	ssyncadd.tile.s32 @!p0 $0x1;
	_ =	shalt  }
.Lfunc_end2:
_tile_overlayer_lowered:
.L_overlay_start_2:
0x190: {  	(tag) =	ssettag $0x2  }
0x191: {  	s0 =	rddreg [dreg:$0x0];
	s2 =	stileid.u32  }
0x192: {  	s1 =	rddreg [dreg:$0x1];
	p0 =	sne.s32 s2, $0x0  }
0x193: {  	s3 =	rddreg [dreg:$0x2];
	[bflag:$0x3] =	sbarrier.arrive $0xFFFF;
	s2 =	simm.s32 @!p0 $0x1C01  }
0x194: {  	[timem:s3], [sflag:s2] =	dma.local @!p0 [hbm:s0], s1  }
0x195: {  	s0 =	simm.s32 @!p0 $0x1  }
0x196: {  	_ =	swait.ge @!p0 [sflag:s0], s1  }
0x197: {  	s1 =	ssub.s32 @!p0 $0x0, s1;
	[sflag:s0] =	ssyncset.done @!p0 $0x0  }
0x198: {  	[sflag:s0] =	ssyncadd.s32 @!p0 s1  }
0x199: {  	[bflag:$0x3] =	sbarrier.arrive $0xFFFF  }
0x19a: {  	_ =	shalt  }

</sc_bundles>
